<compile_context>
chip_gen: v7x
topology: tpu7x:2x2x1
jax: 0.10.2.dev20260603
libtpu: 0.0.44.dev20260713+nightly
codegen_flags: <defaults>
</compile_context>

<pallas_src>
import functools

import jax
import jax.numpy as jnp
from jax import lax
from jax.experimental import pallas as pl
from jax.experimental.pallas import tpu as pltpu

_B = 4
_N = 8192
_P = 1024
_K = 32
_R2 = 0.2 ** 2
_OUT = 64
_TP = 128
_MROWS = 2048


_FS = 8
_FL = _N // _FS


def _red2(op, x):
    return op(op(x, axis=2, keepdims=True), axis=1, keepdims=True)


def _fps_body(px_ref, py_ref, pz_ref, cx_ref, cy_ref, cz_ref, dist_ref):
    px = px_ref[...]
    py = py_ref[...]
    pz = pz_ref[...]
    sub = lax.broadcasted_iota(jnp.int32, (_B, _FS, _FL), 1)
    lan = lax.broadcasted_iota(jnp.int32, (_B, _FS, _FL), 2)
    ion = sub * _FL + lan
    plane = lax.broadcasted_iota(jnp.int32, (_B, _P), 1)

    p0x = px[:, 0:1, 0:1]
    p0y = py[:, 0:1, 0:1]
    p0z = pz[:, 0:1, 0:1]
    dx = px - p0x
    dy = py - p0y
    dz = pz - p0z
    dist_ref[...] = (dx * dx + dy * dy) + dz * dz
    zmask = plane == 0
    cx_ref[...] = jnp.where(zmask, p0x[:, :, 0], 0.0)
    cy_ref[...] = jnp.where(zmask, p0y[:, :, 0], 0.0)
    cz_ref[...] = jnp.where(zmask, p0z[:, :, 0], 0.0)

    def body(i, _):
        dist = dist_ref[...]
        maxv = _red2(jnp.max, dist)
        idx = _red2(jnp.min, jnp.where(dist == maxv, ion, _N))
        oh = ion == idx
        cx = _red2(jnp.sum, jnp.where(oh, px, 0.0))
        cy = _red2(jnp.sum, jnp.where(oh, py, 0.0))
        cz = _red2(jnp.sum, jnp.where(oh, pz, 0.0))
        ddx = px - cx
        ddy = py - cy
        ddz = pz - cz
        d = (ddx * ddx + ddy * ddy) + ddz * ddz
        dist_ref[...] = jnp.minimum(dist, d)
        sm = plane == i
        cx_ref[...] += jnp.where(sm, cx[:, :, 0], 0.0)
        cy_ref[...] += jnp.where(sm, cy[:, :, 0], 0.0)
        cz_ref[...] += jnp.where(sm, cz[:, :, 0], 0.0)
        return 0

    lax.fori_loop(1, _P, body, 0)


def _mlp_body(x_ref, w1_ref, b1_ref, w2_ref, b2_ref, o_ref):
    i = pl.program_id(0)
    o_ref[...] = jnp.zeros_like(o_ref)

    @pl.when(i < _B * _N // _MROWS)
    def _():
        x = x_ref[...]
        a = jnp.dot(x, w1_ref[...], preferred_element_type=jnp.float32)
        a = jnp.maximum(a + b1_ref[...], 0.0)
        o = jnp.dot(a, w2_ref[...], preferred_element_type=jnp.float32)
        o_ref[:, :_OUT] = jnp.maximum(o + b2_ref[...], 0.0)


_SENT = _B * _N


def _select_body(c8_ref, c2_ref, pT_ref, p2_ref, col_ref, sg_ref):
    b = pl.program_id(0)
    c8 = c8_ref[0]
    pT = pT_ref[0]
    cp = jnp.dot(c8, pT, preferred_element_type=jnp.float32)
    d2 = (c2_ref[0, 0][:, None] + p2_ref[0, 0][None, :]) - 2.0 * cp
    inf = jnp.float32(jnp.inf)
    key = jnp.where(d2 <= _R2, d2, inf)
    lane = lax.broadcasted_iota(jnp.int32, (_TP, _N), 1)
    fallback = None
    for k in range(_K):
        minv = jnp.min(key, axis=1, keepdims=True)
        valid = minv[:, 0] < inf
        idx = jnp.min(jnp.where(key == minv, lane, _N), axis=1)
        g = idx + b * _N
        if k == 0:
            fallback = jnp.where(valid, g, _SENT)
        col_ref[0, k, :] = jnp.where(valid, g, -1)
        sg_ref[0, k, :] = jnp.where(valid, g, fallback)
        key = jnp.where(lane == idx[:, None], inf, key)


_NC = 2
_NS = 16
_NW = _NC * _NS
_CPW = _B * _P // _NW
_CCH = 4
_NCH = _CPW // _CCH
_ROWS = _CCH * _K


def _sc_gather_max(table, gidx3):
    from jax.experimental.pallas import tpu_sc as plsc

    mesh = plsc.VectorSubcoreMesh(core_axis_name="c", subcore_axis_name="s")

    @functools.partial(
        pl.kernel,
        mesh=mesh,
        out_type=jax.ShapeDtypeStruct((_B * _P, _OUT), jnp.float32),
        scratch_types=[
            pltpu.VMEM((_NCH, _ROWS), jnp.int32),
            pltpu.VMEM((_ROWS, 128), jnp.float32),
            pltpu.VMEM((_CPW, _OUT), jnp.float32),
            pltpu.SemaphoreType.DMA,
        ],
    )
    def k(table_hbm, gidx_hbm, out_hbm, idx_v, rows_v, out_v, sem):
        wid = lax.axis_index("s") * _NC + lax.axis_index("c")
        pltpu.sync_copy(gidx_hbm.at[wid], idx_v)

        def chunk(ci, _):
            pltpu.async_copy(table_hbm.at[idx_v.at[ci]], rows_v, sem).wait()

            def cent(j, _):
                base = j * _K
                for g in range(_OUT // 16):
                    sl = pl.ds(g * 16, 16)
                    acc = rows_v[base, sl]
                    for r in range(1, _K):
                        acc = jnp.maximum(acc, rows_v[base + r, sl])
                    out_v[ci * _CCH + j, sl] = acc
                return 0

            lax.fori_loop(0, _CCH, cent, 0)
            return 0

        lax.fori_loop(0, _NCH, chunk, 0)
        pltpu.sync_copy(out_v, out_hbm.at[pl.ds(wid * _CPW, _CPW)])

    return k(table, gidx3)


def kernel(pos, h, batch_indices, W1, b1, W2, b2):
    del batch_indices
    posB = pos.reshape(_B, _N, 3)
    px = posB[:, :, 0]
    py = posB[:, :, 1]
    pz = posB[:, :, 2]

    cx, cy, cz = pl.pallas_call(
        _fps_body,
        out_shape=[jax.ShapeDtypeStruct((_B, _P), jnp.float32)] * 3,
        scratch_shapes=[pltpu.VMEM((_B, _FS, _FL), jnp.float32)],
    )(px.reshape(_B, _FS, _FL), py.reshape(_B, _FS, _FL),
      pz.reshape(_B, _FS, _FL))
    centroids = jnp.stack([cx, cy, cz], axis=-1)

    hB = h.reshape(_B, _N, -1)
    feat = jnp.concatenate([hB, posB], axis=-1).reshape(_B * _N, 6)
    featp = jnp.concatenate(
        [feat, jnp.zeros((_B * _N, 2), jnp.float32)], axis=-1)
    W1p = jnp.concatenate([W1, jnp.zeros((2, _OUT), W1.dtype)], axis=0)
    nblk = _B * _N // _MROWS
    table = pl.pallas_call(
        _mlp_body,
        grid=(nblk + 1,),
        in_specs=[
            pl.BlockSpec((_MROWS, 8), lambda i: (jnp.minimum(i, nblk - 1), 0)),
            pl.BlockSpec((8, _OUT), lambda i: (0, 0)),
            pl.BlockSpec((1, _OUT), lambda i: (0, 0)),
            pl.BlockSpec((_OUT, _OUT), lambda i: (0, 0)),
            pl.BlockSpec((1, _OUT), lambda i: (0, 0)),
        ],
        out_specs=pl.BlockSpec((_MROWS, 128), lambda i: (i, 0)),
        out_shape=jax.ShapeDtypeStruct((_B * _N + _MROWS, 128), jnp.float32),
    )(featp, W1p, b1[None, :], W2, b2[None, :])

    c8 = jnp.concatenate(
        [centroids, jnp.zeros((_B, _P, 5), jnp.float32)], axis=-1)
    c2 = jnp.sum(centroids ** 2, -1)
    p2 = jnp.sum(posB ** 2, -1)
    pT = jnp.moveaxis(posB, 2, 1)
    pT8 = jnp.concatenate([pT, jnp.zeros((_B, 5, _N), jnp.float32)], axis=1)

    nt = _P // _TP
    colT, sgT = pl.pallas_call(
        _select_body,
        grid=(_B, nt),
        in_specs=[
            pl.BlockSpec((1, _TP, 8), lambda b, t: (b, t, 0)),
            pl.BlockSpec((1, 1, _TP), lambda b, t: (b * nt + t, 0, 0)),
            pl.BlockSpec((1, 8, _N), lambda b, t: (b, 0, 0)),
            pl.BlockSpec((1, 1, _N), lambda b, t: (b, 0, 0)),
        ],
        out_specs=[
            pl.BlockSpec((1, _K, _TP), lambda b, t: (b * nt + t, 0, 0)),
            pl.BlockSpec((1, _K, _TP), lambda b, t: (b * nt + t, 0, 0)),
        ],
        out_shape=[
            jax.ShapeDtypeStruct((_B * nt, _K, _TP), jnp.int32),
            jax.ShapeDtypeStruct((_B * nt, _K, _TP), jnp.int32),
        ],
    )(c8, c2.reshape(_B * nt, 1, _TP), pT8, p2.reshape(_B, 1, _N))

    col = jnp.transpose(colT.reshape(_B, nt, _K, _TP), (0, 1, 3, 2)).reshape(-1)
    sg = jnp.transpose(sgT.reshape(_B, nt, _K, _TP), (0, 1, 3, 2)).reshape(-1)

    new_h = _sc_gather_max(table, sg.reshape(_NW, _NCH, _ROWS))
    new_h = new_h.reshape(_B, _P, _OUT)

    row = jnp.repeat(jnp.arange(_B * _P, dtype=jnp.int32), _K)
    edge_index = jnp.stack([row, col], axis=0)
    centroids_batch = jnp.repeat(jnp.arange(_B, dtype=jnp.int32), _P)
    return (centroids, new_h, centroids_batch, edge_index)

# --- scband reference (transcript-rebuilt; emitter-appended) ---
"""Pipeline reference for scband-set-abstraction-layer-71330816852083 (READ-ONLY COPY).

The authoritative reference and input builder live on the scoring server;
editing this copy changes nothing except your own understanding.
"""

import jax, jax.numpy as jnp
import numpy as np

B = 4
N = 8192
N_POINTS = 1024
K = 32
RADIUS = 0.2
IN_CH = 3
OUT_CH = 64


def setup_inputs(seed: int = 0) -> dict:
    key = jax.random.key(seed)
    k1, k2, k3, k4 = jax.random.split(key, 4)
    pos = jax.random.uniform(k1, (B, N, 3), dtype=jnp.float32)
    h = jax.random.normal(k2, (B * N, IN_CH), dtype=jnp.float32)
    batch_indices = jnp.repeat(jnp.arange(B, dtype=jnp.int32), N)
    # PointNetLayer params: 2-layer MLP on [h, pos]
    W1 = jax.random.normal(k3, (IN_CH + 3, OUT_CH), dtype=jnp.float32) * 0.1
    b1 = jnp.zeros((OUT_CH,), dtype=jnp.float32)
    W2 = jax.random.normal(k4, (OUT_CH, OUT_CH), dtype=jnp.float32) * 0.1
    b2 = jnp.zeros((OUT_CH,), dtype=jnp.float32)
    return {"pos": pos, "h": h, "batch_indices": batch_indices,
            "W1": W1, "b1": b1, "W2": W2, "b2": b2}


def _fps(posB, n_points):
    # farthest point sampling per batch (batches are contiguous, equal-sized)
    Bn, Nn, _ = posB.shape
    sel0 = jnp.zeros((Bn, n_points), dtype=jnp.int32)
    d0 = jnp.sum((posB - posB[:, :1, :]) ** 2, axis=-1)  # dist to point 0

    def body(i, state):
        sel, dist = state
        idx = jnp.argmax(dist, axis=1).astype(jnp.int32)
        sel = sel.at[:, i].set(idx)
        newp = jnp.take_along_axis(posB, idx[:, None, None], axis=1)  # [B,1,3]
        d = jnp.sum((posB - newp) ** 2, axis=-1)
        dist = jnp.minimum(dist, d)
        return (sel, dist)

    sel, _ = jax.lax.fori_loop(1, n_points, body, (sel0, d0))
    return sel


def reference(pos, h, batch_indices, W1, b1, W2, b2):
    Bn = pos.shape[0]
    pos_flat = pos.reshape(-1, 3)
    Nn = pos_flat.shape[0] // Bn
    posB = pos_flat.reshape(Bn, Nn, 3)

    # --- fps (nondifferentiable, like torch_cluster.fps) ---
    sel = _fps(jax.lax.stop_gradient(posB), N_POINTS)  # [B,P] local indices
    centroids = jnp.take_along_axis(posB, sel[..., None], axis=1)  # [B,P,3]
    centroids_batch = jnp.repeat(jnp.arange(Bn, dtype=jnp.int32), N_POINTS)

    # --- radius neighbor search with max_num_neighbors cap ---
    c = jax.lax.stop_gradient(centroids)
    p = jax.lax.stop_gradient(posB)
    d2 = (jnp.sum(c ** 2, -1)[:, :, None] + jnp.sum(p ** 2, -1)[:, None, :]
          - 2.0 * jnp.einsum('bpc,bnc->bpn', c, p))  # [B,P,N]
    neg = jnp.where(d2 <= RADIUS ** 2, -d2, -jnp.inf)
    vals, nbr = jax.lax.top_k(neg, K)  # nearest K within radius
    valid = jnp.isfinite(vals)  # [B,P,K]

    # --- PointNetLayer: per-point MLP on concat([h, pos]) ---
    hB = h.reshape(Bn, Nn, -1)
    feat = jnp.concatenate([hB, posB], axis=-1)
    a = jax.nn.relu(feat @ W1 + b1)
    agg = jax.nn.relu(a @ W2 + b2)  # [B,N,OUT_CH]

    # --- max aggregation over radius neighbors per centroid ---
    nb = agg[jnp.arange(Bn)[:, None, None], nbr]  # [B,P,K,OUT_CH]
    masked = jnp.where(valid[..., None], nb, -jnp.inf)
    mx = jnp.max(masked, axis=2)
    any_valid = jnp.any(valid, axis=-1)
    new_h = jnp.where(any_valid[..., None], mx, 0.0)  # [B,P,OUT_CH]

    # edge_index (fixed-size; invalid cols marked -1)
    row = jnp.repeat(jnp.arange(Bn * N_POINTS, dtype=jnp.int32), K)
    col_local = nbr + (jnp.arange(Bn, dtype=jnp.int32) * Nn)[:, None, None]
    col = jnp.where(valid, col_local, -1).reshape(-1)
    edge_index = jnp.stack([row, col], axis=0)

    return (centroids, new_h, centroids_batch, edge_index)

if __name__ == "__main__":
    import jax
    _d = setup_inputs()
    print(jax.jit(kernel)(*tuple(_d.values())))

</pallas_src>

<mosaic_0001>
#map = affine_map<(d0, d1) -> (0, 0)>
#map1 = affine_map<(d0, d1) -> (0, 0, 0)>
module attributes {stable_mosaic.version = 14 : i64} {
  func.func @k(%arg0: i32, %arg1: i32, %arg2: memref<34816x128xf32, #tpu.memory_space<hbm>>, %arg3: memref<32x32x128xi32, #tpu.memory_space<hbm>>, %arg4: memref<4096x64xf32, #tpu.memory_space<hbm>>, %arg5: memref<32x128xi32, #tpu.memory_space<vmem>>, %arg6: memref<128x128xf32, #tpu.memory_space<vmem>>, %arg7: memref<128x64xf32, #tpu.memory_space<vmem>>, %arg8: memref<!tpu.dma_semaphore, #tpu.memory_space<semaphore_mem>>) attributes {dimension_semantics = [#tpu.dimension_semantics<core_parallel>, #tpu.dimension_semantics<subcore_parallel>], iteration_bounds = array<i64: 2, 16>, scalar_prefetch = 0 : i64, scratch_operands = 4 : i64, tpu.core_type = #tpu.core_type<sc_vector_subcore>, window_params = [{transform_indices = #map}, {transform_indices = #map1}, {transform_indices = #map}]} {
    %mul3A = arith.constant 2 : i32
    %mul3A_0 = arith.muli %arg1, %mul3A : i32
    %add3A = arith.addi %mul3A_0, %arg0 : i32
    "tpu.region"() ({
      %run_scoped3A = tpu.sem_alloc : memref<!tpu.dma_semaphore, #tpu.memory_space<semaphore_mem>>
      %dma_start3A = arith.constant 0 : i32
      %dma_start3A_9 = arith.constant 0 : i32
      %dma_start3A_10 = tpu.memref_slice %arg3[%add3A, %dma_start3A, %dma_start3A_9] : memref<32x32x128xi32, #tpu.memory_space<hbm>> -> memref<1x32x128xi32, #tpu.memory_space<hbm>>
      %dma_start3A_11 = tpu.memref_squeeze %dma_start3A_10 : memref<1x32x128xi32, #tpu.memory_space<hbm>> -> memref<32x128xi32, #tpu.memory_space<hbm>>
      %dma_start3A_12 = arith.constant 0 : i32
      %dma_start3A_13 = arith.constant 0 : i32
      %dma_start3A_14 = tpu.memref_slice %arg3[%add3A, %dma_start3A_12, %dma_start3A_13] : memref<32x32x128xi32, #tpu.memory_space<hbm>> -> memref<1x32x128xi32, #tpu.memory_space<hbm>>
      %dma_start3A_15 = tpu.memref_squeeze %dma_start3A_14 : memref<1x32x128xi32, #tpu.memory_space<hbm>> -> memref<32x128xi32, #tpu.memory_space<hbm>>
      tpu.enqueue_dma source(%dma_start3A_15 : memref<32x128xi32, #tpu.memory_space<hbm>>) target(%arg5 : memref<32x128xi32, #tpu.memory_space<vmem>>) target_semaphore(%run_scoped3A : memref<!tpu.dma_semaphore, #tpu.memory_space<semaphore_mem>>)
      %dma_wait3A = arith.constant 0 : i32
      %dma_wait3A_16 = arith.constant 0 : i32
      %dma_wait3A_17 = tpu.memref_slice %arg3[%add3A, %dma_wait3A, %dma_wait3A_16] : memref<32x32x128xi32, #tpu.memory_space<hbm>> -> memref<1x32x128xi32, #tpu.memory_space<hbm>>
      %dma_wait3A_18 = tpu.memref_squeeze %dma_wait3A_17 : memref<1x32x128xi32, #tpu.memory_space<hbm>> -> memref<32x128xi32, #tpu.memory_space<hbm>>
      %dma_wait3A_19 = arith.constant 0 : i32
      %dma_wait3A_20 = arith.constant 0 : i32
      %dma_wait3A_21 = tpu.memref_slice %arg3[%add3A, %dma_wait3A_19, %dma_wait3A_20] : memref<32x32x128xi32, #tpu.memory_space<hbm>> -> memref<1x32x128xi32, #tpu.memory_space<hbm>>
      %dma_wait3A_22 = tpu.memref_squeeze %dma_wait3A_21 : memref<1x32x128xi32, #tpu.memory_space<hbm>> -> memref<32x128xi32, #tpu.memory_space<hbm>>
      tpu.wait_dma2 semaphore(%run_scoped3A : memref<!tpu.dma_semaphore, #tpu.memory_space<semaphore_mem>>) src(%dma_wait3A_22 : memref<32x128xi32, #tpu.memory_space<hbm>>) dst(%arg5 : memref<32x128xi32, #tpu.memory_space<vmem>>)
      tpu.yield
    }) : () -> ()
    %scan3A = arith.constant 0 : i32
    %scan3A_1 = arith.constant 0 : i32
    %scan3A_2 = arith.constant 32 : i32
    %scan3A_3 = arith.addi %scan3A_1, %scan3A_2 : i32
    %scan3A_4 = arith.constant 1 : i32
    %scan3A_5 = scf.for %scan3A_9 = %scan3A_1 to %scan3A_3 step %scan3A_4 iter_args(%scan3A_10 = %scan3A) -> (i32)  : i32 {
      %dma_start3A = arith.constant 0 : i32
      %dma_start3A_11 = tpu.memref_slice %arg5[%scan3A_9, %dma_start3A] : memref<32x128xi32, #tpu.memory_space<vmem>> -> memref<1x128xi32, #tpu.memory_space<vmem>>
      %dma_start3A_12 = tpu.memref_squeeze %dma_start3A_11 : memref<1x128xi32, #tpu.memory_space<vmem>> -> memref<128xi32, #tpu.memory_space<vmem>>
      %dma_start3A_13 = arith.constant 0 : i32
      %dma_start3A_14 = arith.constant 0 : i32
      %dma_start3A_15 = tpu.memref_slice %arg2[%dma_start3A_13, %dma_start3A_14] : memref<34816x128xf32, #tpu.memory_space<hbm>> -> memref<34816x128xf32, #tpu.memory_space<hbm>>
      tpu.enqueue_indirect_dma source(%dma_start3A_15 : memref<34816x128xf32, #tpu.memory_space<hbm>>) target(%arg6 : memref<128x128xf32, #tpu.memory_space<vmem>>) offsets(%dma_start3A_12 : memref<128xi32, #tpu.memory_space<vmem>>) semaphore(%arg8 : memref<!tpu.dma_semaphore, #tpu.memory_space<semaphore_mem>>)
      %dma_wait3A = arith.constant 0 : i32
      %dma_wait3A_16 = tpu.memref_slice %arg5[%scan3A_9, %dma_wait3A] : memref<32x128xi32, #tpu.memory_space<vmem>> -> memref<1x128xi32, #tpu.memory_space<vmem>>
      %dma_wait3A_17 = tpu.memref_squeeze %dma_wait3A_16 : memref<1x128xi32, #tpu.memory_space<vmem>> -> memref<128xi32, #tpu.memory_space<vmem>>
      %dma_wait3A_18 = arith.constant 0 : i32
      %dma_wait3A_19 = arith.constant 0 : i32
      %dma_wait3A_20 = tpu.memref_slice %arg2[%dma_wait3A_18, %dma_wait3A_19] : memref<34816x128xf32, #tpu.memory_space<hbm>> -> memref<34816x128xf32, #tpu.memory_space<hbm>>
      tpu.wait_indirect_dma semaphore(%arg8 : memref<!tpu.dma_semaphore, #tpu.memory_space<semaphore_mem>>) src(%dma_wait3A_20 : memref<34816x128xf32, #tpu.memory_space<hbm>>) dst(%arg6 : memref<128x128xf32, #tpu.memory_space<vmem>>)
      %scan3A_21 = arith.constant 0 : i32
      %scan3A_22 = arith.constant 0 : i32
      %scan3A_23 = arith.constant 4 : i32
      %scan3A_24 = arith.addi %scan3A_22, %scan3A_23 : i32
      %scan3A_25 = arith.constant 1 : i32
      %scan3A_26 = scf.for %scan3A_29 = %scan3A_22 to %scan3A_24 step %scan3A_25 iter_args(%scan3A_30 = %scan3A_21) -> (i32)  : i32 {
        %mul3A_31 = arith.constant 32 : i32
        %mul3A_32 = arith.muli %scan3A_29, %mul3A_31 : i32
        %get3A = arith.index_cast %mul3A_32 : i32 to index
        %get3A_33 = arith.constant 0 : index
        %get3A_34 = tpu.vector_load %arg6[%get3A, %get3A_33] {strides = array<i32>} : memref<128x128xf32, #tpu.memory_space<vmem>>, vector<1x16xf32>,
        %get3A_35 = vector.shape_cast %get3A_34 : vector<1x16xf32> to vector<16xf32>
        %add3A_36 = arith.constant 1 : i32
        %add3A_37 = arith.addi %mul3A_32, %add3A_36 : i32
        %get3A_38 = arith.index_cast %add3A_37 : i32 to index
        %get3A_39 = arith.constant 0 : index
        %get3A_40 = tpu.vector_load %arg6[%get3A_38, %get3A_39] {strides = array<i32>} : memref<128x128xf32, #tpu.memory_space<vmem>>, vector<1x16xf32>,
        %get3A_41 = vector.shape_cast %get3A_40 : vector<1x16xf32> to vector<16xf32>
        %max3A = arith.maximumf %get3A_35, %get3A_41 : vector<16xf32>
        %add3A_42 = arith.constant 2 : i32
        %add3A_43 = arith.addi %mul3A_32, %add3A_42 : i32
        %get3A_44 = arith.index_cast %add3A_43 : i32 to index
        %get3A_45 = arith.constant 0 : index
        %get3A_46 = tpu.vector_load %arg6[%get3A_44, %get3A_45] {strides = array<i32>} : memref<128x128xf32, #tpu.memory_space<vmem>>, vector<1x16xf32>,
        %get3A_47 = vector.shape_cast %get3A_46 : vector<1x16xf32> to vector<16xf32>
        %max3A_48 = arith.maximumf %max3A, %get3A_47 : vector<16xf32>
        %add3A_49 = arith.constant 3 : i32
        %add3A_50 = arith.addi %mul3A_32, %add3A_49 : i32
        %get3A_51 = arith.index_cast %add3A_50 : i32 to index
        %get3A_52 = arith.constant 0 : index
        %get3A_53 = tpu.vector_load %arg6[%get3A_51, %get3A_52] {strides = array<i32>} : memref<128x128xf32, #tpu.memory_space<vmem>>, vector<1x16xf32>,
        %get3A_54 = vector.shape_cast %get3A_53 : vector<1x16xf32> to vector<16xf32>
        %max3A_55 = arith.maximumf %max3A_48, %get3A_54 : vector<16xf32>
        %add3A_56 = arith.constant 4 : i32
        %add3A_57 = arith.addi %mul3A_32, %add3A_56 : i32
        %get3A_58 = arith.index_cast %add3A_57 : i32 to index
        %get3A_59 = arith.constant 0 : index
        %get3A_60 = tpu.vector_load %arg6[%get3A_58, %get3A_59] {strides = array<i32>} : memref<128x128xf32, #tpu.memory_space<vmem>>, vector<1x16xf32>,
        %get3A_61 = vector.shape_cast %get3A_60 : vector<1x16xf32> to vector<16xf32>
        %max3A_62 = arith.maximumf %max3A_55, %get3A_61 : vector<16xf32>
        %add3A_63 = arith.constant 5 : i32
        %add3A_64 = arith.addi %mul3A_32, %add3A_63 : i32
        %get3A_65 = arith.index_cast %add3A_64 : i32 to index
        %get3A_66 = arith.constant 0 : index
        %get3A_67 = tpu.vector_load %arg6[%get3A_65, %get3A_66] {strides = array<i32>} : memref<128x128xf32, #tpu.memory_space<vmem>>, vector<1x16xf32>,
        %get3A_68 = vector.shape_cast %get3A_67 : vector<1x16xf32> to vector<16xf32>
        %max3A_69 = arith.maximumf %max3A_62, %get3A_68 : vector<16xf32>
        %add3A_70 = arith.constant 6 : i32
        %add3A_71 = arith.addi %mul3A_32, %add3A_70 : i32
        %get3A_72 = arith.index_cast %add3A_71 : i32 to index
        %get3A_73 = arith.constant 0 : index
        %get3A_74 = tpu.vector_load %arg6[%get3A_72, %get3A_73] {strides = array<i32>} : memref<128x128xf32, #tpu.memory_space<vmem>>, vector<1x16xf32>,
        %get3A_75 = vector.shape_cast %get3A_74 : vector<1x16xf32> to vector<16xf32>
        %max3A_76 = arith.maximumf %max3A_69, %get3A_75 : vector<16xf32>
        %add3A_77 = arith.constant 7 : i32
        %add3A_78 = arith.addi %mul3A_32, %add3A_77 : i32
        %get3A_79 = arith.index_cast %add3A_78 : i32 to index
        %get3A_80 = arith.constant 0 : index
        %get3A_81 = tpu.vector_load %arg6[%get3A_79, %get3A_80] {strides = array<i32>} : memref<128x128xf32, #tpu.memory_space<vmem>>, vector<1x16xf32>,
        %get3A_82 = vector.shape_cast %get3A_81 : vector<1x16xf32> to vector<16xf32>
        %max3A_83 = arith.maximumf %max3A_76, %get3A_82 : vector<16xf32>
        %add3A_84 = arith.constant 8 : i32
        %add3A_85 = arith.addi %mul3A_32, %add3A_84 : i32
        %get3A_86 = arith.index_cast %add3A_85 : i32 to index
        %get3A_87 = arith.constant 0 : index
        %get3A_88 = tpu.vector_load %arg6[%get3A_86, %get3A_87] {strides = array<i32>} : memref<128x128xf32, #tpu.memory_space<vmem>>, vector<1x16xf32>,
        %get3A_89 = vector.shape_cast %get3A_88 : vector<1x16xf32> to vector<16xf32>
        %max3A_90 = arith.maximumf %max3A_83, %get3A_89 : vector<16xf32>
        %add3A_91 = arith.constant 9 : i32
        %add3A_92 = arith.addi %mul3A_32, %add3A_91 : i32
        %get3A_93 = arith.index_cast %add3A_92 : i32 to index
        %get3A_94 = arith.constant 0 : index
        %get3A_95 = tpu.vector_load %arg6[%get3A_93, %get3A_94] {strides = array<i32>} : memref<128x128xf32, #tpu.memory_space<vmem>>, vector<1x16xf32>,
        %get3A_96 = vector.shape_cast %get3A_95 : vector<1x16xf32> to vector<16xf32>
        %max3A_97 = arith.maximumf %max3A_90, %get3A_96 : vector<16xf32>
        %add3A_98 = arith.constant 10 : i32
        %add3A_99 = arith.addi %mul3A_32, %add3A_98 : i32
        %get3A_100 = arith.index_cast %add3A_99 : i32 to index
        %get3A_101 = arith.constant 0 : index
        %get3A_102 = tpu.vector_load %arg6[%get3A_100, %get3A_101] {strides = array<i32>} : memref<128x128xf32, #tpu.memory_space<vmem>>, vector<1x16xf32>,
        %get3A_103 = vector.shape_cast %get3A_102 : vector<1x16xf32> to vector<16xf32>
        %max3A_104 = arith.maximumf %max3A_97, %get3A_103 : vector<16xf32>
        %add3A_105 = arith.constant 11 : i32
        %add3A_106 = arith.addi %mul3A_32, %add3A_105 : i32
        %get3A_107 = arith.index_cast %add3A_106 : i32 to index
        %get3A_108 = arith.constant 0 : index
        %get3A_109 = tpu.vector_load %arg6[%get3A_107, %get3A_108] {strides = array<i32>} : memref<128x128xf32, #tpu.memory_space<vmem>>, vector<1x16xf32>,
        %get3A_110 = vector.shape_cast %get3A_109 : vector<1x16xf32> to vector<16xf32>
        %max3A_111 = arith.maximumf %max3A_104, %get3A_110 : vector<16xf32>
        %add3A_112 = arith.constant 12 : i32
        %add3A_113 = arith.addi %mul3A_32, %add3A_112 : i32
        %get3A_114 = arith.index_cast %add3A_113 : i32 to index
        %get3A_115 = arith.constant 0 : index
        %get3A_116 = tpu.vector_load %arg6[%get3A_114, %get3A_115] {strides = array<i32>} : memref<128x128xf32, #tpu.memory_space<vmem>>, vector<1x16xf32>,
        %get3A_117 = vector.shape_cast %get3A_116 : vector<1x16xf32> to vector<16xf32>
        %max3A_118 = arith.maximumf %max3A_111, %get3A_117 : vector<16xf32>
        %add3A_119 = arith.constant 13 : i32
        %add3A_120 = arith.addi %mul3A_32, %add3A_119 : i32
        %get3A_121 = arith.index_cast %add3A_120 : i32 to index
        %get3A_122 = arith.constant 0 : index
        %get3A_123 = tpu.vector_load %arg6[%get3A_121, %get3A_122] {strides = array<i32>} : memref<128x128xf32, #tpu.memory_space<vmem>>, vector<1x16xf32>,
        %get3A_124 = vector.shape_cast %get3A_123 : vector<1x16xf32> to vector<16xf32>
        %max3A_125 = arith.maximumf %max3A_118, %get3A_124 : vector<16xf32>
        %add3A_126 = arith.constant 14 : i32
        %add3A_127 = arith.addi %mul3A_32, %add3A_126 : i32
        %get3A_128 = arith.index_cast %add3A_127 : i32 to index
        %get3A_129 = arith.constant 0 : index
        %get3A_130 = tpu.vector_load %arg6[%get3A_128, %get3A_129] {strides = array<i32>} : memref<128x128xf32, #tpu.memory_space<vmem>>, vector<1x16xf32>,
        %get3A_131 = vector.shape_cast %get3A_130 : vector<1x16xf32> to vector<16xf32>
        %max3A_132 = arith.maximumf %max3A_125, %get3A_131 : vector<16xf32>
        %add3A_133 = arith.constant 15 : i32
        %add3A_134 = arith.addi %mul3A_32, %add3A_133 : i32
        %get3A_135 = arith.index_cast %add3A_134 : i32 to index
        %get3A_136 = arith.constant 0 : index
        %get3A_137 = tpu.vector_load %arg6[%get3A_135, %get3A_136] {strides = array<i32>} : memref<128x128xf32, #tpu.memory_space<vmem>>, vector<1x16xf32>,
        %get3A_138 = vector.shape_cast %get3A_137 : vector<1x16xf32> to vector<16xf32>
        %max3A_139 = arith.maximumf %max3A_132, %get3A_138 : vector<16xf32>
        %add3A_140 = arith.constant 16 : i32
        %add3A_141 = arith.addi %mul3A_32, %add3A_140 : i32
        %get3A_142 = arith.index_cast %add3A_141 : i32 to index
        %get3A_143 = arith.constant 0 : index
        %get3A_144 = tpu.vector_load %arg6[%get3A_142, %get3A_143] {strides = array<i32>} : memref<128x128xf32, #tpu.memory_space<vmem>>, vector<1x16xf32>,
        %get3A_145 = vector.shape_cast %get3A_144 : vector<1x16xf32> to vector<16xf32>
        %max3A_146 = arith.maximumf %max3A_139, %get3A_145 : vector<16xf32>
        %add3A_147 = arith.constant 17 : i32
        %add3A_148 = arith.addi %mul3A_32, %add3A_147 : i32
        %get3A_149 = arith.index_cast %add3A_148 : i32 to index
        %get3A_150 = arith.constant 0 : index
        %get3A_151 = tpu.vector_load %arg6[%get3A_149, %get3A_150] {strides = array<i32>} : memref<128x128xf32, #tpu.memory_space<vmem>>, vector<1x16xf32>,
        %get3A_152 = vector.shape_cast %get3A_151 : vector<1x16xf32> to vector<16xf32>
        %max3A_153 = arith.maximumf %max3A_146, %get3A_152 : vector<16xf32>
        %add3A_154 = arith.constant 18 : i32
        %add3A_155 = arith.addi %mul3A_32, %add3A_154 : i32
        %get3A_156 = arith.index_cast %add3A_155 : i32 to index
        %get3A_157 = arith.constant 0 : index
        %get3A_158 = tpu.vector_load %arg6[%get3A_156, %get3A_157] {strides = array<i32>} : memref<128x128xf32, #tpu.memory_space<vmem>>, vector<1x16xf32>,
        %get3A_159 = vector.shape_cast %get3A_158 : vector<1x16xf32> to vector<16xf32>
        %max3A_160 = arith.maximumf %max3A_153, %get3A_159 : vector<16xf32>
        %add3A_161 = arith.constant 19 : i32
        %add3A_162 = arith.addi %mul3A_32, %add3A_161 : i32
        %get3A_163 = arith.index_cast %add3A_162 : i32 to index
        %get3A_164 = arith.constant 0 : index
        %get3A_165 = tpu.vector_load %arg6[%get3A_163, %get3A_164] {strides = array<i32>} : memref<128x128xf32, #tpu.memory_space<vmem>>, vector<1x16xf32>,
        %get3A_166 = vector.shape_cast %get3A_165 : vector<1x16xf32> to vector<16xf32>
        %max3A_167 = arith.maximumf %max3A_160, %get3A_166 : vector<16xf32>
        %add3A_168 = arith.constant 20 : i32
        %add3A_169 = arith.addi %mul3A_32, %add3A_168 : i32
        %get3A_170 = arith.index_cast %add3A_169 : i32 to index
        %get3A_171 = arith.constant 0 : index
        %get3A_172 = tpu.vector_load %arg6[%get3A_170, %get3A_171] {strides = array<i32>} : memref<128x128xf32, #tpu.memory_space<vmem>>, vector<1x16xf32>,
        %get3A_173 = vector.shape_cast %get3A_172 : vector<1x16xf32> to vector<16xf32>
        %max3A_174 = arith.maximumf %max3A_167, %get3A_173 : vector<16xf32>
        %add3A_175 = arith.constant 21 : i32
        %add3A_176 = arith.addi %mul3A_32, %add3A_175 : i32
        %get3A_177 = arith.index_cast %add3A_176 : i32 to index
        %get3A_178 = arith.constant 0 : index
        %get3A_179 = tpu.vector_load %arg6[%get3A_177, %get3A_178] {strides = array<i32>} : memref<128x128xf32, #tpu.memory_space<vmem>>, vector<1x16xf32>,
        %get3A_180 = vector.shape_cast %get3A_179 : vector<1x16xf32> to vector<16xf32>
        %max3A_181 = arith.maximumf %max3A_174, %get3A_180 : vector<16xf32>
        %add3A_182 = arith.constant 22 : i32
        %add3A_183 = arith.addi %mul3A_32, %add3A_182 : i32
        %get3A_184 = arith.index_cast %add3A_183 : i32 to index
        %get3A_185 = arith.constant 0 : index
        %get3A_186 = tpu.vector_load %arg6[%get3A_184, %get3A_185] {strides = array<i32>} : memref<128x128xf32, #tpu.memory_space<vmem>>, vector<1x16xf32>,
        %get3A_187 = vector.shape_cast %get3A_186 : vector<1x16xf32> to vector<16xf32>
        %max3A_188 = arith.maximumf %max3A_181, %get3A_187 : vector<16xf32>
        %add3A_189 = arith.constant 23 : i32
        %add3A_190 = arith.addi %mul3A_32, %add3A_189 : i32
        %get3A_191 = arith.index_cast %add3A_190 : i32 to index
        %get3A_192 = arith.constant 0 : index
        %get3A_193 = tpu.vector_load %arg6[%get3A_191, %get3A_192] {strides = array<i32>} : memref<128x128xf32, #tpu.memory_space<vmem>>, vector<1x16xf32>,
        %get3A_194 = vector.shape_cast %get3A_193 : vector<1x16xf32> to vector<16xf32>
        %max3A_195 = arith.maximumf %max3A_188, %get3A_194 : vector<16xf32>
        %add3A_196 = arith.constant 24 : i32
        %add3A_197 = arith.addi %mul3A_32, %add3A_196 : i32
        %get3A_198 = arith.index_cast %add3A_197 : i32 to index
        %get3A_199 = arith.constant 0 : index
        %get3A_200 = tpu.vector_load %arg6[%get3A_198, %get3A_199] {strides = array<i32>} : memref<128x128xf32, #tpu.memory_space<vmem>>, vector<1x16xf32>,
        %get3A_201 = vector.shape_cast %get3A_200 : vector<1x16xf32> to vector<16xf32>
        %max3A_202 = arith.maximumf %max3A_195, %get3A_201 : vector<16xf32>
        %add3A_203 = arith.constant 25 : i32
        %add3A_204 = arith.addi %mul3A_32, %add3A_203 : i32
        %get3A_205 = arith.index_cast %add3A_204 : i32 to index
        %get3A_206 = arith.constant 0 : index
        %get3A_207 = tpu.vector_load %arg6[%get3A_205, %get3A_206] {strides = array<i32>} : memref<128x128xf32, #tpu.memory_space<vmem>>, vector<1x16xf32>,
        %get3A_208 = vector.shape_cast %get3A_207 : vector<1x16xf32> to vector<16xf32>
        %max3A_209 = arith.maximumf %max3A_202, %get3A_208 : vector<16xf32>
        %add3A_210 = arith.constant 26 : i32
        %add3A_211 = arith.addi %mul3A_32, %add3A_210 : i32
        %get3A_212 = arith.index_cast %add3A_211 : i32 to index
        %get3A_213 = arith.constant 0 : index
        %get3A_214 = tpu.vector_load %arg6[%get3A_212, %get3A_213] {strides = array<i32>} : memref<128x128xf32, #tpu.memory_space<vmem>>, vector<1x16xf32>,
        %get3A_215 = vector.shape_cast %get3A_214 : vector<1x16xf32> to vector<16xf32>
        %max3A_216 = arith.maximumf %max3A_209, %get3A_215 : vector<16xf32>
        %add3A_217 = arith.constant 27 : i32
        %add3A_218 = arith.addi %mul3A_32, %add3A_217 : i32
        %get3A_219 = arith.index_cast %add3A_218 : i32 to index
        %get3A_220 = arith.constant 0 : index
        %get3A_221 = tpu.vector_load %arg6[%get3A_219, %get3A_220] {strides = array<i32>} : memref<128x128xf32, #tpu.memory_space<vmem>>, vector<1x16xf32>,
        %get3A_222 = vector.shape_cast %get3A_221 : vector<1x16xf32> to vector<16xf32>
        %max3A_223 = arith.maximumf %max3A_216, %get3A_222 : vector<16xf32>
        %add3A_224 = arith.constant 28 : i32
        %add3A_225 = arith.addi %mul3A_32, %add3A_224 : i32
        %get3A_226 = arith.index_cast %add3A_225 : i32 to index
        %get3A_227 = arith.constant 0 : index
        %get3A_228 = tpu.vector_load %arg6[%get3A_226, %get3A_227] {strides = array<i32>} : memref<128x128xf32, #tpu.memory_space<vmem>>, vector<1x16xf32>,
        %get3A_229 = vector.shape_cast %get3A_228 : vector<1x16xf32> to vector<16xf32>
        %max3A_230 = arith.maximumf %max3A_223, %get3A_229 : vector<16xf32>
        %add3A_231 = arith.constant 29 : i32
        %add3A_232 = arith.addi %mul3A_32, %add3A_231 : i32
        %get3A_233 = arith.index_cast %add3A_232 : i32 to index
        %get3A_234 = arith.constant 0 : index
        %get3A_235 = tpu.vector_load %arg6[%get3A_233, %get3A_234] {strides = array<i32>} : memref<128x128xf32, #tpu.memory_space<vmem>>, vector<1x16xf32>,
        %get3A_236 = vector.shape_cast %get3A_235 : vector<1x16xf32> to vector<16xf32>
        %max3A_237 = arith.maximumf %max3A_230, %get3A_236 : vector<16xf32>
        %add3A_238 = arith.constant 30 : i32
        %add3A_239 = arith.addi %mul3A_32, %add3A_238 : i32
        %get3A_240 = arith.index_cast %add3A_239 : i32 to index
        %get3A_241 = arith.constant 0 : index
        %get3A_242 = tpu.vector_load %arg6[%get3A_240, %get3A_241] {strides = array<i32>} : memref<128x128xf32, #tpu.memory_space<vmem>>, vector<1x16xf32>,
        %get3A_243 = vector.shape_cast %get3A_242 : vector<1x16xf32> to vector<16xf32>
        %max3A_244 = arith.maximumf %max3A_237, %get3A_243 : vector<16xf32>
        %add3A_245 = arith.constant 31 : i32
        %add3A_246 = arith.addi %mul3A_32, %add3A_245 : i32
        %get3A_247 = arith.index_cast %add3A_246 : i32 to index
        %get3A_248 = arith.constant 0 : index
        %get3A_249 = tpu.vector_load %arg6[%get3A_247, %get3A_248] {strides = array<i32>} : memref<128x128xf32, #tpu.memory_space<vmem>>, vector<1x16xf32>,
        %get3A_250 = vector.shape_cast %get3A_249 : vector<1x16xf32> to vector<16xf32>
        %max3A_251 = arith.maximumf %max3A_244, %get3A_250 : vector<16xf32>
        %mul3A_252 = arith.constant 4 : i32
        %mul3A_253 = arith.muli %scan3A_9, %mul3A_252 : i32
        %add3A_254 = arith.addi %mul3A_253, %scan3A_29 : i32
        %swap3A = arith.index_cast %add3A_254 : i32 to index
        %swap3A_255 = arith.constant 0 : index
        %swap3A_256 = tpu.vector_load %arg7[%swap3A, %swap3A_255] {strides = array<i32>} : memref<128x64xf32, #tpu.memory_space<vmem>>, vector<1x16xf32>,
        %swap3A_257 = vector.shape_cast %swap3A_256 : vector<1x16xf32> to vector<16xf32>
        %swap3A_258 = vector.shape_cast %max3A_251 : vector<16xf32> to vector<1x16xf32>
        tpu.vector_store %arg7[%swap3A, %swap3A_255], %swap3A_258 {strides = array<i32>} : memref<128x64xf32, #tpu.memory_space<vmem>>, vector<1x16xf32>,
        %get3A_259 = arith.index_cast %mul3A_32 : i32 to index
        %get3A_260 = arith.constant 16 : index
        %get3A_261 = tpu.vector_load %arg6[%get3A_259, %get3A_260] {strides = array<i32>} : memref<128x128xf32, #tpu.memory_space<vmem>>, vector<1x16xf32>,
        %get3A_262 = vector.shape_cast %get3A_261 : vector<1x16xf32> to vector<16xf32>
        %add3A_263 = arith.constant 1 : i32
        %add3A_264 = arith.addi %mul3A_32, %add3A_263 : i32
        %get3A_265 = arith.index_cast %add3A_264 : i32 to index
        %get3A_266 = arith.constant 16 : index
        %get3A_267 = tpu.vector_load %arg6[%get3A_265, %get3A_266] {strides = array<i32>} : memref<128x128xf32, #tpu.memory_space<vmem>>, vector<1x16xf32>,
        %get3A_268 = vector.shape_cast %get3A_267 : vector<1x16xf32> to vector<16xf32>
        %max3A_269 = arith.maximumf %get3A_262, %get3A_268 : vector<16xf32>
        %add3A_270 = arith.constant 2 : i32
        %add3A_271 = arith.addi %mul3A_32, %add3A_270 : i32
        %get3A_272 = arith.index_cast %add3A_271 : i32 to index
        %get3A_273 = arith.constant 16 : index
        %get3A_274 = tpu.vector_load %arg6[%get3A_272, %get3A_273] {strides = array<i32>} : memref<128x128xf32, #tpu.memory_space<vmem>>, vector<1x16xf32>,
        %get3A_275 = vector.shape_cast %get3A_274 : vector<1x16xf32> to vector<16xf32>
        %max3A_276 = arith.maximumf %max3A_269, %get3A_275 : vector<16xf32>
        %add3A_277 = arith.constant 3 : i32
        %add3A_278 = arith.addi %mul3A_32, %add3A_277 : i32
        %get3A_279 = arith.index_cast %add3A_278 : i32 to index
        %get3A_280 = arith.constant 16 : index
        %get3A_281 = tpu.vector_load %arg6[%get3A_279, %get3A_280] {strides = array<i32>} : memref<128x128xf32, #tpu.memory_space<vmem>>, vector<1x16xf32>,
        %get3A_282 = vector.shape_cast %get3A_281 : vector<1x16xf32> to vector<16xf32>
        %max3A_283 = arith.maximumf %max3A_276, %get3A_282 : vector<16xf32>
        %add3A_284 = arith.constant 4 : i32
        %add3A_285 = arith.addi %mul3A_32, %add3A_284 : i32
        %get3A_286 = arith.index_cast %add3A_285 : i32 to index
        %get3A_287 = arith.constant 16 : index
        %get3A_288 = tpu.vector_load %arg6[%get3A_286, %get3A_287] {strides = array<i32>} : memref<128x128xf32, #tpu.memory_space<vmem>>, vector<1x16xf32>,
        %get3A_289 = vector.shape_cast %get3A_288 : vector<1x16xf32> to vector<16xf32>
        %max3A_290 = arith.maximumf %max3A_283, %get3A_289 : vector<16xf32>
        %add3A_291 = arith.constant 5 : i32
        %add3A_292 = arith.addi %mul3A_32, %add3A_291 : i32
        %get3A_293 = arith.index_cast %add3A_292 : i32 to index
        %get3A_294 = arith.constant 16 : index
        %get3A_295 = tpu.vector_load %arg6[%get3A_293, %get3A_294] {strides = array<i32>} : memref<128x128xf32, #tpu.memory_space<vmem>>, vector<1x16xf32>,
        %get3A_296 = vector.shape_cast %get3A_295 : vector<1x16xf32> to vector<16xf32>
        %max3A_297 = arith.maximumf %max3A_290, %get3A_296 : vector<16xf32>
        %add3A_298 = arith.constant 6 : i32
        %add3A_299 = arith.addi %mul3A_32, %add3A_298 : i32
        %get3A_300 = arith.index_cast %add3A_299 : i32 to index
        %get3A_301 = arith.constant 16 : index
        %get3A_302 = tpu.vector_load %arg6[%get3A_300, %get3A_301] {strides = array<i32>} : memref<128x128xf32, #tpu.memory_space<vmem>>, vector<1x16xf32>,
        %get3A_303 = vector.shape_cast %get3A_302 : vector<1x16xf32> to vector<16xf32>
        %max3A_304 = arith.maximumf %max3A_297, %get3A_303 : vector<16xf32>
        %add3A_305 = arith.constant 7 : i32
        %add3A_306 = arith.addi %mul3A_32, %add3A_305 : i32
        %get3A_307 = arith.index_cast %add3A_306 : i32 to index
        %get3A_308 = arith.constant 16 : index
        %get3A_309 = tpu.vector_load %arg6[%get3A_307, %get3A_308] {strides = array<i32>} : memref<128x128xf32, #tpu.memory_space<vmem>>, vector<1x16xf32>,
        %get3A_310 = vector.shape_cast %get3A_309 : vector<1x16xf32> to vector<16xf32>
        %max3A_311 = arith.maximumf %max3A_304, %get3A_310 : vector<16xf32>
        %add3A_312 = arith.constant 8 : i32
        %add3A_313 = arith.addi %mul3A_32, %add3A_312 : i32
        %get3A_314 = arith.index_cast %add3A_313 : i32 to index
        %get3A_315 = arith.constant 16 : index
        %get3A_316 = tpu.vector_load %arg6[%get3A_314, %get3A_315] {strides = array<i32>} : memref<128x128xf32, #tpu.memory_space<vmem>>, vector<1x16xf32>,
        %get3A_317 = vector.shape_cast %get3A_316 : vector<1x16xf32> to vector<16xf32>
        %max3A_318 = arith.maximumf %max3A_311, %get3A_317 : vector<16xf32>
        %add3A_319 = arith.constant 9 : i32
        %add3A_320 = arith.addi %mul3A_32, %add3A_319 : i32
        %get3A_321 = arith.index_cast %add3A_320 : i32 to index
        %get3A_322 = arith.constant 16 : index
        %get3A_323 = tpu.vector_load %arg6[%get3A_321, %get3A_322] {strides = array<i32>} : memref<128x128xf32, #tpu.memory_space<vmem>>, vector<1x16xf32>,
        %get3A_324 = vector.shape_cast %get3A_323 : vector<1x16xf32> to vector<16xf32>
        %max3A_325 = arith.maximumf %max3A_318, %get3A_324 : vector<16xf32>
        %add3A_326 = arith.constant 10 : i32
        %add3A_327 = arith.addi %mul3A_32, %add3A_326 : i32
        %get3A_328 = arith.index_cast %add3A_327 : i32 to index
        %get3A_329 = arith.constant 16 : index
        %get3A_330 = tpu.vector_load %arg6[%get3A_328, %get3A_329] {strides = array<i32>} : memref<128x128xf32, #tpu.memory_space<vmem>>, vector<1x16xf32>,
        %get3A_331 = vector.shape_cast %get3A_330 : vector<1x16xf32> to vector<16xf32>
        %max3A_332 = arith.maximumf %max3A_325, %get3A_331 : vector<16xf32>
        %add3A_333 = arith.constant 11 : i32
        %add3A_334 = arith.addi %mul3A_32, %add3A_333 : i32
        %get3A_335 = arith.index_cast %add3A_334 : i32 to index
        %get3A_336 = arith.constant 16 : index
        %get3A_337 = tpu.vector_load %arg6[%get3A_335, %get3A_336] {strides = array<i32>} : memref<128x128xf32, #tpu.memory_space<vmem>>, vector<1x16xf32>,
        %get3A_338 = vector.shape_cast %get3A_337 : vector<1x16xf32> to vector<16xf32>
        %max3A_339 = arith.maximumf %max3A_332, %get3A_338 : vector<16xf32>
        %add3A_340 = arith.constant 12 : i32
        %add3A_341 = arith.addi %mul3A_32, %add3A_340 : i32
        %get3A_342 = arith.index_cast %add3A_341 : i32 to index
        %get3A_343 = arith.constant 16 : index
        %get3A_344 = tpu.vector_load %arg6[%get3A_342, %get3A_343] {strides = array<i32>} : memref<128x128xf32, #tpu.memory_space<vmem>>, vector<1x16xf32>,
        %get3A_345 = vector.shape_cast %get3A_344 : vector<1x16xf32> to vector<16xf32>
        %max3A_346 = arith.maximumf %max3A_339, %get3A_345 : vector<16xf32>
        %add3A_347 = arith.constant 13 : i32
        %add3A_348 = arith.addi %mul3A_32, %add3A_347 : i32
        %get3A_349 = arith.index_cast %add3A_348 : i32 to index
        %get3A_350 = arith.constant 16 : index
        %get3A_351 = tpu.vector_load %arg6[%get3A_349, %get3A_350] {strides = array<i32>} : memref<128x128xf32, #tpu.memory_space<vmem>>, vector<1x16xf32>,
        %get3A_352 = vector.shape_cast %get3A_351 : vector<1x16xf32> to vector<16xf32>
        %max3A_353 = arith.maximumf %max3A_346, %get3A_352 : vector<16xf32>
        %add3A_354 = arith.constant 14 : i32
        %add3A_355 = arith.addi %mul3A_32, %add3A_354 : i32
        %get3A_356 = arith.index_cast %add3A_355 : i32 to index
        %get3A_357 = arith.constant 16 : index
        %get3A_358 = tpu.vector_load %arg6[%get3A_356, %get3A_357] {strides = array<i32>} : memref<128x128xf32, #tpu.memory_space<vmem>>, vector<1x16xf32>,
        %get3A_359 = vector.shape_cast %get3A_358 : vector<1x16xf32> to vector<16xf32>
        %max3A_360 = arith.maximumf %max3A_353, %get3A_359 : vector<16xf32>
        %add3A_361 = arith.constant 15 : i32
        %add3A_362 = arith.addi %mul3A_32, %add3A_361 : i32
        %get3A_363 = arith.index_cast %add3A_362 : i32 to index
        %get3A_364 = arith.constant 16 : index
        %get3A_365 = tpu.vector_load %arg6[%get3A_363, %get3A_364] {strides = array<i32>} : memref<128x128xf32, #tpu.memory_space<vmem>>, vector<1x16xf32>,
        %get3A_366 = vector.shape_cast %get3A_365 : vector<1x16xf32> to vector<16xf32>
        %max3A_367 = arith.maximumf %max3A_360, %get3A_366 : vector<16xf32>
        %add3A_368 = arith.constant 16 : i32
        %add3A_369 = arith.addi %mul3A_32, %add3A_368 : i32
        %get3A_370 = arith.index_cast %add3A_369 : i32 to index
        %get3A_371 = arith.constant 16 : index
        %get3A_372 = tpu.vector_load %arg6[%get3A_370, %get3A_371] {strides = array<i32>} : memref<128x128xf32, #tpu.memory_space<vmem>>, vector<1x16xf32>,
        %get3A_373 = vector.shape_cast %get3A_372 : vector<1x16xf32> to vector<16xf32>
        %max3A_374 = arith.maximumf %max3A_367, %get3A_373 : vector<16xf32>
        %add3A_375 = arith.constant 17 : i32
        %add3A_376 = arith.addi %mul3A_32, %add3A_375 : i32
        %get3A_377 = arith.index_cast %add3A_376 : i32 to index
        %get3A_378 = arith.constant 16 : index
        %get3A_379 = tpu.vector_load %arg6[%get3A_377, %get3A_378] {strides = array<i32>} : memref<128x128xf32, #tpu.memory_space<vmem>>, vector<1x16xf32>,
        %get3A_380 = vector.shape_cast %get3A_379 : vector<1x16xf32> to vector<16xf32>
        %max3A_381 = arith.maximumf %max3A_374, %get3A_380 : vector<16xf32>
        %add3A_382 = arith.constant 18 : i32
        %add3A_383 = arith.addi %mul3A_32, %add3A_382 : i32
        %get3A_384 = arith.index_cast %add3A_383 : i32 to index
        %get3A_385 = arith.constant 16 : index
        %get3A_386 = tpu.vector_load %arg6[%get3A_384, %get3A_385] {strides = array<i32>} : memref<128x128xf32, #tpu.memory_space<vmem>>, vector<1x16xf32>,
        %get3A_387 = vector.shape_cast %get3A_386 : vector<1x16xf32> to vector<16xf32>
        %max3A_388 = arith.maximumf %max3A_381, %get3A_387 : vector<16xf32>
        %add3A_389 = arith.constant 19 : i32
        %add3A_390 = arith.addi %mul3A_32, %add3A_389 : i32
        %get3A_391 = arith.index_cast %add3A_390 : i32 to index
        %get3A_392 = arith.constant 16 : index
        %get3A_393 = tpu.vector_load %arg6[%get3A_391, %get3A_392] {strides = array<i32>} : memref<128x128xf32, #tpu.memory_space<vmem>>, vector<1x16xf32>,
        %get3A_394 = vector.shape_cast %get3A_393 : vector<1x16xf32> to vector<16xf32>
        %max3A_395 = arith.maximumf %max3A_388, %get3A_394 : vector<16xf32>
        %add3A_396 = arith.constant 20 : i32
        %add3A_397 = arith.addi %mul3A_32, %add3A_396 : i32
        %get3A_398 = arith.index_cast %add3A_397 : i32 to index
        %get3A_399 = arith.constant 16 : index
        %get3A_400 = tpu.vector_load %arg6[%get3A_398, %get3A_399] {strides = array<i32>} : memref<128x128xf32, #tpu.memory_space<vmem>>, vector<1x16xf32>,
        %get3A_401 = vector.shape_cast %get3A_400 : vector<1x16xf32> to vector<16xf32>
        %max3A_402 = arith.maximumf %max3A_395, %get3A_401 : vector<16xf32>
        %add3A_403 = arith.constant 21 : i32
        %add3A_404 = arith.addi %mul3A_32, %add3A_403 : i32
        %get3A_405 = arith.index_cast %add3A_404 : i32 to index
        %get3A_406 = arith.constant 16 : index
        %get3A_407 = tpu.vector_load %arg6[%get3A_405, %get3A_406] {strides = array<i32>} : memref<128x128xf32, #tpu.memory_space<vmem>>, vector<1x16xf32>,
        %get3A_408 = vector.shape_cast %get3A_407 : vector<1x16xf32> to vector<16xf32>
        %max3A_409 = arith.maximumf %max3A_402, %get3A_408 : vector<16xf32>
        %add3A_410 = arith.constant 22 : i32
        %add3A_411 = arith.addi %mul3A_32, %add3A_410 : i32
        %get3A_412 = arith.index_cast %add3A_411 : i32 to index
        %get3A_413 = arith.constant 16 : index
        %get3A_414 = tpu.vector_load %arg6[%get3A_412, %get3A_413] {strides = array<i32>} : memref<128x128xf32, #tpu.memory_space<vmem>>, vector<1x16xf32>,
        %get3A_415 = vector.shape_cast %get3A_414 : vector<1x16xf32> to vector<16xf32>
        %max3A_416 = arith.maximumf %max3A_409, %get3A_415 : vector<16xf32>
        %add3A_417 = arith.constant 23 : i32
        %add3A_418 = arith.addi %mul3A_32, %add3A_417 : i32
        %get3A_419 = arith.index_cast %add3A_418 : i32 to index
        %get3A_420 = arith.constant 16 : index
        %get3A_421 = tpu.vector_load %arg6[%get3A_419, %get3A_420] {strides = array<i32>} : memref<128x128xf32, #tpu.memory_space<vmem>>, vector<1x16xf32>,
        %get3A_422 = vector.shape_cast %get3A_421 : vector<1x16xf32> to vector<16xf32>
        %max3A_423 = arith.maximumf %max3A_416, %get3A_422 : vector<16xf32>
        %add3A_424 = arith.constant 24 : i32
        %add3A_425 = arith.addi %mul3A_32, %add3A_424 : i32
        %get3A_426 = arith.index_cast %add3A_425 : i32 to index
        %get3A_427 = arith.constant 16 : index
        %get3A_428 = tpu.vector_load %arg6[%get3A_426, %get3A_427] {strides = array<i32>} : memref<128x128xf32, #tpu.memory_space<vmem>>, vector<1x16xf32>,
        %get3A_429 = vector.shape_cast %get3A_428 : vector<1x16xf32> to vector<16xf32>
        %max3A_430 = arith.maximumf %max3A_423, %get3A_429 : vector<16xf32>
        %add3A_431 = arith.constant 25 : i32
        %add3A_432 = arith.addi %mul3A_32, %add3A_431 : i32
        %get3A_433 = arith.index_cast %add3A_432 : i32 to index
        %get3A_434 = arith.constant 16 : index
        %get3A_435 = tpu.vector_load %arg6[%get3A_433, %get3A_434] {strides = array<i32>} : memref<128x128xf32, #tpu.memory_space<vmem>>, vector<1x16xf32>,
        %get3A_436 = vector.shape_cast %get3A_435 : vector<1x16xf32> to vector<16xf32>
        %max3A_437 = arith.maximumf %max3A_430, %get3A_436 : vector<16xf32>
        %add3A_438 = arith.constant 26 : i32
        %add3A_439 = arith.addi %mul3A_32, %add3A_438 : i32
        %get3A_440 = arith.index_cast %add3A_439 : i32 to index
        %get3A_441 = arith.constant 16 : index
        %get3A_442 = tpu.vector_load %arg6[%get3A_440, %get3A_441] {strides = array<i32>} : memref<128x128xf32, #tpu.memory_space<vmem>>, vector<1x16xf32>,
        %get3A_443 = vector.shape_cast %get3A_442 : vector<1x16xf32> to vector<16xf32>
        %max3A_444 = arith.maximumf %max3A_437, %get3A_443 : vector<16xf32>
        %add3A_445 = arith.constant 27 : i32
        %add3A_446 = arith.addi %mul3A_32, %add3A_445 : i32
        %get3A_447 = arith.index_cast %add3A_446 : i32 to index
        %get3A_448 = arith.constant 16 : index
        %get3A_449 = tpu.vector_load %arg6[%get3A_447, %get3A_448] {strides = array<i32>} : memref<128x128xf32, #tpu.memory_space<vmem>>, vector<1x16xf32>,
        %get3A_450 = vector.shape_cast %get3A_449 : vector<1x16xf32> to vector<16xf32>
        %max3A_451 = arith.maximumf %max3A_444, %get3A_450 : vector<16xf32>
        %add3A_452 = arith.constant 28 : i32
        %add3A_453 = arith.addi %mul3A_32, %add3A_452 : i32
        %get3A_454 = arith.index_cast %add3A_453 : i32 to index
        %get3A_455 = arith.constant 16 : index
        %get3A_456 = tpu.vector_load %arg6[%get3A_454, %get3A_455] {strides = array<i32>} : memref<128x128xf32, #tpu.memory_space<vmem>>, vector<1x16xf32>,
        %get3A_457 = vector.shape_cast %get3A_456 : vector<1x16xf32> to vector<16xf32>
        %max3A_458 = arith.maximumf %max3A_451, %get3A_457 : vector<16xf32>
        %add3A_459 = arith.constant 29 : i32
        %add3A_460 = arith.addi %mul3A_32, %add3A_459 : i32
        %get3A_461 = arith.index_cast %add3A_460 : i32 to index
        %get3A_462 = arith.constant 16 : index
        %get3A_463 = tpu.vector_load %arg6[%get3A_461, %get3A_462] {strides = array<i32>} : memref<128x128xf32, #tpu.memory_space<vmem>>, vector<1x16xf32>,
        %get3A_464 = vector.shape_cast %get3A_463 : vector<1x16xf32> to vector<16xf32>
        %max3A_465 = arith.maximumf %max3A_458, %get3A_464 : vector<16xf32>
        %add3A_466 = arith.constant 30 : i32
        %add3A_467 = arith.addi %mul3A_32, %add3A_466 : i32
        %get3A_468 = arith.index_cast %add3A_467 : i32 to index
        %get3A_469 = arith.constant 16 : index
        %get3A_470 = tpu.vector_load %arg6[%get3A_468, %get3A_469] {strides = array<i32>} : memref<128x128xf32, #tpu.memory_space<vmem>>, vector<1x16xf32>,
        %get3A_471 = vector.shape_cast %get3A_470 : vector<1x16xf32> to vector<16xf32>
        %max3A_472 = arith.maximumf %max3A_465, %get3A_471 : vector<16xf32>
        %add3A_473 = arith.constant 31 : i32
        %add3A_474 = arith.addi %mul3A_32, %add3A_473 : i32
        %get3A_475 = arith.index_cast %add3A_474 : i32 to index
        %get3A_476 = arith.constant 16 : index
        %get3A_477 = tpu.vector_load %arg6[%get3A_475, %get3A_476] {strides = array<i32>} : memref<128x128xf32, #tpu.memory_space<vmem>>, vector<1x16xf32>,
        %get3A_478 = vector.shape_cast %get3A_477 : vector<1x16xf32> to vector<16xf32>
        %max3A_479 = arith.maximumf %max3A_472, %get3A_478 : vector<16xf32>
        %mul3A_480 = arith.constant 4 : i32
        %mul3A_481 = arith.muli %scan3A_9, %mul3A_480 : i32
        %add3A_482 = arith.addi %mul3A_481, %scan3A_29 : i32
        %swap3A_483 = arith.index_cast %add3A_482 : i32 to index
        %swap3A_484 = arith.constant 16 : index
        %swap3A_485 = tpu.vector_load %arg7[%swap3A_483, %swap3A_484] {strides = array<i32>} : memref<128x64xf32, #tpu.memory_space<vmem>>, vector<1x16xf32>,
        %swap3A_486 = vector.shape_cast %swap3A_485 : vector<1x16xf32> to vector<16xf32>
        %swap3A_487 = vector.shape_cast %max3A_479 : vector<16xf32> to vector<1x16xf32>
        tpu.vector_store %arg7[%swap3A_483, %swap3A_484], %swap3A_487 {strides = array<i32>} : memref<128x64xf32, #tpu.memory_space<vmem>>, vector<1x16xf32>,
        %get3A_488 = arith.index_cast %mul3A_32 : i32 to index
        %get3A_489 = arith.constant 32 : index
        %get3A_490 = tpu.vector_load %arg6[%get3A_488, %get3A_489] {strides = array<i32>} : memref<128x128xf32, #tpu.memory_space<vmem>>, vector<1x16xf32>,
        %get3A_491 = vector.shape_cast %get3A_490 : vector<1x16xf32> to vector<16xf32>
        %add3A_492 = arith.constant 1 : i32
        %add3A_493 = arith.addi %mul3A_32, %add3A_492 : i32
        %get3A_494 = arith.index_cast %add3A_493 : i32 to index
        %get3A_495 = arith.constant 32 : index
        %get3A_496 = tpu.vector_load %arg6[%get3A_494, %get3A_495] {strides = array<i32>} : memref<128x128xf32, #tpu.memory_space<vmem>>, vector<1x16xf32>,
        %get3A_497 = vector.shape_cast %get3A_496 : vector<1x16xf32> to vector<16xf32>
        %max3A_498 = arith.maximumf %get3A_491, %get3A_497 : vector<16xf32>
        %add3A_499 = arith.constant 2 : i32
        %add3A_500 = arith.addi %mul3A_32, %add3A_499 : i32
        %get3A_501 = arith.index_cast %add3A_500 : i32 to index
        %get3A_502 = arith.constant 32 : index
        %get3A_503 = tpu.vector_load %arg6[%get3A_501, %get3A_502] {strides = array<i32>} : memref<128x128xf32, #tpu.memory_space<vmem>>, vector<1x16xf32>,
        %get3A_504 = vector.shape_cast %get3A_503 : vector<1x16xf32> to vector<16xf32>
        %max3A_505 = arith.maximumf %max3A_498, %get3A_504 : vector<16xf32>
        %add3A_506 = arith.constant 3 : i32
        %add3A_507 = arith.addi %mul3A_32, %add3A_506 : i32
        %get3A_508 = arith.index_cast %add3A_507 : i32 to index
        %get3A_509 = arith.constant 32 : index
        %get3A_510 = tpu.vector_load %arg6[%get3A_508, %get3A_509] {strides = array<i32>} : memref<128x128xf32, #tpu.memory_space<vmem>>, vector<1x16xf32>,
        %get3A_511 = vector.shape_cast %get3A_510 : vector<1x16xf32> to vector<16xf32>
        %max3A_512 = arith.maximumf %max3A_505, %get3A_511 : vector<16xf32>
        %add3A_513 = arith.constant 4 : i32
        %add3A_514 = arith.addi %mul3A_32, %add3A_513 : i32
        %get3A_515 = arith.index_cast %add3A_514 : i32 to index
        %get3A_516 = arith.constant 32 : index
        %get3A_517 = tpu.vector_load %arg6[%get3A_515, %get3A_516] {strides = array<i32>} : memref<128x128xf32, #tpu.memory_space<vmem>>, vector<1x16xf32>,
        %get3A_518 = vector.shape_cast %get3A_517 : vector<1x16xf32> to vector<16xf32>
        %max3A_519 = arith.maximumf %max3A_512, %get3A_518 : vector<16xf32>
        %add3A_520 = arith.constant 5 : i32
        %add3A_521 = arith.addi %mul3A_32, %add3A_520 : i32
        %get3A_522 = arith.index_cast %add3A_521 : i32 to index
        %get3A_523 = arith.constant 32 : index
        %get3A_524 = tpu.vector_load %arg6[%get3A_522, %get3A_523] {strides = array<i32>} : memref<128x128xf32, #tpu.memory_space<vmem>>, vector<1x16xf32>,
        %get3A_525 = vector.shape_cast %get3A_524 : vector<1x16xf32> to vector<16xf32>
        %max3A_526 = arith.maximumf %max3A_519, %get3A_525 : vector<16xf32>
        %add3A_527 = arith.constant 6 : i32
        %add3A_528 = arith.addi %mul3A_32, %add3A_527 : i32
        %get3A_529 = arith.index_cast %add3A_528 : i32 to index
        %get3A_530 = arith.constant 32 : index
        %get3A_531 = tpu.vector_load %arg6[%get3A_529, %get3A_530] {strides = array<i32>} : memref<128x128xf32, #tpu.memory_space<vmem>>, vector<1x16xf32>,
        %get3A_532 = vector.shape_cast %get3A_531 : vector<1x16xf32> to vector<16xf32>
        %max3A_533 = arith.maximumf %max3A_526, %get3A_532 : vector<16xf32>
        %add3A_534 = arith.constant 7 : i32
        %add3A_535 = arith.addi %mul3A_32, %add3A_534 : i32
        %get3A_536 = arith.index_cast %add3A_535 : i32 to index
        %get3A_537 = arith.constant 32 : index
        %get3A_538 = tpu.vector_load %arg6[%get3A_536, %get3A_537] {strides = array<i32>} : memref<128x128xf32, #tpu.memory_space<vmem>>, vector<1x16xf32>,
        %get3A_539 = vector.shape_cast %get3A_538 : vector<1x16xf32> to vector<16xf32>
        %max3A_540 = arith.maximumf %max3A_533, %get3A_539 : vector<16xf32>
        %add3A_541 = arith.constant 8 : i32
        %add3A_542 = arith.addi %mul3A_32, %add3A_541 : i32
        %get3A_543 = arith.index_cast %add3A_542 : i32 to index
        %get3A_544 = arith.constant 32 : index
        %get3A_545 = tpu.vector_load %arg6[%get3A_543, %get3A_544] {strides = array<i32>} : memref<128x128xf32, #tpu.memory_space<vmem>>, vector<1x16xf32>,
        %get3A_546 = vector.shape_cast %get3A_545 : vector<1x16xf32> to vector<16xf32>
        %max3A_547 = arith.maximumf %max3A_540, %get3A_546 : vector<16xf32>
        %add3A_548 = arith.constant 9 : i32
        %add3A_549 = arith.addi %mul3A_32, %add3A_548 : i32
        %get3A_550 = arith.index_cast %add3A_549 : i32 to index
        %get3A_551 = arith.constant 32 : index
        %get3A_552 = tpu.vector_load %arg6[%get3A_550, %get3A_551] {strides = array<i32>} : memref<128x128xf32, #tpu.memory_space<vmem>>, vector<1x16xf32>,
        %get3A_553 = vector.shape_cast %get3A_552 : vector<1x16xf32> to vector<16xf32>
        %max3A_554 = arith.maximumf %max3A_547, %get3A_553 : vector<16xf32>
        %add3A_555 = arith.constant 10 : i32
        %add3A_556 = arith.addi %mul3A_32, %add3A_555 : i32
        %get3A_557 = arith.index_cast %add3A_556 : i32 to index
        %get3A_558 = arith.constant 32 : index
        %get3A_559 = tpu.vector_load %arg6[%get3A_557, %get3A_558] {strides = array<i32>} : memref<128x128xf32, #tpu.memory_space<vmem>>, vector<1x16xf32>,
        %get3A_560 = vector.shape_cast %get3A_559 : vector<1x16xf32> to vector<16xf32>
        %max3A_561 = arith.maximumf %max3A_554, %get3A_560 : vector<16xf32>
        %add3A_562 = arith.constant 11 : i32
        %add3A_563 = arith.addi %mul3A_32, %add3A_562 : i32
        %get3A_564 = arith.index_cast %add3A_563 : i32 to index
        %get3A_565 = arith.constant 32 : index
        %get3A_566 = tpu.vector_load %arg6[%get3A_564, %get3A_565] {strides = array<i32>} : memref<128x128xf32, #tpu.memory_space<vmem>>, vector<1x16xf32>,
        %get3A_567 = vector.shape_cast %get3A_566 : vector<1x16xf32> to vector<16xf32>
        %max3A_568 = arith.maximumf %max3A_561, %get3A_567 : vector<16xf32>
        %add3A_569 = arith.constant 12 : i32
        %add3A_570 = arith.addi %mul3A_32, %add3A_569 : i32
        %get3A_571 = arith.index_cast %add3A_570 : i32 to index
        %get3A_572 = arith.constant 32 : index
        %get3A_573 = tpu.vector_load %arg6[%get3A_571, %get3A_572] {strides = array<i32>} : memref<128x128xf32, #tpu.memory_space<vmem>>, vector<1x16xf32>,
        %get3A_574 = vector.shape_cast %get3A_573 : vector<1x16xf32> to vector<16xf32>
        %max3A_575 = arith.maximumf %max3A_568, %get3A_574 : vector<16xf32>
        %add3A_576 = arith.constant 13 : i32
        %add3A_577 = arith.addi %mul3A_32, %add3A_576 : i32
        %get3A_578 = arith.index_cast %add3A_577 : i32 to index
        %get3A_579 = arith.constant 32 : index
        %get3A_580 = tpu.vector_load %arg6[%get3A_578, %get3A_579] {strides = array<i32>} : memref<128x128xf32, #tpu.memory_space<vmem>>, vector<1x16xf32>,
        %get3A_581 = vector.shape_cast %get3A_580 : vector<1x16xf32> to vector<16xf32>
        %max3A_582 = arith.maximumf %max3A_575, %get3A_581 : vector<16xf32>
        %add3A_583 = arith.constant 14 : i32
        %add3A_584 = arith.addi %mul3A_32, %add3A_583 : i32
        %get3A_585 = arith.index_cast %add3A_584 : i32 to index
        %get3A_586 = arith.constant 32 : index
        %get3A_587 = tpu.vector_load %arg6[%get3A_585, %get3A_586] {strides = array<i32>} : memref<128x128xf32, #tpu.memory_space<vmem>>, vector<1x16xf32>,
        %get3A_588 = vector.shape_cast %get3A_587 : vector<1x16xf32> to vector<16xf32>
        %max3A_589 = arith.maximumf %max3A_582, %get3A_588 : vector<16xf32>
        %add3A_590 = arith.constant 15 : i32
        %add3A_591 = arith.addi %mul3A_32, %add3A_590 : i32
        %get3A_592 = arith.index_cast %add3A_591 : i32 to index
        %get3A_593 = arith.constant 32 : index
        %get3A_594 = tpu.vector_load %arg6[%get3A_592, %get3A_593] {strides = array<i32>} : memref<128x128xf32, #tpu.memory_space<vmem>>, vector<1x16xf32>,
        %get3A_595 = vector.shape_cast %get3A_594 : vector<1x16xf32> to vector<16xf32>
        %max3A_596 = arith.maximumf %max3A_589, %get3A_595 : vector<16xf32>
        %add3A_597 = arith.constant 16 : i32
        %add3A_598 = arith.addi %mul3A_32, %add3A_597 : i32
        %get3A_599 = arith.index_cast %add3A_598 : i32 to index
        %get3A_600 = arith.constant 32 : index
        %get3A_601 = tpu.vector_load %arg6[%get3A_599, %get3A_600] {strides = array<i32>} : memref<128x128xf32, #tpu.memory_space<vmem>>, vector<1x16xf32>,
        %get3A_602 = vector.shape_cast %get3A_601 : vector<1x16xf32> to vector<16xf32>
        %max3A_603 = arith.maximumf %max3A_596, %get3A_602 : vector<16xf32>
        %add3A_604 = arith.constant 17 : i32
        %add3A_605 = arith.addi %mul3A_32, %add3A_604 : i32
        %get3A_606 = arith.index_cast %add3A_605 : i32 to index
        %get3A_607 = arith.constant 32 : index
        %get3A_608 = tpu.vector_load %arg6[%get3A_606, %get3A_607] {strides = array<i32>} : memref<128x128xf32, #tpu.memory_space<vmem>>, vector<1x16xf32>,
        %get3A_609 = vector.shape_cast %get3A_608 : vector<1x16xf32> to vector<16xf32>
        %max3A_610 = arith.maximumf %max3A_603, %get3A_609 : vector<16xf32>
        %add3A_611 = arith.constant 18 : i32
        %add3A_612 = arith.addi %mul3A_32, %add3A_611 : i32
        %get3A_613 = arith.index_cast %add3A_612 : i32 to index
        %get3A_614 = arith.constant 32 : index
        %get3A_615 = tpu.vector_load %arg6[%get3A_613, %get3A_614] {strides = array<i32>} : memref<128x128xf32, #tpu.memory_space<vmem>>, vector<1x16xf32>,
        %get3A_616 = vector.shape_cast %get3A_615 : vector<1x16xf32> to vector<16xf32>
        %max3A_617 = arith.maximumf %max3A_610, %get3A_616 : vector<16xf32>
        %add3A_618 = arith.constant 19 : i32
        %add3A_619 = arith.addi %mul3A_32, %add3A_618 : i32
        %get3A_620 = arith.index_cast %add3A_619 : i32 to index
        %get3A_621 = arith.constant 32 : index
        %get3A_622 = tpu.vector_load %arg6[%get3A_620, %get3A_621] {strides = array<i32>} : memref<128x128xf32, #tpu.memory_space<vmem>>, vector<1x16xf32>,
        %get3A_623 = vector.shape_cast %get3A_622 : vector<1x16xf32> to vector<16xf32>
        %max3A_624 = arith.maximumf %max3A_617, %get3A_623 : vector<16xf32>
        %add3A_625 = arith.constant 20 : i32
        %add3A_626 = arith.addi %mul3A_32, %add3A_625 : i32
        %get3A_627 = arith.index_cast %add3A_626 : i32 to index
        %get3A_628 = arith.constant 32 : index
        %get3A_629 = tpu.vector_load %arg6[%get3A_627, %get3A_628] {strides = array<i32>} : memref<128x128xf32, #tpu.memory_space<vmem>>, vector<1x16xf32>,
        %get3A_630 = vector.shape_cast %get3A_629 : vector<1x16xf32> to vector<16xf32>
        %max3A_631 = arith.maximumf %max3A_624, %get3A_630 : vector<16xf32>
        %add3A_632 = arith.constant 21 : i32
        %add3A_633 = arith.addi %mul3A_32, %add3A_632 : i32
        %get3A_634 = arith.index_cast %add3A_633 : i32 to index
        %get3A_635 = arith.constant 32 : index
        %get3A_636 = tpu.vector_load %arg6[%get3A_634, %get3A_635] {strides = array<i32>} : memref<128x128xf32, #tpu.memory_space<vmem>>, vector<1x16xf32>,
        %get3A_637 = vector.shape_cast %get3A_636 : vector<1x16xf32> to vector<16xf32>
        %max3A_638 = arith.maximumf %max3A_631, %get3A_637 : vector<16xf32>
        %add3A_639 = arith.constant 22 : i32
        %add3A_640 = arith.addi %mul3A_32, %add3A_639 : i32
        %get3A_641 = arith.index_cast %add3A_640 : i32 to index
        %get3A_642 = arith.constant 32 : index
        %get3A_643 = tpu.vector_load %arg6[%get3A_641, %get3A_642] {strides = array<i32>} : memref<128x128xf32, #tpu.memory_space<vmem>>, vector<1x16xf32>,
        %get3A_644 = vector.shape_cast %get3A_643 : vector<1x16xf32> to vector<16xf32>
        %max3A_645 = arith.maximumf %max3A_638, %get3A_644 : vector<16xf32>
        %add3A_646 = arith.constant 23 : i32
        %add3A_647 = arith.addi %mul3A_32, %add3A_646 : i32
        %get3A_648 = arith.index_cast %add3A_647 : i32 to index
        %get3A_649 = arith.constant 32 : index
        %get3A_650 = tpu.vector_load %arg6[%get3A_648, %get3A_649] {strides = array<i32>} : memref<128x128xf32, #tpu.memory_space<vmem>>, vector<1x16xf32>,
        %get3A_651 = vector.shape_cast %get3A_650 : vector<1x16xf32> to vector<16xf32>
        %max3A_652 = arith.maximumf %max3A_645, %get3A_651 : vector<16xf32>
        %add3A_653 = arith.constant 24 : i32
        %add3A_654 = arith.addi %mul3A_32, %add3A_653 : i32
        %get3A_655 = arith.index_cast %add3A_654 : i32 to index
        %get3A_656 = arith.constant 32 : index
        %get3A_657 = tpu.vector_load %arg6[%get3A_655, %get3A_656] {strides = array<i32>} : memref<128x128xf32, #tpu.memory_space<vmem>>, vector<1x16xf32>,
        %get3A_658 = vector.shape_cast %get3A_657 : vector<1x16xf32> to vector<16xf32>
        %max3A_659 = arith.maximumf %max3A_652, %get3A_658 : vector<16xf32>
        %add3A_660 = arith.constant 25 : i32
        %add3A_661 = arith.addi %mul3A_32, %add3A_660 : i32
        %get3A_662 = arith.index_cast %add3A_661 : i32 to index
        %get3A_663 = arith.constant 32 : index
        %get3A_664 = tpu.vector_load %arg6[%get3A_662, %get3A_663] {strides = array<i32>} : memref<128x128xf32, #tpu.memory_space<vmem>>, vector<1x16xf32>,
        %get3A_665 = vector.shape_cast %get3A_664 : vector<1x16xf32> to vector<16xf32>
        %max3A_666 = arith.maximumf %max3A_659, %get3A_665 : vector<16xf32>
        %add3A_667 = arith.constant 26 : i32
        %add3A_668 = arith.addi %mul3A_32, %add3A_667 : i32
        %get3A_669 = arith.index_cast %add3A_668 : i32 to index
        %get3A_670 = arith.constant 32 : index
        %get3A_671 = tpu.vector_load %arg6[%get3A_669, %get3A_670] {strides = array<i32>} : memref<128x128xf32, #tpu.memory_space<vmem>>, vector<1x16xf32>,
        %get3A_672 = vector.shape_cast %get3A_671 : vector<1x16xf32> to vector<16xf32>
        %max3A_673 = arith.maximumf %max3A_666, %get3A_672 : vector<16xf32>
        %add3A_674 = arith.constant 27 : i32
        %add3A_675 = arith.addi %mul3A_32, %add3A_674 : i32
        %get3A_676 = arith.index_cast %add3A_675 : i32 to index
        %get3A_677 = arith.constant 32 : index
        %get3A_678 = tpu.vector_load %arg6[%get3A_676, %get3A_677] {strides = array<i32>} : memref<128x128xf32, #tpu.memory_space<vmem>>, vector<1x16xf32>,
        %get3A_679 = vector.shape_cast %get3A_678 : vector<1x16xf32> to vector<16xf32>
        %max3A_680 = arith.maximumf %max3A_673, %get3A_679 : vector<16xf32>
        %add3A_681 = arith.constant 28 : i32
        %add3A_682 = arith.addi %mul3A_32, %add3A_681 : i32
        %get3A_683 = arith.index_cast %add3A_682 : i32 to index
        %get3A_684 = arith.constant 32 : index
        %get3A_685 = tpu.vector_load %arg6[%get3A_683, %get3A_684] {strides = array<i32>} : memref<128x128xf32, #tpu.memory_space<vmem>>, vector<1x16xf32>,
        %get3A_686 = vector.shape_cast %get3A_685 : vector<1x16xf32> to vector<16xf32>
        %max3A_687 = arith.maximumf %max3A_680, %get3A_686 : vector<16xf32>
        %add3A_688 = arith.constant 29 : i32
        %add3A_689 = arith.addi %mul3A_32, %add3A_688 : i32
        %get3A_690 = arith.index_cast %add3A_689 : i32 to index
        %get3A_691 = arith.constant 32 : index
        %get3A_692 = tpu.vector_load %arg6[%get3A_690, %get3A_691] {strides = array<i32>} : memref<128x128xf32, #tpu.memory_space<vmem>>, vector<1x16xf32>,
        %get3A_693 = vector.shape_cast %get3A_692 : vector<1x16xf32> to vector<16xf32>
        %max3A_694 = arith.maximumf %max3A_687, %get3A_693 : vector<16xf32>
        %add3A_695 = arith.constant 30 : i32
        %add3A_696 = arith.addi %mul3A_32, %add3A_695 : i32
        %get3A_697 = arith.index_cast %add3A_696 : i32 to index
        %get3A_698 = arith.constant 32 : index
        %get3A_699 = tpu.vector_load %arg6[%get3A_697, %get3A_698] {strides = array<i32>} : memref<128x128xf32, #tpu.memory_space<vmem>>, vector<1x16xf32>,
        %get3A_700 = vector.shape_cast %get3A_699 : vector<1x16xf32> to vector<16xf32>
        %max3A_701 = arith.maximumf %max3A_694, %get3A_700 : vector<16xf32>
        %add3A_702 = arith.constant 31 : i32
        %add3A_703 = arith.addi %mul3A_32, %add3A_702 : i32
        %get3A_704 = arith.index_cast %add3A_703 : i32 to index
        %get3A_705 = arith.constant 32 : index
        %get3A_706 = tpu.vector_load %arg6[%get3A_704, %get3A_705] {strides = array<i32>} : memref<128x128xf32, #tpu.memory_space<vmem>>, vector<1x16xf32>,
        %get3A_707 = vector.shape_cast %get3A_706 : vector<1x16xf32> to vector<16xf32>
        %max3A_708 = arith.maximumf %max3A_701, %get3A_707 : vector<16xf32>
        %mul3A_709 = arith.constant 4 : i32
        %mul3A_710 = arith.muli %scan3A_9, %mul3A_709 : i32
        %add3A_711 = arith.addi %mul3A_710, %scan3A_29 : i32
        %swap3A_712 = arith.index_cast %add3A_711 : i32 to index
        %swap3A_713 = arith.constant 32 : index
        %swap3A_714 = tpu.vector_load %arg7[%swap3A_712, %swap3A_713] {strides = array<i32>} : memref<128x64xf32, #tpu.memory_space<vmem>>, vector<1x16xf32>,
        %swap3A_715 = vector.shape_cast %swap3A_714 : vector<1x16xf32> to vector<16xf32>
        %swap3A_716 = vector.shape_cast %max3A_708 : vector<16xf32> to vector<1x16xf32>
        tpu.vector_store %arg7[%swap3A_712, %swap3A_713], %swap3A_716 {strides = array<i32>} : memref<128x64xf32, #tpu.memory_space<vmem>>, vector<1x16xf32>,
        %get3A_717 = arith.index_cast %mul3A_32 : i32 to index
        %get3A_718 = arith.constant 48 : index
        %get3A_719 = tpu.vector_load %arg6[%get3A_717, %get3A_718] {strides = array<i32>} : memref<128x128xf32, #tpu.memory_space<vmem>>, vector<1x16xf32>,
        %get3A_720 = vector.shape_cast %get3A_719 : vector<1x16xf32> to vector<16xf32>
        %add3A_721 = arith.constant 1 : i32
        %add3A_722 = arith.addi %mul3A_32, %add3A_721 : i32
        %get3A_723 = arith.index_cast %add3A_722 : i32 to index
        %get3A_724 = arith.constant 48 : index
        %get3A_725 = tpu.vector_load %arg6[%get3A_723, %get3A_724] {strides = array<i32>} : memref<128x128xf32, #tpu.memory_space<vmem>>, vector<1x16xf32>,
        %get3A_726 = vector.shape_cast %get3A_725 : vector<1x16xf32> to vector<16xf32>
        %max3A_727 = arith.maximumf %get3A_720, %get3A_726 : vector<16xf32>
        %add3A_728 = arith.constant 2 : i32
        %add3A_729 = arith.addi %mul3A_32, %add3A_728 : i32
        %get3A_730 = arith.index_cast %add3A_729 : i32 to index
        %get3A_731 = arith.constant 48 : index
        %get3A_732 = tpu.vector_load %arg6[%get3A_730, %get3A_731] {strides = array<i32>} : memref<128x128xf32, #tpu.memory_space<vmem>>, vector<1x16xf32>,
        %get3A_733 = vector.shape_cast %get3A_732 : vector<1x16xf32> to vector<16xf32>
        %max3A_734 = arith.maximumf %max3A_727, %get3A_733 : vector<16xf32>
        %add3A_735 = arith.constant 3 : i32
        %add3A_736 = arith.addi %mul3A_32, %add3A_735 : i32
        %get3A_737 = arith.index_cast %add3A_736 : i32 to index
        %get3A_738 = arith.constant 48 : index
        %get3A_739 = tpu.vector_load %arg6[%get3A_737, %get3A_738] {strides = array<i32>} : memref<128x128xf32, #tpu.memory_space<vmem>>, vector<1x16xf32>,
        %get3A_740 = vector.shape_cast %get3A_739 : vector<1x16xf32> to vector<16xf32>
        %max3A_741 = arith.maximumf %max3A_734, %get3A_740 : vector<16xf32>
        %add3A_742 = arith.constant 4 : i32
        %add3A_743 = arith.addi %mul3A_32, %add3A_742 : i32
        %get3A_744 = arith.index_cast %add3A_743 : i32 to index
        %get3A_745 = arith.constant 48 : index
        %get3A_746 = tpu.vector_load %arg6[%get3A_744, %get3A_745] {strides = array<i32>} : memref<128x128xf32, #tpu.memory_space<vmem>>, vector<1x16xf32>,
        %get3A_747 = vector.shape_cast %get3A_746 : vector<1x16xf32> to vector<16xf32>
        %max3A_748 = arith.maximumf %max3A_741, %get3A_747 : vector<16xf32>
        %add3A_749 = arith.constant 5 : i32
        %add3A_750 = arith.addi %mul3A_32, %add3A_749 : i32
        %get3A_751 = arith.index_cast %add3A_750 : i32 to index
        %get3A_752 = arith.constant 48 : index
        %get3A_753 = tpu.vector_load %arg6[%get3A_751, %get3A_752] {strides = array<i32>} : memref<128x128xf32, #tpu.memory_space<vmem>>, vector<1x16xf32>,
        %get3A_754 = vector.shape_cast %get3A_753 : vector<1x16xf32> to vector<16xf32>
        %max3A_755 = arith.maximumf %max3A_748, %get3A_754 : vector<16xf32>
        %add3A_756 = arith.constant 6 : i32
        %add3A_757 = arith.addi %mul3A_32, %add3A_756 : i32
        %get3A_758 = arith.index_cast %add3A_757 : i32 to index
        %get3A_759 = arith.constant 48 : index
        %get3A_760 = tpu.vector_load %arg6[%get3A_758, %get3A_759] {strides = array<i32>} : memref<128x128xf32, #tpu.memory_space<vmem>>, vector<1x16xf32>,
        %get3A_761 = vector.shape_cast %get3A_760 : vector<1x16xf32> to vector<16xf32>
        %max3A_762 = arith.maximumf %max3A_755, %get3A_761 : vector<16xf32>
        %add3A_763 = arith.constant 7 : i32
        %add3A_764 = arith.addi %mul3A_32, %add3A_763 : i32
        %get3A_765 = arith.index_cast %add3A_764 : i32 to index
        %get3A_766 = arith.constant 48 : index
        %get3A_767 = tpu.vector_load %arg6[%get3A_765, %get3A_766] {strides = array<i32>} : memref<128x128xf32, #tpu.memory_space<vmem>>, vector<1x16xf32>,
        %get3A_768 = vector.shape_cast %get3A_767 : vector<1x16xf32> to vector<16xf32>
        %max3A_769 = arith.maximumf %max3A_762, %get3A_768 : vector<16xf32>
        %add3A_770 = arith.constant 8 : i32
        %add3A_771 = arith.addi %mul3A_32, %add3A_770 : i32
        %get3A_772 = arith.index_cast %add3A_771 : i32 to index
        %get3A_773 = arith.constant 48 : index
        %get3A_774 = tpu.vector_load %arg6[%get3A_772, %get3A_773] {strides = array<i32>} : memref<128x128xf32, #tpu.memory_space<vmem>>, vector<1x16xf32>,
        %get3A_775 = vector.shape_cast %get3A_774 : vector<1x16xf32> to vector<16xf32>
        %max3A_776 = arith.maximumf %max3A_769, %get3A_775 : vector<16xf32>
        %add3A_777 = arith.constant 9 : i32
        %add3A_778 = arith.addi %mul3A_32, %add3A_777 : i32
        %get3A_779 = arith.index_cast %add3A_778 : i32 to index
        %get3A_780 = arith.constant 48 : index
        %get3A_781 = tpu.vector_load %arg6[%get3A_779, %get3A_780] {strides = array<i32>} : memref<128x128xf32, #tpu.memory_space<vmem>>, vector<1x16xf32>,
        %get3A_782 = vector.shape_cast %get3A_781 : vector<1x16xf32> to vector<16xf32>
        %max3A_783 = arith.maximumf %max3A_776, %get3A_782 : vector<16xf32>
        %add3A_784 = arith.constant 10 : i32
        %add3A_785 = arith.addi %mul3A_32, %add3A_784 : i32
        %get3A_786 = arith.index_cast %add3A_785 : i32 to index
        %get3A_787 = arith.constant 48 : index
        %get3A_788 = tpu.vector_load %arg6[%get3A_786, %get3A_787] {strides = array<i32>} : memref<128x128xf32, #tpu.memory_space<vmem>>, vector<1x16xf32>,
        %get3A_789 = vector.shape_cast %get3A_788 : vector<1x16xf32> to vector<16xf32>
        %max3A_790 = arith.maximumf %max3A_783, %get3A_789 : vector<16xf32>
        %add3A_791 = arith.constant 11 : i32
        %add3A_792 = arith.addi %mul3A_32, %add3A_791 : i32
        %get3A_793 = arith.index_cast %add3A_792 : i32 to index
        %get3A_794 = arith.constant 48 : index
        %get3A_795 = tpu.vector_load %arg6[%get3A_793, %get3A_794] {strides = array<i32>} : memref<128x128xf32, #tpu.memory_space<vmem>>, vector<1x16xf32>,
        %get3A_796 = vector.shape_cast %get3A_795 : vector<1x16xf32> to vector<16xf32>
        %max3A_797 = arith.maximumf %max3A_790, %get3A_796 : vector<16xf32>
        %add3A_798 = arith.constant 12 : i32
        %add3A_799 = arith.addi %mul3A_32, %add3A_798 : i32
        %get3A_800 = arith.index_cast %add3A_799 : i32 to index
        %get3A_801 = arith.constant 48 : index
        %get3A_802 = tpu.vector_load %arg6[%get3A_800, %get3A_801] {strides = array<i32>} : memref<128x128xf32, #tpu.memory_space<vmem>>, vector<1x16xf32>,
        %get3A_803 = vector.shape_cast %get3A_802 : vector<1x16xf32> to vector<16xf32>
        %max3A_804 = arith.maximumf %max3A_797, %get3A_803 : vector<16xf32>
        %add3A_805 = arith.constant 13 : i32
        %add3A_806 = arith.addi %mul3A_32, %add3A_805 : i32
        %get3A_807 = arith.index_cast %add3A_806 : i32 to index
        %get3A_808 = arith.constant 48 : index
        %get3A_809 = tpu.vector_load %arg6[%get3A_807, %get3A_808] {strides = array<i32>} : memref<128x128xf32, #tpu.memory_space<vmem>>, vector<1x16xf32>,
        %get3A_810 = vector.shape_cast %get3A_809 : vector<1x16xf32> to vector<16xf32>
        %max3A_811 = arith.maximumf %max3A_804, %get3A_810 : vector<16xf32>
        %add3A_812 = arith.constant 14 : i32
        %add3A_813 = arith.addi %mul3A_32, %add3A_812 : i32
        %get3A_814 = arith.index_cast %add3A_813 : i32 to index
        %get3A_815 = arith.constant 48 : index
        %get3A_816 = tpu.vector_load %arg6[%get3A_814, %get3A_815] {strides = array<i32>} : memref<128x128xf32, #tpu.memory_space<vmem>>, vector<1x16xf32>,
        %get3A_817 = vector.shape_cast %get3A_816 : vector<1x16xf32> to vector<16xf32>
        %max3A_818 = arith.maximumf %max3A_811, %get3A_817 : vector<16xf32>
        %add3A_819 = arith.constant 15 : i32
        %add3A_820 = arith.addi %mul3A_32, %add3A_819 : i32
        %get3A_821 = arith.index_cast %add3A_820 : i32 to index
        %get3A_822 = arith.constant 48 : index
        %get3A_823 = tpu.vector_load %arg6[%get3A_821, %get3A_822] {strides = array<i32>} : memref<128x128xf32, #tpu.memory_space<vmem>>, vector<1x16xf32>,
        %get3A_824 = vector.shape_cast %get3A_823 : vector<1x16xf32> to vector<16xf32>
        %max3A_825 = arith.maximumf %max3A_818, %get3A_824 : vector<16xf32>
        %add3A_826 = arith.constant 16 : i32
        %add3A_827 = arith.addi %mul3A_32, %add3A_826 : i32
        %get3A_828 = arith.index_cast %add3A_827 : i32 to index
        %get3A_829 = arith.constant 48 : index
        %get3A_830 = tpu.vector_load %arg6[%get3A_828, %get3A_829] {strides = array<i32>} : memref<128x128xf32, #tpu.memory_space<vmem>>, vector<1x16xf32>,
        %get3A_831 = vector.shape_cast %get3A_830 : vector<1x16xf32> to vector<16xf32>
        %max3A_832 = arith.maximumf %max3A_825, %get3A_831 : vector<16xf32>
        %add3A_833 = arith.constant 17 : i32
        %add3A_834 = arith.addi %mul3A_32, %add3A_833 : i32
        %get3A_835 = arith.index_cast %add3A_834 : i32 to index
        %get3A_836 = arith.constant 48 : index
        %get3A_837 = tpu.vector_load %arg6[%get3A_835, %get3A_836] {strides = array<i32>} : memref<128x128xf32, #tpu.memory_space<vmem>>, vector<1x16xf32>,
        %get3A_838 = vector.shape_cast %get3A_837 : vector<1x16xf32> to vector<16xf32>
        %max3A_839 = arith.maximumf %max3A_832, %get3A_838 : vector<16xf32>
        %add3A_840 = arith.constant 18 : i32
        %add3A_841 = arith.addi %mul3A_32, %add3A_840 : i32
        %get3A_842 = arith.index_cast %add3A_841 : i32 to index
        %get3A_843 = arith.constant 48 : index
        %get3A_844 = tpu.vector_load %arg6[%get3A_842, %get3A_843] {strides = array<i32>} : memref<128x128xf32, #tpu.memory_space<vmem>>, vector<1x16xf32>,
        %get3A_845 = vector.shape_cast %get3A_844 : vector<1x16xf32> to vector<16xf32>
        %max3A_846 = arith.maximumf %max3A_839, %get3A_845 : vector<16xf32>
        %add3A_847 = arith.constant 19 : i32
        %add3A_848 = arith.addi %mul3A_32, %add3A_847 : i32
        %get3A_849 = arith.index_cast %add3A_848 : i32 to index
        %get3A_850 = arith.constant 48 : index
        %get3A_851 = tpu.vector_load %arg6[%get3A_849, %get3A_850] {strides = array<i32>} : memref<128x128xf32, #tpu.memory_space<vmem>>, vector<1x16xf32>,
        %get3A_852 = vector.shape_cast %get3A_851 : vector<1x16xf32> to vector<16xf32>
        %max3A_853 = arith.maximumf %max3A_846, %get3A_852 : vector<16xf32>
        %add3A_854 = arith.constant 20 : i32
        %add3A_855 = arith.addi %mul3A_32, %add3A_854 : i32
        %get3A_856 = arith.index_cast %add3A_855 : i32 to index
        %get3A_857 = arith.constant 48 : index
        %get3A_858 = tpu.vector_load %arg6[%get3A_856, %get3A_857] {strides = array<i32>} : memref<128x128xf32, #tpu.memory_space<vmem>>, vector<1x16xf32>,
        %get3A_859 = vector.shape_cast %get3A_858 : vector<1x16xf32> to vector<16xf32>
        %max3A_860 = arith.maximumf %max3A_853, %get3A_859 : vector<16xf32>
        %add3A_861 = arith.constant 21 : i32
        %add3A_862 = arith.addi %mul3A_32, %add3A_861 : i32
        %get3A_863 = arith.index_cast %add3A_862 : i32 to index
        %get3A_864 = arith.constant 48 : index
        %get3A_865 = tpu.vector_load %arg6[%get3A_863, %get3A_864] {strides = array<i32>} : memref<128x128xf32, #tpu.memory_space<vmem>>, vector<1x16xf32>,
        %get3A_866 = vector.shape_cast %get3A_865 : vector<1x16xf32> to vector<16xf32>
        %max3A_867 = arith.maximumf %max3A_860, %get3A_866 : vector<16xf32>
        %add3A_868 = arith.constant 22 : i32
        %add3A_869 = arith.addi %mul3A_32, %add3A_868 : i32
        %get3A_870 = arith.index_cast %add3A_869 : i32 to index
        %get3A_871 = arith.constant 48 : index
        %get3A_872 = tpu.vector_load %arg6[%get3A_870, %get3A_871] {strides = array<i32>} : memref<128x128xf32, #tpu.memory_space<vmem>>, vector<1x16xf32>,
        %get3A_873 = vector.shape_cast %get3A_872 : vector<1x16xf32> to vector<16xf32>
        %max3A_874 = arith.maximumf %max3A_867, %get3A_873 : vector<16xf32>
        %add3A_875 = arith.constant 23 : i32
        %add3A_876 = arith.addi %mul3A_32, %add3A_875 : i32
        %get3A_877 = arith.index_cast %add3A_876 : i32 to index
        %get3A_878 = arith.constant 48 : index
        %get3A_879 = tpu.vector_load %arg6[%get3A_877, %get3A_878] {strides = array<i32>} : memref<128x128xf32, #tpu.memory_space<vmem>>, vector<1x16xf32>,
        %get3A_880 = vector.shape_cast %get3A_879 : vector<1x16xf32> to vector<16xf32>
        %max3A_881 = arith.maximumf %max3A_874, %get3A_880 : vector<16xf32>
        %add3A_882 = arith.constant 24 : i32
        %add3A_883 = arith.addi %mul3A_32, %add3A_882 : i32
        %get3A_884 = arith.index_cast %add3A_883 : i32 to index
        %get3A_885 = arith.constant 48 : index
        %get3A_886 = tpu.vector_load %arg6[%get3A_884, %get3A_885] {strides = array<i32>} : memref<128x128xf32, #tpu.memory_space<vmem>>, vector<1x16xf32>,
        %get3A_887 = vector.shape_cast %get3A_886 : vector<1x16xf32> to vector<16xf32>
        %max3A_888 = arith.maximumf %max3A_881, %get3A_887 : vector<16xf32>
        %add3A_889 = arith.constant 25 : i32
        %add3A_890 = arith.addi %mul3A_32, %add3A_889 : i32
        %get3A_891 = arith.index_cast %add3A_890 : i32 to index
        %get3A_892 = arith.constant 48 : index
        %get3A_893 = tpu.vector_load %arg6[%get3A_891, %get3A_892] {strides = array<i32>} : memref<128x128xf32, #tpu.memory_space<vmem>>, vector<1x16xf32>,
        %get3A_894 = vector.shape_cast %get3A_893 : vector<1x16xf32> to vector<16xf32>
        %max3A_895 = arith.maximumf %max3A_888, %get3A_894 : vector<16xf32>
        %add3A_896 = arith.constant 26 : i32
        %add3A_897 = arith.addi %mul3A_32, %add3A_896 : i32
        %get3A_898 = arith.index_cast %add3A_897 : i32 to index
        %get3A_899 = arith.constant 48 : index
        %get3A_900 = tpu.vector_load %arg6[%get3A_898, %get3A_899] {strides = array<i32>} : memref<128x128xf32, #tpu.memory_space<vmem>>, vector<1x16xf32>,
        %get3A_901 = vector.shape_cast %get3A_900 : vector<1x16xf32> to vector<16xf32>
        %max3A_902 = arith.maximumf %max3A_895, %get3A_901 : vector<16xf32>
        %add3A_903 = arith.constant 27 : i32
        %add3A_904 = arith.addi %mul3A_32, %add3A_903 : i32
        %get3A_905 = arith.index_cast %add3A_904 : i32 to index
        %get3A_906 = arith.constant 48 : index
        %get3A_907 = tpu.vector_load %arg6[%get3A_905, %get3A_906] {strides = array<i32>} : memref<128x128xf32, #tpu.memory_space<vmem>>, vector<1x16xf32>,
        %get3A_908 = vector.shape_cast %get3A_907 : vector<1x16xf32> to vector<16xf32>
        %max3A_909 = arith.maximumf %max3A_902, %get3A_908 : vector<16xf32>
        %add3A_910 = arith.constant 28 : i32
        %add3A_911 = arith.addi %mul3A_32, %add3A_910 : i32
        %get3A_912 = arith.index_cast %add3A_911 : i32 to index
        %get3A_913 = arith.constant 48 : index
        %get3A_914 = tpu.vector_load %arg6[%get3A_912, %get3A_913] {strides = array<i32>} : memref<128x128xf32, #tpu.memory_space<vmem>>, vector<1x16xf32>,
        %get3A_915 = vector.shape_cast %get3A_914 : vector<1x16xf32> to vector<16xf32>
        %max3A_916 = arith.maximumf %max3A_909, %get3A_915 : vector<16xf32>
        %add3A_917 = arith.constant 29 : i32
        %add3A_918 = arith.addi %mul3A_32, %add3A_917 : i32
        %get3A_919 = arith.index_cast %add3A_918 : i32 to index
        %get3A_920 = arith.constant 48 : index
        %get3A_921 = tpu.vector_load %arg6[%get3A_919, %get3A_920] {strides = array<i32>} : memref<128x128xf32, #tpu.memory_space<vmem>>, vector<1x16xf32>,
        %get3A_922 = vector.shape_cast %get3A_921 : vector<1x16xf32> to vector<16xf32>
        %max3A_923 = arith.maximumf %max3A_916, %get3A_922 : vector<16xf32>
        %add3A_924 = arith.constant 30 : i32
        %add3A_925 = arith.addi %mul3A_32, %add3A_924 : i32
        %get3A_926 = arith.index_cast %add3A_925 : i32 to index
        %get3A_927 = arith.constant 48 : index
        %get3A_928 = tpu.vector_load %arg6[%get3A_926, %get3A_927] {strides = array<i32>} : memref<128x128xf32, #tpu.memory_space<vmem>>, vector<1x16xf32>,
        %get3A_929 = vector.shape_cast %get3A_928 : vector<1x16xf32> to vector<16xf32>
        %max3A_930 = arith.maximumf %max3A_923, %get3A_929 : vector<16xf32>
        %add3A_931 = arith.constant 31 : i32
        %add3A_932 = arith.addi %mul3A_32, %add3A_931 : i32
        %get3A_933 = arith.index_cast %add3A_932 : i32 to index
        %get3A_934 = arith.constant 48 : index
        %get3A_935 = tpu.vector_load %arg6[%get3A_933, %get3A_934] {strides = array<i32>} : memref<128x128xf32, #tpu.memory_space<vmem>>, vector<1x16xf32>,
        %get3A_936 = vector.shape_cast %get3A_935 : vector<1x16xf32> to vector<16xf32>
        %max3A_937 = arith.maximumf %max3A_930, %get3A_936 : vector<16xf32>
        %mul3A_938 = arith.constant 4 : i32
        %mul3A_939 = arith.muli %scan3A_9, %mul3A_938 : i32
        %add3A_940 = arith.addi %mul3A_939, %scan3A_29 : i32
        %swap3A_941 = arith.index_cast %add3A_940 : i32 to index
        %swap3A_942 = arith.constant 48 : index
        %swap3A_943 = tpu.vector_load %arg7[%swap3A_941, %swap3A_942] {strides = array<i32>} : memref<128x64xf32, #tpu.memory_space<vmem>>, vector<1x16xf32>,
        %swap3A_944 = vector.shape_cast %swap3A_943 : vector<1x16xf32> to vector<16xf32>
        %swap3A_945 = vector.shape_cast %max3A_937 : vector<16xf32> to vector<1x16xf32>
        tpu.vector_store %arg7[%swap3A_941, %swap3A_942], %swap3A_945 {strides = array<i32>} : memref<128x64xf32, #tpu.memory_space<vmem>>, vector<1x16xf32>,
        %scan3A_946 = arith.constant 0 : i32
        scf.yield %scan3A_946 : i32
      }
      %scan3A_27 = arith.constant 4 : i32
      %scan3A_28 = arith.constant 0 : i32
      scf.yield %scan3A_28 : i32
    }
    %scan3A_6 = arith.constant 32 : i32
    %mul3A_7 = arith.constant 128 : i32
    %mul3A_8 = arith.muli %add3A, %mul3A_7 : i32
    "tpu.region"() ({
      %run_scoped3A = tpu.sem_alloc : memref<!tpu.dma_semaphore, #tpu.memory_space<semaphore_mem>>
      %dma_start3A = arith.constant 0 : i32
      %dma_start3A_9 = tpu.memref_slice %arg4[%mul3A_8, %dma_start3A] : memref<4096x64xf32, #tpu.memory_space<hbm>> -> memref<128x64xf32, #tpu.memory_space<hbm>>
      %dma_start3A_10 = arith.constant 0 : i32
      %dma_start3A_11 = tpu.memref_slice %arg4[%mul3A_8, %dma_start3A_10] : memref<4096x64xf32, #tpu.memory_space<hbm>> -> memref<128x64xf32, #tpu.memory_space<hbm>>
      tpu.enqueue_dma source(%arg7 : memref<128x64xf32, #tpu.memory_space<vmem>>) target(%dma_start3A_11 : memref<128x64xf32, #tpu.memory_space<hbm>>) target_semaphore(%run_scoped3A : memref<!tpu.dma_semaphore, #tpu.memory_space<semaphore_mem>>)
      %dma_wait3A = arith.constant 0 : i32
      %dma_wait3A_12 = tpu.memref_slice %arg4[%mul3A_8, %dma_wait3A] : memref<4096x64xf32, #tpu.memory_space<hbm>> -> memref<128x64xf32, #tpu.memory_space<hbm>>
      %dma_wait3A_13 = arith.constant 0 : i32
      %dma_wait3A_14 = tpu.memref_slice %arg4[%mul3A_8, %dma_wait3A_13] : memref<4096x64xf32, #tpu.memory_space<hbm>> -> memref<128x64xf32, #tpu.memory_space<hbm>>
      tpu.wait_dma2 semaphore(%run_scoped3A : memref<!tpu.dma_semaphore, #tpu.memory_space<semaphore_mem>>) src(%arg7 : memref<128x64xf32, #tpu.memory_space<vmem>>) dst(%dma_wait3A_14 : memref<128x64xf32, #tpu.memory_space<hbm>>)
      tpu.yield
    }) : () -> ()
    return
  }
}

module attributes {stable_mosaic.version = 14 : i64} {
  func.func @_fps_body(%arg0: memref<4x8x1024xf32, #tpu.memory_space<vmem>>, %arg1: memref<4x8x1024xf32, #tpu.memory_space<vmem>>, %arg2: memref<4x8x1024xf32, #tpu.memory_space<vmem>>, %arg3: memref<4x1024xf32, #tpu.memory_space<vmem>>, %arg4: memref<4x1024xf32, #tpu.memory_space<vmem>>, %arg5: memref<4x1024xf32, #tpu.memory_space<vmem>>, %arg6: memref<4x8x1024xf32, #tpu.memory_space<vmem>>) attributes {dimension_semantics = [], scalar_prefetch = 0 : i64, scratch_operands = 1 : i64, tpu.core_type = #tpu.core_type<tc>} {
    %get3A = arith.constant 0 : index
    %get3A_0 = arith.constant 0 : index
    %get3A_1 = arith.constant 0 : index
    %get3A_2 = vector.load %arg0[%get3A, %get3A_0, %get3A_1] : memref<4x8x1024xf32, #tpu.memory_space<vmem>>, vector<4x8x1024xf32>
    %get3A_3 = arith.constant 0 : index
    %get3A_4 = arith.constant 0 : index
    %get3A_5 = arith.constant 0 : index
    %get3A_6 = vector.load %arg1[%get3A_3, %get3A_4, %get3A_5] : memref<4x8x1024xf32, #tpu.memory_space<vmem>>, vector<4x8x1024xf32>
    %get3A_7 = arith.constant 0 : index
    %get3A_8 = arith.constant 0 : index
    %get3A_9 = arith.constant 0 : index
    %get3A_10 = vector.load %arg2[%get3A_7, %get3A_8, %get3A_9] : memref<4x8x1024xf32, #tpu.memory_space<vmem>>, vector<4x8x1024xf32>
    %iota3A = tpu.iota {dimensions = array<i32: 1>} : vector<4x8x1024xi32>
    %iota3A_11 = tpu.iota {dimensions = array<i32: 2>} : vector<4x8x1024xi32>
    %mul3A = arith.constant 1024 : i32
    %mul3A_12 = vector.broadcast %mul3A : i32 to vector<4x8x1024xi32>
    %mul3A_13 = arith.muli %iota3A, %mul3A_12 : vector<4x8x1024xi32>
    %add3A = arith.addi %mul3A_13, %iota3A_11 : vector<4x8x1024xi32>
    %iota3A_14 = tpu.iota {dimensions = array<i32: 1>} : vector<4x1024xi32>
    %slice3A = vector.extract_strided_slice %get3A_2 {offsets = [0, 0, 0], sizes = [4, 1, 1], strides = [1, 1, 1]} : vector<4x8x1024xf32> to vector<4x1x1xf32>
    %slice3A_15 = vector.extract_strided_slice %get3A_6 {offsets = [0, 0, 0], sizes = [4, 1, 1], strides = [1, 1, 1]} : vector<4x8x1024xf32> to vector<4x1x1xf32>
    %slice3A_16 = vector.extract_strided_slice %get3A_10 {offsets = [0, 0, 0], sizes = [4, 1, 1], strides = [1, 1, 1]} : vector<4x8x1024xf32> to vector<4x1x1xf32>
    %sub3A = vector.broadcast %slice3A : vector<4x1x1xf32> to vector<4x8x1024xf32>
    %sub3A_17 = arith.subf %get3A_2, %sub3A : vector<4x8x1024xf32>
    %sub3A_18 = vector.broadcast %slice3A_15 : vector<4x1x1xf32> to vector<4x8x1024xf32>
    %sub3A_19 = arith.subf %get3A_6, %sub3A_18 : vector<4x8x1024xf32>
    %sub3A_20 = vector.broadcast %slice3A_16 : vector<4x1x1xf32> to vector<4x8x1024xf32>
    %sub3A_21 = arith.subf %get3A_10, %sub3A_20 : vector<4x8x1024xf32>
    %mul3A_22 = arith.mulf %sub3A_17, %sub3A_17 : vector<4x8x1024xf32>
    %mul3A_23 = arith.mulf %sub3A_19, %sub3A_19 : vector<4x8x1024xf32>
    %add3A_24 = arith.addf %mul3A_22, %mul3A_23 : vector<4x8x1024xf32>
    %mul3A_25 = arith.mulf %sub3A_21, %sub3A_21 : vector<4x8x1024xf32>
    %add3A_26 = arith.addf %add3A_24, %mul3A_25 : vector<4x8x1024xf32>
    %swap3A = arith.constant 0 : index
    %swap3A_27 = arith.constant 0 : index
    %swap3A_28 = arith.constant 0 : index
    %swap3A_29 = vector.load %arg6[%swap3A, %swap3A_27, %swap3A_28] : memref<4x8x1024xf32, #tpu.memory_space<vmem>>, vector<4x8x1024xf32>
    tpu.vector_store %arg6[%swap3A, %swap3A_27, %swap3A_28], %add3A_26 {strides = array<i32>} : memref<4x8x1024xf32, #tpu.memory_space<vmem>>, vector<4x8x1024xf32>,
    %eq3A = arith.constant 0 : i32
    %eq3A_30 = vector.broadcast %eq3A : i32 to vector<4x1024xi32>
    %eq3A_31 = arith.cmpi eq, %iota3A_14, %eq3A_30 : vector<4x1024xi32>
    %squeeze3A = vector.shape_cast %slice3A : vector<4x1x1xf32> to vector<4x1xf32>
    %jit3A = arith.constant 0.000000e+00 : f32
    %broadcast_in_dim3A = vector.shape_cast %squeeze3A : vector<4x1xf32> to vector<4x1xf32>
    %broadcast_in_dim3A_32 = vector.broadcast %broadcast_in_dim3A : vector<4x1xf32> to vector<4x1024xf32>
    %broadcast_in_dim3A_33 = vector.broadcast %jit3A : f32 to vector<4x1024xf32>
    %select_n3A = arith.select %eq3A_31, %broadcast_in_dim3A_32, %broadcast_in_dim3A_33 : vector<4x1024xi1>, vector<4x1024xf32>
    %swap3A_34 = arith.constant 0 : index
    %swap3A_35 = arith.constant 0 : index
    %swap3A_36 = vector.load %arg3[%swap3A_34, %swap3A_35] : memref<4x1024xf32, #tpu.memory_space<vmem>>, vector<4x1024xf32>
    tpu.vector_store %arg3[%swap3A_34, %swap3A_35], %select_n3A {strides = array<i32>} : memref<4x1024xf32, #tpu.memory_space<vmem>>, vector<4x1024xf32>,
    %squeeze3A_37 = vector.shape_cast %slice3A_15 : vector<4x1x1xf32> to vector<4x1xf32>
    %jit3A_38 = arith.constant 0.000000e+00 : f32
    %broadcast_in_dim3A_39 = vector.shape_cast %squeeze3A_37 : vector<4x1xf32> to vector<4x1xf32>
    %broadcast_in_dim3A_40 = vector.broadcast %broadcast_in_dim3A_39 : vector<4x1xf32> to vector<4x1024xf32>
    %broadcast_in_dim3A_41 = vector.broadcast %jit3A_38 : f32 to vector<4x1024xf32>
    %select_n3A_42 = arith.select %eq3A_31, %broadcast_in_dim3A_40, %broadcast_in_dim3A_41 : vector<4x1024xi1>, vector<4x1024xf32>
    %swap3A_43 = arith.constant 0 : index
    %swap3A_44 = arith.constant 0 : index
    %swap3A_45 = vector.load %arg4[%swap3A_43, %swap3A_44] : memref<4x1024xf32, #tpu.memory_space<vmem>>, vector<4x1024xf32>
    tpu.vector_store %arg4[%swap3A_43, %swap3A_44], %select_n3A_42 {strides = array<i32>} : memref<4x1024xf32, #tpu.memory_space<vmem>>, vector<4x1024xf32>,
    %squeeze3A_46 = vector.shape_cast %slice3A_16 : vector<4x1x1xf32> to vector<4x1xf32>
    %jit3A_47 = arith.constant 0.000000e+00 : f32
    %broadcast_in_dim3A_48 = vector.shape_cast %squeeze3A_46 : vector<4x1xf32> to vector<4x1xf32>
    %broadcast_in_dim3A_49 = vector.broadcast %broadcast_in_dim3A_48 : vector<4x1xf32> to vector<4x1024xf32>
    %broadcast_in_dim3A_50 = vector.broadcast %jit3A_47 : f32 to vector<4x1024xf32>
    %select_n3A_51 = arith.select %eq3A_31, %broadcast_in_dim3A_49, %broadcast_in_dim3A_50 : vector<4x1024xi1>, vector<4x1024xf32>
    %swap3A_52 = arith.constant 0 : index
    %swap3A_53 = arith.constant 0 : index
    %swap3A_54 = vector.load %arg5[%swap3A_52, %swap3A_53] : memref<4x1024xf32, #tpu.memory_space<vmem>>, vector<4x1024xf32>
    tpu.vector_store %arg5[%swap3A_52, %swap3A_53], %select_n3A_51 {strides = array<i32>} : memref<4x1024xf32, #tpu.memory_space<vmem>>, vector<4x1024xf32>,
    %scan3A = arith.constant 1 : i32
    %scan3A_55 = arith.constant 1023 : i32
    %scan3A_56 = arith.addi %scan3A, %scan3A_55 : i32
    %scan3A_57 = arith.constant 1 : i32
    scf.for %scan3A_59 = %scan3A to %scan3A_56 step %scan3A_57  : i32 {
      %get3A_60 = arith.constant 0 : index
      %get3A_61 = arith.constant 0 : index
      %get3A_62 = arith.constant 0 : index
      %get3A_63 = vector.load %arg6[%get3A_60, %get3A_61, %get3A_62] : memref<4x8x1024xf32, #tpu.memory_space<vmem>>, vector<4x8x1024xf32>
      %reduce_max3A = arith.constant dense<0xFF800000> : vector<4x8xf32>
      %reduce_max3A_64 = vector.multi_reduction <maximumf>, %get3A_63, %reduce_max3A [2] : vector<4x8x1024xf32> to vector<4x8xf32>
      %broadcast_in_dim3A_65 = vector.shape_cast %reduce_max3A_64 : vector<4x8xf32> to vector<4x8x1xf32>
      %reduce_max3A_66 = arith.constant dense<0xFF800000> : vector<4x1xf32>
      %reduce_max3A_67 = vector.multi_reduction <maximumf>, %broadcast_in_dim3A_65, %reduce_max3A_66 [1] : vector<4x8x1xf32> to vector<4x1xf32>
      %broadcast_in_dim3A_68 = vector.shape_cast %reduce_max3A_67 : vector<4x1xf32> to vector<4x1x1xf32>
      %eq3A_69 = vector.broadcast %broadcast_in_dim3A_68 : vector<4x1x1xf32> to vector<4x8x1024xf32>
      %eq3A_70 = arith.cmpf oeq, %get3A_63, %eq3A_69 : vector<4x8x1024xf32>
      %jit3A_71 = arith.constant 8192 : i32
      %broadcast_in_dim3A_72 = vector.broadcast %jit3A_71 : i32 to vector<4x8x1024xi32>
      %select_n3A_73 = arith.select %eq3A_70, %add3A, %broadcast_in_dim3A_72 : vector<4x8x1024xi1>, vector<4x8x1024xi32>
      %reduce_min3A = arith.constant dense<2147483647> : vector<4x8xi32>
      %reduce_min3A_74 = vector.multi_reduction <minsi>, %select_n3A_73, %reduce_min3A [2] : vector<4x8x1024xi32> to vector<4x8xi32>
      %broadcast_in_dim3A_75 = vector.shape_cast %reduce_min3A_74 : vector<4x8xi32> to vector<4x8x1xi32>
      %reduce_min3A_76 = arith.constant dense<2147483647> : vector<4x1xi32>
      %reduce_min3A_77 = vector.multi_reduction <minsi>, %broadcast_in_dim3A_75, %reduce_min3A_76 [1] : vector<4x8x1xi32> to vector<4x1xi32>
      %broadcast_in_dim3A_78 = vector.shape_cast %reduce_min3A_77 : vector<4x1xi32> to vector<4x1x1xi32>
      %eq3A_79 = vector.broadcast %broadcast_in_dim3A_78 : vector<4x1x1xi32> to vector<4x8x1024xi32>
      %eq3A_80 = arith.cmpi eq, %add3A, %eq3A_79 : vector<4x8x1024xi32>
      %jit3A_81 = arith.constant 0.000000e+00 : f32
      %broadcast_in_dim3A_82 = vector.broadcast %jit3A_81 : f32 to vector<4x8x1024xf32>
      %select_n3A_83 = arith.select %eq3A_80, %get3A_2, %broadcast_in_dim3A_82 : vector<4x8x1024xi1>, vector<4x8x1024xf32>
      %reduce_sum3A = arith.constant dense<0.000000e+00> : vector<4x8xf32>
      %reduce_sum3A_84 = vector.multi_reduction <add>, %select_n3A_83, %reduce_sum3A [2] : vector<4x8x1024xf32> to vector<4x8xf32>
      %broadcast_in_dim3A_85 = vector.shape_cast %reduce_sum3A_84 : vector<4x8xf32> to vector<4x8x1xf32>
      %reduce_sum3A_86 = arith.constant dense<0.000000e+00> : vector<4x1xf32>
      %reduce_sum3A_87 = vector.multi_reduction <add>, %broadcast_in_dim3A_85, %reduce_sum3A_86 [1] : vector<4x8x1xf32> to vector<4x1xf32>
      %broadcast_in_dim3A_88 = vector.shape_cast %reduce_sum3A_87 : vector<4x1xf32> to vector<4x1x1xf32>
      %jit3A_89 = arith.constant 0.000000e+00 : f32
      %broadcast_in_dim3A_90 = vector.broadcast %jit3A_89 : f32 to vector<4x8x1024xf32>
      %select_n3A_91 = arith.select %eq3A_80, %get3A_6, %broadcast_in_dim3A_90 : vector<4x8x1024xi1>, vector<4x8x1024xf32>
      %reduce_sum3A_92 = arith.constant dense<0.000000e+00> : vector<4x8xf32>
      %reduce_sum3A_93 = vector.multi_reduction <add>, %select_n3A_91, %reduce_sum3A_92 [2] : vector<4x8x1024xf32> to vector<4x8xf32>
      %broadcast_in_dim3A_94 = vector.shape_cast %reduce_sum3A_93 : vector<4x8xf32> to vector<4x8x1xf32>
      %reduce_sum3A_95 = arith.constant dense<0.000000e+00> : vector<4x1xf32>
      %reduce_sum3A_96 = vector.multi_reduction <add>, %broadcast_in_dim3A_94, %reduce_sum3A_95 [1] : vector<4x8x1xf32> to vector<4x1xf32>
      %broadcast_in_dim3A_97 = vector.shape_cast %reduce_sum3A_96 : vector<4x1xf32> to vector<4x1x1xf32>
      %jit3A_98 = arith.constant 0.000000e+00 : f32
      %broadcast_in_dim3A_99 = vector.broadcast %jit3A_98 : f32 to vector<4x8x1024xf32>
      %select_n3A_100 = arith.select %eq3A_80, %get3A_10, %broadcast_in_dim3A_99 : vector<4x8x1024xi1>, vector<4x8x1024xf32>
      %reduce_sum3A_101 = arith.constant dense<0.000000e+00> : vector<4x8xf32>
      %reduce_sum3A_102 = vector.multi_reduction <add>, %select_n3A_100, %reduce_sum3A_101 [2] : vector<4x8x1024xf32> to vector<4x8xf32>
      %broadcast_in_dim3A_103 = vector.shape_cast %reduce_sum3A_102 : vector<4x8xf32> to vector<4x8x1xf32>
      %reduce_sum3A_104 = arith.constant dense<0.000000e+00> : vector<4x1xf32>
      %reduce_sum3A_105 = vector.multi_reduction <add>, %broadcast_in_dim3A_103, %reduce_sum3A_104 [1] : vector<4x8x1xf32> to vector<4x1xf32>
      %broadcast_in_dim3A_106 = vector.shape_cast %reduce_sum3A_105 : vector<4x1xf32> to vector<4x1x1xf32>
      %sub3A_107 = vector.broadcast %broadcast_in_dim3A_88 : vector<4x1x1xf32> to vector<4x8x1024xf32>
      %sub3A_108 = arith.subf %get3A_2, %sub3A_107 : vector<4x8x1024xf32>
      %sub3A_109 = vector.broadcast %broadcast_in_dim3A_97 : vector<4x1x1xf32> to vector<4x8x1024xf32>
      %sub3A_110 = arith.subf %get3A_6, %sub3A_109 : vector<4x8x1024xf32>
      %sub3A_111 = vector.broadcast %broadcast_in_dim3A_106 : vector<4x1x1xf32> to vector<4x8x1024xf32>
      %sub3A_112 = arith.subf %get3A_10, %sub3A_111 : vector<4x8x1024xf32>
      %mul3A_113 = arith.mulf %sub3A_108, %sub3A_108 : vector<4x8x1024xf32>
      %mul3A_114 = arith.mulf %sub3A_110, %sub3A_110 : vector<4x8x1024xf32>
      %add3A_115 = arith.addf %mul3A_113, %mul3A_114 : vector<4x8x1024xf32>
      %mul3A_116 = arith.mulf %sub3A_112, %sub3A_112 : vector<4x8x1024xf32>
      %add3A_117 = arith.addf %add3A_115, %mul3A_116 : vector<4x8x1024xf32>
      %min3A = arith.minimumf %get3A_63, %add3A_117 : vector<4x8x1024xf32>
      %swap3A_118 = arith.constant 0 : index
      %swap3A_119 = arith.constant 0 : index
      %swap3A_120 = arith.constant 0 : index
      %swap3A_121 = vector.load %arg6[%swap3A_118, %swap3A_119, %swap3A_120] : memref<4x8x1024xf32, #tpu.memory_space<vmem>>, vector<4x8x1024xf32>
      tpu.vector_store %arg6[%swap3A_118, %swap3A_119, %swap3A_120], %min3A {strides = array<i32>} : memref<4x8x1024xf32, #tpu.memory_space<vmem>>, vector<4x8x1024xf32>,
      %eq3A_122 = vector.broadcast %scan3A_59 : i32 to vector<4x1024xi32>
      %eq3A_123 = arith.cmpi eq, %iota3A_14, %eq3A_122 : vector<4x1024xi32>
      %get3A_124 = arith.constant 0 : index
      %get3A_125 = arith.constant 0 : index
      %get3A_126 = vector.load %arg3[%get3A_124, %get3A_125] : memref<4x1024xf32, #tpu.memory_space<vmem>>, vector<4x1024xf32>
      %squeeze3A_127 = vector.shape_cast %broadcast_in_dim3A_88 : vector<4x1x1xf32> to vector<4x1xf32>
      %jit3A_128 = arith.constant 0.000000e+00 : f32
      %broadcast_in_dim3A_129 = vector.shape_cast %squeeze3A_127 : vector<4x1xf32> to vector<4x1xf32>
      %broadcast_in_dim3A_130 = vector.broadcast %broadcast_in_dim3A_129 : vector<4x1xf32> to vector<4x1024xf32>
      %broadcast_in_dim3A_131 = vector.broadcast %jit3A_128 : f32 to vector<4x1024xf32>
      %select_n3A_132 = arith.select %eq3A_123, %broadcast_in_dim3A_130, %broadcast_in_dim3A_131 : vector<4x1024xi1>, vector<4x1024xf32>
      %add3A_133 = arith.addf %get3A_126, %select_n3A_132 : vector<4x1024xf32>
      %swap3A_134 = arith.constant 0 : index
      %swap3A_135 = arith.constant 0 : index
      %swap3A_136 = vector.load %arg3[%swap3A_134, %swap3A_135] : memref<4x1024xf32, #tpu.memory_space<vmem>>, vector<4x1024xf32>
      tpu.vector_store %arg3[%swap3A_134, %swap3A_135], %add3A_133 {strides = array<i32>} : memref<4x1024xf32, #tpu.memory_space<vmem>>, vector<4x1024xf32>,
      %get3A_137 = arith.constant 0 : index
      %get3A_138 = arith.constant 0 : index
      %get3A_139 = vector.load %arg4[%get3A_137, %get3A_138] : memref<4x1024xf32, #tpu.memory_space<vmem>>, vector<4x1024xf32>
      %squeeze3A_140 = vector.shape_cast %broadcast_in_dim3A_97 : vector<4x1x1xf32> to vector<4x1xf32>
      %jit3A_141 = arith.constant 0.000000e+00 : f32
      %broadcast_in_dim3A_142 = vector.shape_cast %squeeze3A_140 : vector<4x1xf32> to vector<4x1xf32>
      %broadcast_in_dim3A_143 = vector.broadcast %broadcast_in_dim3A_142 : vector<4x1xf32> to vector<4x1024xf32>
      %broadcast_in_dim3A_144 = vector.broadcast %jit3A_141 : f32 to vector<4x1024xf32>
      %select_n3A_145 = arith.select %eq3A_123, %broadcast_in_dim3A_143, %broadcast_in_dim3A_144 : vector<4x1024xi1>, vector<4x1024xf32>
      %add3A_146 = arith.addf %get3A_139, %select_n3A_145 : vector<4x1024xf32>
      %swap3A_147 = arith.constant 0 : index
      %swap3A_148 = arith.constant 0 : index
      %swap3A_149 = vector.load %arg4[%swap3A_147, %swap3A_148] : memref<4x1024xf32, #tpu.memory_space<vmem>>, vector<4x1024xf32>
      tpu.vector_store %arg4[%swap3A_147, %swap3A_148], %add3A_146 {strides = array<i32>} : memref<4x1024xf32, #tpu.memory_space<vmem>>, vector<4x1024xf32>,
      %get3A_150 = arith.constant 0 : index
      %get3A_151 = arith.constant 0 : index
      %get3A_152 = vector.load %arg5[%get3A_150, %get3A_151] : memref<4x1024xf32, #tpu.memory_space<vmem>>, vector<4x1024xf32>
      %squeeze3A_153 = vector.shape_cast %broadcast_in_dim3A_106 : vector<4x1x1xf32> to vector<4x1xf32>
      %jit3A_154 = arith.constant 0.000000e+00 : f32
      %broadcast_in_dim3A_155 = vector.shape_cast %squeeze3A_153 : vector<4x1xf32> to vector<4x1xf32>
      %broadcast_in_dim3A_156 = vector.broadcast %broadcast_in_dim3A_155 : vector<4x1xf32> to vector<4x1024xf32>
      %broadcast_in_dim3A_157 = vector.broadcast %jit3A_154 : f32 to vector<4x1024xf32>
      %select_n3A_158 = arith.select %eq3A_123, %broadcast_in_dim3A_156, %broadcast_in_dim3A_157 : vector<4x1024xi1>, vector<4x1024xf32>
      %add3A_159 = arith.addf %get3A_152, %select_n3A_158 : vector<4x1024xf32>
      %swap3A_160 = arith.constant 0 : index
      %swap3A_161 = arith.constant 0 : index
      %swap3A_162 = vector.load %arg5[%swap3A_160, %swap3A_161] : memref<4x1024xf32, #tpu.memory_space<vmem>>, vector<4x1024xf32>
      tpu.vector_store %arg5[%swap3A_160, %swap3A_161], %add3A_159 {strides = array<i32>} : memref<4x1024xf32, #tpu.memory_space<vmem>>, vector<4x1024xf32>,
    }
    %scan3A_58 = arith.constant 1023 : i32
    return
  }
}

module attributes {stable_mosaic.version = 14 : i64} {
  func.func @_select_body(%arg0: i32, %arg1: i32, %arg2: memref<1x128x8xf32, #tpu.memory_space<vmem>>, %arg3: memref<1x1x128xf32, #tpu.memory_space<vmem>>, %arg4: memref<1x8x8192xf32, #tpu.memory_space<vmem>>, %arg5: memref<1x1x8192xf32, #tpu.memory_space<vmem>>, %arg6: memref<1x32x128xi32, #tpu.memory_space<vmem>>, %arg7: memref<1x32x128xi32, #tpu.memory_space<vmem>>) attributes {dimension_semantics = [#tpu.dimension_semantics<arbitrary>, #tpu.dimension_semantics<arbitrary>], iteration_bounds = array<i64: 4, 8>, scalar_prefetch = 0 : i64, scratch_operands = 0 : i64, tpu.core_type = #tpu.core_type<tc>, window_params = [{transform_indices = @transform_0, window_bounds = array<i64: 1, 128, 8>}, {transform_indices = @transform_1, window_bounds = array<i64: 1, 1, 128>}, {transform_indices = @transform_2, window_bounds = array<i64: 1, 8, 8192>}, {transform_indices = @transform_3, window_bounds = array<i64: 1, 1, 8192>}, {transform_indices = @transform_4, window_bounds = array<i64: 1, 32, 128>}, {transform_indices = @transform_5, window_bounds = array<i64: 1, 32, 128>}]} {
    %get3A = arith.constant 0 : index
    %get3A_0 = arith.constant 0 : index
    %get3A_1 = arith.constant 0 : index
    %get3A_2 = vector.load %arg2[%get3A, %get3A_0, %get3A_1] : memref<1x128x8xf32, #tpu.memory_space<vmem>>, vector<1x128x8xf32>
    %get3A_3 = vector.shape_cast %get3A_2 : vector<1x128x8xf32> to vector<128x8xf32>
    %get3A_4 = arith.constant 0 : index
    %get3A_5 = arith.constant 0 : index
    %get3A_6 = arith.constant 0 : index
    %get3A_7 = vector.load %arg4[%get3A_4, %get3A_5, %get3A_6] : memref<1x8x8192xf32, #tpu.memory_space<vmem>>, vector<1x8x8192xf32>
    %get3A_8 = vector.shape_cast %get3A_7 : vector<1x8x8192xf32> to vector<8x8192xf32>
    %dot_general3A = arith.constant dense<0.000000e+00> : vector<128x8192xf32>
    %dot_general3A_9 = tpu.matmul %get3A_3, %get3A_8, %dot_general3A {dimension_numbers = #tpu.dot_dimension_numbers<[1], [0], [0], [1], [0, 0, 1, 1], [], []>, transpose_lhs_hint = false} : vector<128x8xf32>, vector<8x8192xf32>, vector<128x8192xf32> -> vector<128x8192xf32>
    %get3A_10 = arith.constant 0 : index
    %get3A_11 = arith.constant 0 : index
    %get3A_12 = arith.constant 0 : index
    %get3A_13 = vector.load %arg3[%get3A_10, %get3A_11, %get3A_12] : memref<1x1x128xf32, #tpu.memory_space<vmem>>, vector<1x1x128xf32>
    %get3A_14 = vector.shape_cast %get3A_13 : vector<1x1x128xf32> to vector<128xf32>
    %broadcast_in_dim3A = vector.shape_cast %get3A_14 : vector<128xf32> to vector<128x1xf32>
    %get3A_15 = arith.constant 0 : index
    %get3A_16 = arith.constant 0 : index
    %get3A_17 = arith.constant 0 : index
    %get3A_18 = vector.load %arg5[%get3A_15, %get3A_16, %get3A_17] : memref<1x1x8192xf32, #tpu.memory_space<vmem>>, vector<1x1x8192xf32>
    %get3A_19 = vector.shape_cast %get3A_18 : vector<1x1x8192xf32> to vector<8192xf32>
    %broadcast_in_dim3A_20 = vector.shape_cast %get3A_19 : vector<8192xf32> to vector<1x8192xf32>
    %add3A = vector.broadcast %broadcast_in_dim3A : vector<128x1xf32> to vector<128x8192xf32>
    %add3A_21 = vector.broadcast %broadcast_in_dim3A_20 : vector<1x8192xf32> to vector<128x8192xf32>
    %add3A_22 = arith.addf %add3A, %add3A_21 : vector<128x8192xf32>
    %mul3A = arith.constant 2.000000e+00 : f32
    %mul3A_23 = vector.broadcast %mul3A : f32 to vector<128x8192xf32>
    %mul3A_24 = arith.mulf %mul3A_23, %dot_general3A_9 : vector<128x8192xf32>
    %sub3A = arith.subf %add3A_22, %mul3A_24 : vector<128x8192xf32>
    %le3A = arith.constant 4.000000e-02 : f32
    %le3A_25 = vector.broadcast %le3A : f32 to vector<128x8192xf32>
    %le3A_26 = arith.cmpf ole, %sub3A, %le3A_25 : vector<128x8192xf32>
    %jit3A = arith.constant 0x7F800000 : f32
    %broadcast_in_dim3A_27 = vector.broadcast %jit3A : f32 to vector<128x8192xf32>
    %select_n3A = arith.select %le3A_26, %sub3A, %broadcast_in_dim3A_27 : vector<128x8192xi1>, vector<128x8192xf32>
    %iota3A = tpu.iota {dimensions = array<i32: 1>} : vector<128x8192xi32>
    %reduce_min3A = arith.constant dense<0x7F800000> : vector<128xf32>
    %reduce_min3A_28 = vector.multi_reduction <minimumf>, %select_n3A, %reduce_min3A [1] : vector<128x8192xf32> to vector<128xf32>
    %broadcast_in_dim3A_29 = vector.shape_cast %reduce_min3A_28 : vector<128xf32> to vector<128x1xf32>
    %squeeze3A = vector.shape_cast %broadcast_in_dim3A_29 : vector<128x1xf32> to vector<128xf32>
    %lt3A = arith.constant 0x7F800000 : f32
    %lt3A_30 = vector.broadcast %lt3A : f32 to vector<128xf32>
    %lt3A_31 = arith.cmpf olt, %squeeze3A, %lt3A_30 : vector<128xf32>
    %eq3A = vector.broadcast %broadcast_in_dim3A_29 : vector<128x1xf32> to vector<128x8192xf32>
    %eq3A_32 = arith.cmpf oeq, %select_n3A, %eq3A : vector<128x8192xf32>
    %jit3A_33 = arith.constant 8192 : i32
    %broadcast_in_dim3A_34 = vector.broadcast %jit3A_33 : i32 to vector<128x8192xi32>
    %select_n3A_35 = arith.select %eq3A_32, %iota3A, %broadcast_in_dim3A_34 : vector<128x8192xi1>, vector<128x8192xi32>
    %reduce_min3A_36 = arith.constant dense<2147483647> : vector<128xi32>
    %reduce_min3A_37 = vector.multi_reduction <minsi>, %select_n3A_35, %reduce_min3A_36 [1] : vector<128x8192xi32> to vector<128xi32>
    %mul3A_38 = arith.constant 8192 : i32
    %mul3A_39 = arith.muli %arg0, %mul3A_38 : i32
    %add3A_40 = vector.broadcast %mul3A_39 : i32 to vector<128xi32>
    %add3A_41 = arith.addi %reduce_min3A_37, %add3A_40 : vector<128xi32>
    %jit3A_42 = arith.constant 32768 : i32
    %broadcast_in_dim3A_43 = vector.broadcast %jit3A_42 : i32 to vector<128xi32>
    %select_n3A_44 = arith.select %lt3A_31, %add3A_41, %broadcast_in_dim3A_43 : vector<128xi1>, vector<128xi32>
    %jit3A_45 = arith.constant -1 : i32
    %broadcast_in_dim3A_46 = vector.broadcast %jit3A_45 : i32 to vector<128xi32>
    %select_n3A_47 = arith.select %lt3A_31, %add3A_41, %broadcast_in_dim3A_46 : vector<128xi1>, vector<128xi32>
    %swap3A = arith.constant 0 : index
    %swap3A_48 = arith.constant 0 : index
    %swap3A_49 = arith.constant 0 : index
    %swap3A_50 = vector.load %arg6[%swap3A, %swap3A_48, %swap3A_49] : memref<1x32x128xi32, #tpu.memory_space<vmem>>, vector<1x1x128xi32>
    %swap3A_51 = vector.shape_cast %swap3A_50 : vector<1x1x128xi32> to vector<128xi32>
    %swap3A_52 = vector.shape_cast %select_n3A_47 : vector<128xi32> to vector<1x1x128xi32>
    tpu.vector_store %arg6[%swap3A, %swap3A_48, %swap3A_49], %swap3A_52 {strides = array<i32>} : memref<1x32x128xi32, #tpu.memory_space<vmem>>, vector<1x1x128xi32>,
    %select_n3A_53 = arith.select %lt3A_31, %add3A_41, %select_n3A_44 : vector<128xi1>, vector<128xi32>
    %swap3A_54 = arith.constant 0 : index
    %swap3A_55 = arith.constant 0 : index
    %swap3A_56 = arith.constant 0 : index
    %swap3A_57 = vector.load %arg7[%swap3A_54, %swap3A_55, %swap3A_56] : memref<1x32x128xi32, #tpu.memory_space<vmem>>, vector<1x1x128xi32>
    %swap3A_58 = vector.shape_cast %swap3A_57 : vector<1x1x128xi32> to vector<128xi32>
    %swap3A_59 = vector.shape_cast %select_n3A_53 : vector<128xi32> to vector<1x1x128xi32>
    tpu.vector_store %arg7[%swap3A_54, %swap3A_55, %swap3A_56], %swap3A_59 {strides = array<i32>} : memref<1x32x128xi32, #tpu.memory_space<vmem>>, vector<1x1x128xi32>,
    %broadcast_in_dim3A_60 = vector.shape_cast %reduce_min3A_37 : vector<128xi32> to vector<128x1xi32>
    %eq3A_61 = vector.broadcast %broadcast_in_dim3A_60 : vector<128x1xi32> to vector<128x8192xi32>
    %eq3A_62 = arith.cmpi eq, %iota3A, %eq3A_61 : vector<128x8192xi32>
    %jit3A_63 = arith.constant 0x7F800000 : f32
    %broadcast_in_dim3A_64 = vector.broadcast %jit3A_63 : f32 to vector<128x8192xf32>
    %select_n3A_65 = arith.select %eq3A_62, %broadcast_in_dim3A_64, %select_n3A : vector<128x8192xi1>, vector<128x8192xf32>
    %reduce_min3A_66 = arith.constant dense<0x7F800000> : vector<128xf32>
    %reduce_min3A_67 = vector.multi_reduction <minimumf>, %select_n3A_65, %reduce_min3A_66 [1] : vector<128x8192xf32> to vector<128xf32>
    %broadcast_in_dim3A_68 = vector.shape_cast %reduce_min3A_67 : vector<128xf32> to vector<128x1xf32>
    %squeeze3A_69 = vector.shape_cast %broadcast_in_dim3A_68 : vector<128x1xf32> to vector<128xf32>
    %lt3A_70 = arith.constant 0x7F800000 : f32
    %lt3A_71 = vector.broadcast %lt3A_70 : f32 to vector<128xf32>
    %lt3A_72 = arith.cmpf olt, %squeeze3A_69, %lt3A_71 : vector<128xf32>
    %eq3A_73 = vector.broadcast %broadcast_in_dim3A_68 : vector<128x1xf32> to vector<128x8192xf32>
    %eq3A_74 = arith.cmpf oeq, %select_n3A_65, %eq3A_73 : vector<128x8192xf32>
    %jit3A_75 = arith.constant 8192 : i32
    %broadcast_in_dim3A_76 = vector.broadcast %jit3A_75 : i32 to vector<128x8192xi32>
    %select_n3A_77 = arith.select %eq3A_74, %iota3A, %broadcast_in_dim3A_76 : vector<128x8192xi1>, vector<128x8192xi32>
    %reduce_min3A_78 = arith.constant dense<2147483647> : vector<128xi32>
    %reduce_min3A_79 = vector.multi_reduction <minsi>, %select_n3A_77, %reduce_min3A_78 [1] : vector<128x8192xi32> to vector<128xi32>
    %mul3A_80 = arith.constant 8192 : i32
    %mul3A_81 = arith.muli %arg0, %mul3A_80 : i32
    %add3A_82 = vector.broadcast %mul3A_81 : i32 to vector<128xi32>
    %add3A_83 = arith.addi %reduce_min3A_79, %add3A_82 : vector<128xi32>
    %jit3A_84 = arith.constant -1 : i32
    %broadcast_in_dim3A_85 = vector.broadcast %jit3A_84 : i32 to vector<128xi32>
    %select_n3A_86 = arith.select %lt3A_72, %add3A_83, %broadcast_in_dim3A_85 : vector<128xi1>, vector<128xi32>
    %swap3A_87 = arith.constant 0 : index
    %swap3A_88 = arith.constant 1 : index
    %swap3A_89 = arith.constant 0 : index
    %swap3A_90 = vector.load %arg6[%swap3A_87, %swap3A_88, %swap3A_89] : memref<1x32x128xi32, #tpu.memory_space<vmem>>, vector<1x1x128xi32>
    %swap3A_91 = vector.shape_cast %swap3A_90 : vector<1x1x128xi32> to vector<128xi32>
    %swap3A_92 = vector.shape_cast %select_n3A_86 : vector<128xi32> to vector<1x1x128xi32>
    tpu.vector_store %arg6[%swap3A_87, %swap3A_88, %swap3A_89], %swap3A_92 {strides = array<i32>} : memref<1x32x128xi32, #tpu.memory_space<vmem>>, vector<1x1x128xi32>,
    %select_n3A_93 = arith.select %lt3A_72, %add3A_83, %select_n3A_44 : vector<128xi1>, vector<128xi32>
    %swap3A_94 = arith.constant 0 : index
    %swap3A_95 = arith.constant 1 : index
    %swap3A_96 = arith.constant 0 : index
    %swap3A_97 = vector.load %arg7[%swap3A_94, %swap3A_95, %swap3A_96] : memref<1x32x128xi32, #tpu.memory_space<vmem>>, vector<1x1x128xi32>
    %swap3A_98 = vector.shape_cast %swap3A_97 : vector<1x1x128xi32> to vector<128xi32>
    %swap3A_99 = vector.shape_cast %select_n3A_93 : vector<128xi32> to vector<1x1x128xi32>
    tpu.vector_store %arg7[%swap3A_94, %swap3A_95, %swap3A_96], %swap3A_99 {strides = array<i32>} : memref<1x32x128xi32, #tpu.memory_space<vmem>>, vector<1x1x128xi32>,
    %broadcast_in_dim3A_100 = vector.shape_cast %reduce_min3A_79 : vector<128xi32> to vector<128x1xi32>
    %eq3A_101 = vector.broadcast %broadcast_in_dim3A_100 : vector<128x1xi32> to vector<128x8192xi32>
    %eq3A_102 = arith.cmpi eq, %iota3A, %eq3A_101 : vector<128x8192xi32>
    %jit3A_103 = arith.constant 0x7F800000 : f32
    %broadcast_in_dim3A_104 = vector.broadcast %jit3A_103 : f32 to vector<128x8192xf32>
    %select_n3A_105 = arith.select %eq3A_102, %broadcast_in_dim3A_104, %select_n3A_65 : vector<128x8192xi1>, vector<128x8192xf32>
    %reduce_min3A_106 = arith.constant dense<0x7F800000> : vector<128xf32>
    %reduce_min3A_107 = vector.multi_reduction <minimumf>, %select_n3A_105, %reduce_min3A_106 [1] : vector<128x8192xf32> to vector<128xf32>
    %broadcast_in_dim3A_108 = vector.shape_cast %reduce_min3A_107 : vector<128xf32> to vector<128x1xf32>
    %squeeze3A_109 = vector.shape_cast %broadcast_in_dim3A_108 : vector<128x1xf32> to vector<128xf32>
    %lt3A_110 = arith.constant 0x7F800000 : f32
    %lt3A_111 = vector.broadcast %lt3A_110 : f32 to vector<128xf32>
    %lt3A_112 = arith.cmpf olt, %squeeze3A_109, %lt3A_111 : vector<128xf32>
    %eq3A_113 = vector.broadcast %broadcast_in_dim3A_108 : vector<128x1xf32> to vector<128x8192xf32>
    %eq3A_114 = arith.cmpf oeq, %select_n3A_105, %eq3A_113 : vector<128x8192xf32>
    %jit3A_115 = arith.constant 8192 : i32
    %broadcast_in_dim3A_116 = vector.broadcast %jit3A_115 : i32 to vector<128x8192xi32>
    %select_n3A_117 = arith.select %eq3A_114, %iota3A, %broadcast_in_dim3A_116 : vector<128x8192xi1>, vector<128x8192xi32>
    %reduce_min3A_118 = arith.constant dense<2147483647> : vector<128xi32>
    %reduce_min3A_119 = vector.multi_reduction <minsi>, %select_n3A_117, %reduce_min3A_118 [1] : vector<128x8192xi32> to vector<128xi32>
    %mul3A_120 = arith.constant 8192 : i32
    %mul3A_121 = arith.muli %arg0, %mul3A_120 : i32
    %add3A_122 = vector.broadcast %mul3A_121 : i32 to vector<128xi32>
    %add3A_123 = arith.addi %reduce_min3A_119, %add3A_122 : vector<128xi32>
    %jit3A_124 = arith.constant -1 : i32
    %broadcast_in_dim3A_125 = vector.broadcast %jit3A_124 : i32 to vector<128xi32>
    %select_n3A_126 = arith.select %lt3A_112, %add3A_123, %broadcast_in_dim3A_125 : vector<128xi1>, vector<128xi32>
    %swap3A_127 = arith.constant 0 : index
    %swap3A_128 = arith.constant 2 : index
    %swap3A_129 = arith.constant 0 : index
    %swap3A_130 = vector.load %arg6[%swap3A_127, %swap3A_128, %swap3A_129] : memref<1x32x128xi32, #tpu.memory_space<vmem>>, vector<1x1x128xi32>
    %swap3A_131 = vector.shape_cast %swap3A_130 : vector<1x1x128xi32> to vector<128xi32>
    %swap3A_132 = vector.shape_cast %select_n3A_126 : vector<128xi32> to vector<1x1x128xi32>
    tpu.vector_store %arg6[%swap3A_127, %swap3A_128, %swap3A_129], %swap3A_132 {strides = array<i32>} : memref<1x32x128xi32, #tpu.memory_space<vmem>>, vector<1x1x128xi32>,
    %select_n3A_133 = arith.select %lt3A_112, %add3A_123, %select_n3A_44 : vector<128xi1>, vector<128xi32>
    %swap3A_134 = arith.constant 0 : index
    %swap3A_135 = arith.constant 2 : index
    %swap3A_136 = arith.constant 0 : index
    %swap3A_137 = vector.load %arg7[%swap3A_134, %swap3A_135, %swap3A_136] : memref<1x32x128xi32, #tpu.memory_space<vmem>>, vector<1x1x128xi32>
    %swap3A_138 = vector.shape_cast %swap3A_137 : vector<1x1x128xi32> to vector<128xi32>
    %swap3A_139 = vector.shape_cast %select_n3A_133 : vector<128xi32> to vector<1x1x128xi32>
    tpu.vector_store %arg7[%swap3A_134, %swap3A_135, %swap3A_136], %swap3A_139 {strides = array<i32>} : memref<1x32x128xi32, #tpu.memory_space<vmem>>, vector<1x1x128xi32>,
    %broadcast_in_dim3A_140 = vector.shape_cast %reduce_min3A_119 : vector<128xi32> to vector<128x1xi32>
    %eq3A_141 = vector.broadcast %broadcast_in_dim3A_140 : vector<128x1xi32> to vector<128x8192xi32>
    %eq3A_142 = arith.cmpi eq, %iota3A, %eq3A_141 : vector<128x8192xi32>
    %jit3A_143 = arith.constant 0x7F800000 : f32
    %broadcast_in_dim3A_144 = vector.broadcast %jit3A_143 : f32 to vector<128x8192xf32>
    %select_n3A_145 = arith.select %eq3A_142, %broadcast_in_dim3A_144, %select_n3A_105 : vector<128x8192xi1>, vector<128x8192xf32>
    %reduce_min3A_146 = arith.constant dense<0x7F800000> : vector<128xf32>
    %reduce_min3A_147 = vector.multi_reduction <minimumf>, %select_n3A_145, %reduce_min3A_146 [1] : vector<128x8192xf32> to vector<128xf32>
    %broadcast_in_dim3A_148 = vector.shape_cast %reduce_min3A_147 : vector<128xf32> to vector<128x1xf32>
    %squeeze3A_149 = vector.shape_cast %broadcast_in_dim3A_148 : vector<128x1xf32> to vector<128xf32>
    %lt3A_150 = arith.constant 0x7F800000 : f32
    %lt3A_151 = vector.broadcast %lt3A_150 : f32 to vector<128xf32>
    %lt3A_152 = arith.cmpf olt, %squeeze3A_149, %lt3A_151 : vector<128xf32>
    %eq3A_153 = vector.broadcast %broadcast_in_dim3A_148 : vector<128x1xf32> to vector<128x8192xf32>
    %eq3A_154 = arith.cmpf oeq, %select_n3A_145, %eq3A_153 : vector<128x8192xf32>
    %jit3A_155 = arith.constant 8192 : i32
    %broadcast_in_dim3A_156 = vector.broadcast %jit3A_155 : i32 to vector<128x8192xi32>
    %select_n3A_157 = arith.select %eq3A_154, %iota3A, %broadcast_in_dim3A_156 : vector<128x8192xi1>, vector<128x8192xi32>
    %reduce_min3A_158 = arith.constant dense<2147483647> : vector<128xi32>
    %reduce_min3A_159 = vector.multi_reduction <minsi>, %select_n3A_157, %reduce_min3A_158 [1] : vector<128x8192xi32> to vector<128xi32>
    %mul3A_160 = arith.constant 8192 : i32
    %mul3A_161 = arith.muli %arg0, %mul3A_160 : i32
    %add3A_162 = vector.broadcast %mul3A_161 : i32 to vector<128xi32>
    %add3A_163 = arith.addi %reduce_min3A_159, %add3A_162 : vector<128xi32>
    %jit3A_164 = arith.constant -1 : i32
    %broadcast_in_dim3A_165 = vector.broadcast %jit3A_164 : i32 to vector<128xi32>
    %select_n3A_166 = arith.select %lt3A_152, %add3A_163, %broadcast_in_dim3A_165 : vector<128xi1>, vector<128xi32>
    %swap3A_167 = arith.constant 0 : index
    %swap3A_168 = arith.constant 3 : index
    %swap3A_169 = arith.constant 0 : index
    %swap3A_170 = vector.load %arg6[%swap3A_167, %swap3A_168, %swap3A_169] : memref<1x32x128xi32, #tpu.memory_space<vmem>>, vector<1x1x128xi32>
    %swap3A_171 = vector.shape_cast %swap3A_170 : vector<1x1x128xi32> to vector<128xi32>
    %swap3A_172 = vector.shape_cast %select_n3A_166 : vector<128xi32> to vector<1x1x128xi32>
    tpu.vector_store %arg6[%swap3A_167, %swap3A_168, %swap3A_169], %swap3A_172 {strides = array<i32>} : memref<1x32x128xi32, #tpu.memory_space<vmem>>, vector<1x1x128xi32>,
    %select_n3A_173 = arith.select %lt3A_152, %add3A_163, %select_n3A_44 : vector<128xi1>, vector<128xi32>
    %swap3A_174 = arith.constant 0 : index
    %swap3A_175 = arith.constant 3 : index
    %swap3A_176 = arith.constant 0 : index
    %swap3A_177 = vector.load %arg7[%swap3A_174, %swap3A_175, %swap3A_176] : memref<1x32x128xi32, #tpu.memory_space<vmem>>, vector<1x1x128xi32>
    %swap3A_178 = vector.shape_cast %swap3A_177 : vector<1x1x128xi32> to vector<128xi32>
    %swap3A_179 = vector.shape_cast %select_n3A_173 : vector<128xi32> to vector<1x1x128xi32>
    tpu.vector_store %arg7[%swap3A_174, %swap3A_175, %swap3A_176], %swap3A_179 {strides = array<i32>} : memref<1x32x128xi32, #tpu.memory_space<vmem>>, vector<1x1x128xi32>,
    %broadcast_in_dim3A_180 = vector.shape_cast %reduce_min3A_159 : vector<128xi32> to vector<128x1xi32>
    %eq3A_181 = vector.broadcast %broadcast_in_dim3A_180 : vector<128x1xi32> to vector<128x8192xi32>
    %eq3A_182 = arith.cmpi eq, %iota3A, %eq3A_181 : vector<128x8192xi32>
    %jit3A_183 = arith.constant 0x7F800000 : f32
    %broadcast_in_dim3A_184 = vector.broadcast %jit3A_183 : f32 to vector<128x8192xf32>
    %select_n3A_185 = arith.select %eq3A_182, %broadcast_in_dim3A_184, %select_n3A_145 : vector<128x8192xi1>, vector<128x8192xf32>
    %reduce_min3A_186 = arith.constant dense<0x7F800000> : vector<128xf32>
    %reduce_min3A_187 = vector.multi_reduction <minimumf>, %select_n3A_185, %reduce_min3A_186 [1] : vector<128x8192xf32> to vector<128xf32>
    %broadcast_in_dim3A_188 = vector.shape_cast %reduce_min3A_187 : vector<128xf32> to vector<128x1xf32>
    %squeeze3A_189 = vector.shape_cast %broadcast_in_dim3A_188 : vector<128x1xf32> to vector<128xf32>
    %lt3A_190 = arith.constant 0x7F800000 : f32
    %lt3A_191 = vector.broadcast %lt3A_190 : f32 to vector<128xf32>
    %lt3A_192 = arith.cmpf olt, %squeeze3A_189, %lt3A_191 : vector<128xf32>
    %eq3A_193 = vector.broadcast %broadcast_in_dim3A_188 : vector<128x1xf32> to vector<128x8192xf32>
    %eq3A_194 = arith.cmpf oeq, %select_n3A_185, %eq3A_193 : vector<128x8192xf32>
    %jit3A_195 = arith.constant 8192 : i32
    %broadcast_in_dim3A_196 = vector.broadcast %jit3A_195 : i32 to vector<128x8192xi32>
    %select_n3A_197 = arith.select %eq3A_194, %iota3A, %broadcast_in_dim3A_196 : vector<128x8192xi1>, vector<128x8192xi32>
    %reduce_min3A_198 = arith.constant dense<2147483647> : vector<128xi32>
    %reduce_min3A_199 = vector.multi_reduction <minsi>, %select_n3A_197, %reduce_min3A_198 [1] : vector<128x8192xi32> to vector<128xi32>
    %mul3A_200 = arith.constant 8192 : i32
    %mul3A_201 = arith.muli %arg0, %mul3A_200 : i32
    %add3A_202 = vector.broadcast %mul3A_201 : i32 to vector<128xi32>
    %add3A_203 = arith.addi %reduce_min3A_199, %add3A_202 : vector<128xi32>
    %jit3A_204 = arith.constant -1 : i32
    %broadcast_in_dim3A_205 = vector.broadcast %jit3A_204 : i32 to vector<128xi32>
    %select_n3A_206 = arith.select %lt3A_192, %add3A_203, %broadcast_in_dim3A_205 : vector<128xi1>, vector<128xi32>
    %swap3A_207 = arith.constant 0 : index
    %swap3A_208 = arith.constant 4 : index
    %swap3A_209 = arith.constant 0 : index
    %swap3A_210 = vector.load %arg6[%swap3A_207, %swap3A_208, %swap3A_209] : memref<1x32x128xi32, #tpu.memory_space<vmem>>, vector<1x1x128xi32>
    %swap3A_211 = vector.shape_cast %swap3A_210 : vector<1x1x128xi32> to vector<128xi32>
    %swap3A_212 = vector.shape_cast %select_n3A_206 : vector<128xi32> to vector<1x1x128xi32>
    tpu.vector_store %arg6[%swap3A_207, %swap3A_208, %swap3A_209], %swap3A_212 {strides = array<i32>} : memref<1x32x128xi32, #tpu.memory_space<vmem>>, vector<1x1x128xi32>,
    %select_n3A_213 = arith.select %lt3A_192, %add3A_203, %select_n3A_44 : vector<128xi1>, vector<128xi32>
    %swap3A_214 = arith.constant 0 : index
    %swap3A_215 = arith.constant 4 : index
    %swap3A_216 = arith.constant 0 : index
    %swap3A_217 = vector.load %arg7[%swap3A_214, %swap3A_215, %swap3A_216] : memref<1x32x128xi32, #tpu.memory_space<vmem>>, vector<1x1x128xi32>
    %swap3A_218 = vector.shape_cast %swap3A_217 : vector<1x1x128xi32> to vector<128xi32>
    %swap3A_219 = vector.shape_cast %select_n3A_213 : vector<128xi32> to vector<1x1x128xi32>
    tpu.vector_store %arg7[%swap3A_214, %swap3A_215, %swap3A_216], %swap3A_219 {strides = array<i32>} : memref<1x32x128xi32, #tpu.memory_space<vmem>>, vector<1x1x128xi32>,
    %broadcast_in_dim3A_220 = vector.shape_cast %reduce_min3A_199 : vector<128xi32> to vector<128x1xi32>
    %eq3A_221 = vector.broadcast %broadcast_in_dim3A_220 : vector<128x1xi32> to vector<128x8192xi32>
    %eq3A_222 = arith.cmpi eq, %iota3A, %eq3A_221 : vector<128x8192xi32>
    %jit3A_223 = arith.constant 0x7F800000 : f32
    %broadcast_in_dim3A_224 = vector.broadcast %jit3A_223 : f32 to vector<128x8192xf32>
    %select_n3A_225 = arith.select %eq3A_222, %broadcast_in_dim3A_224, %select_n3A_185 : vector<128x8192xi1>, vector<128x8192xf32>
    %reduce_min3A_226 = arith.constant dense<0x7F800000> : vector<128xf32>
    %reduce_min3A_227 = vector.multi_reduction <minimumf>, %select_n3A_225, %reduce_min3A_226 [1] : vector<128x8192xf32> to vector<128xf32>
    %broadcast_in_dim3A_228 = vector.shape_cast %reduce_min3A_227 : vector<128xf32> to vector<128x1xf32>
    %squeeze3A_229 = vector.shape_cast %broadcast_in_dim3A_228 : vector<128x1xf32> to vector<128xf32>
    %lt3A_230 = arith.constant 0x7F800000 : f32
    %lt3A_231 = vector.broadcast %lt3A_230 : f32 to vector<128xf32>
    %lt3A_232 = arith.cmpf olt, %squeeze3A_229, %lt3A_231 : vector<128xf32>
    %eq3A_233 = vector.broadcast %broadcast_in_dim3A_228 : vector<128x1xf32> to vector<128x8192xf32>
    %eq3A_234 = arith.cmpf oeq, %select_n3A_225, %eq3A_233 : vector<128x8192xf32>
    %jit3A_235 = arith.constant 8192 : i32
    %broadcast_in_dim3A_236 = vector.broadcast %jit3A_235 : i32 to vector<128x8192xi32>
    %select_n3A_237 = arith.select %eq3A_234, %iota3A, %broadcast_in_dim3A_236 : vector<128x8192xi1>, vector<128x8192xi32>
    %reduce_min3A_238 = arith.constant dense<2147483647> : vector<128xi32>
    %reduce_min3A_239 = vector.multi_reduction <minsi>, %select_n3A_237, %reduce_min3A_238 [1] : vector<128x8192xi32> to vector<128xi32>
    %mul3A_240 = arith.constant 8192 : i32
    %mul3A_241 = arith.muli %arg0, %mul3A_240 : i32
    %add3A_242 = vector.broadcast %mul3A_241 : i32 to vector<128xi32>
    %add3A_243 = arith.addi %reduce_min3A_239, %add3A_242 : vector<128xi32>
    %jit3A_244 = arith.constant -1 : i32
    %broadcast_in_dim3A_245 = vector.broadcast %jit3A_244 : i32 to vector<128xi32>
    %select_n3A_246 = arith.select %lt3A_232, %add3A_243, %broadcast_in_dim3A_245 : vector<128xi1>, vector<128xi32>
    %swap3A_247 = arith.constant 0 : index
    %swap3A_248 = arith.constant 5 : index
    %swap3A_249 = arith.constant 0 : index
    %swap3A_250 = vector.load %arg6[%swap3A_247, %swap3A_248, %swap3A_249] : memref<1x32x128xi32, #tpu.memory_space<vmem>>, vector<1x1x128xi32>
    %swap3A_251 = vector.shape_cast %swap3A_250 : vector<1x1x128xi32> to vector<128xi32>
    %swap3A_252 = vector.shape_cast %select_n3A_246 : vector<128xi32> to vector<1x1x128xi32>
    tpu.vector_store %arg6[%swap3A_247, %swap3A_248, %swap3A_249], %swap3A_252 {strides = array<i32>} : memref<1x32x128xi32, #tpu.memory_space<vmem>>, vector<1x1x128xi32>,
    %select_n3A_253 = arith.select %lt3A_232, %add3A_243, %select_n3A_44 : vector<128xi1>, vector<128xi32>
    %swap3A_254 = arith.constant 0 : index
    %swap3A_255 = arith.constant 5 : index
    %swap3A_256 = arith.constant 0 : index
    %swap3A_257 = vector.load %arg7[%swap3A_254, %swap3A_255, %swap3A_256] : memref<1x32x128xi32, #tpu.memory_space<vmem>>, vector<1x1x128xi32>
    %swap3A_258 = vector.shape_cast %swap3A_257 : vector<1x1x128xi32> to vector<128xi32>
    %swap3A_259 = vector.shape_cast %select_n3A_253 : vector<128xi32> to vector<1x1x128xi32>
    tpu.vector_store %arg7[%swap3A_254, %swap3A_255, %swap3A_256], %swap3A_259 {strides = array<i32>} : memref<1x32x128xi32, #tpu.memory_space<vmem>>, vector<1x1x128xi32>,
    %broadcast_in_dim3A_260 = vector.shape_cast %reduce_min3A_239 : vector<128xi32> to vector<128x1xi32>
    %eq3A_261 = vector.broadcast %broadcast_in_dim3A_260 : vector<128x1xi32> to vector<128x8192xi32>
    %eq3A_262 = arith.cmpi eq, %iota3A, %eq3A_261 : vector<128x8192xi32>
    %jit3A_263 = arith.constant 0x7F800000 : f32
    %broadcast_in_dim3A_264 = vector.broadcast %jit3A_263 : f32 to vector<128x8192xf32>
    %select_n3A_265 = arith.select %eq3A_262, %broadcast_in_dim3A_264, %select_n3A_225 : vector<128x8192xi1>, vector<128x8192xf32>
    %reduce_min3A_266 = arith.constant dense<0x7F800000> : vector<128xf32>
    %reduce_min3A_267 = vector.multi_reduction <minimumf>, %select_n3A_265, %reduce_min3A_266 [1] : vector<128x8192xf32> to vector<128xf32>
    %broadcast_in_dim3A_268 = vector.shape_cast %reduce_min3A_267 : vector<128xf32> to vector<128x1xf32>
    %squeeze3A_269 = vector.shape_cast %broadcast_in_dim3A_268 : vector<128x1xf32> to vector<128xf32>
    %lt3A_270 = arith.constant 0x7F800000 : f32
    %lt3A_271 = vector.broadcast %lt3A_270 : f32 to vector<128xf32>
    %lt3A_272 = arith.cmpf olt, %squeeze3A_269, %lt3A_271 : vector<128xf32>
    %eq3A_273 = vector.broadcast %broadcast_in_dim3A_268 : vector<128x1xf32> to vector<128x8192xf32>
    %eq3A_274 = arith.cmpf oeq, %select_n3A_265, %eq3A_273 : vector<128x8192xf32>
    %jit3A_275 = arith.constant 8192 : i32
    %broadcast_in_dim3A_276 = vector.broadcast %jit3A_275 : i32 to vector<128x8192xi32>
    %select_n3A_277 = arith.select %eq3A_274, %iota3A, %broadcast_in_dim3A_276 : vector<128x8192xi1>, vector<128x8192xi32>
    %reduce_min3A_278 = arith.constant dense<2147483647> : vector<128xi32>
    %reduce_min3A_279 = vector.multi_reduction <minsi>, %select_n3A_277, %reduce_min3A_278 [1] : vector<128x8192xi32> to vector<128xi32>
    %mul3A_280 = arith.constant 8192 : i32
    %mul3A_281 = arith.muli %arg0, %mul3A_280 : i32
    %add3A_282 = vector.broadcast %mul3A_281 : i32 to vector<128xi32>
    %add3A_283 = arith.addi %reduce_min3A_279, %add3A_282 : vector<128xi32>
    %jit3A_284 = arith.constant -1 : i32
    %broadcast_in_dim3A_285 = vector.broadcast %jit3A_284 : i32 to vector<128xi32>
    %select_n3A_286 = arith.select %lt3A_272, %add3A_283, %broadcast_in_dim3A_285 : vector<128xi1>, vector<128xi32>
    %swap3A_287 = arith.constant 0 : index
    %swap3A_288 = arith.constant 6 : index
    %swap3A_289 = arith.constant 0 : index
    %swap3A_290 = vector.load %arg6[%swap3A_287, %swap3A_288, %swap3A_289] : memref<1x32x128xi32, #tpu.memory_space<vmem>>, vector<1x1x128xi32>
    %swap3A_291 = vector.shape_cast %swap3A_290 : vector<1x1x128xi32> to vector<128xi32>
    %swap3A_292 = vector.shape_cast %select_n3A_286 : vector<128xi32> to vector<1x1x128xi32>
    tpu.vector_store %arg6[%swap3A_287, %swap3A_288, %swap3A_289], %swap3A_292 {strides = array<i32>} : memref<1x32x128xi32, #tpu.memory_space<vmem>>, vector<1x1x128xi32>,
    %select_n3A_293 = arith.select %lt3A_272, %add3A_283, %select_n3A_44 : vector<128xi1>, vector<128xi32>
    %swap3A_294 = arith.constant 0 : index
    %swap3A_295 = arith.constant 6 : index
    %swap3A_296 = arith.constant 0 : index
    %swap3A_297 = vector.load %arg7[%swap3A_294, %swap3A_295, %swap3A_296] : memref<1x32x128xi32, #tpu.memory_space<vmem>>, vector<1x1x128xi32>
    %swap3A_298 = vector.shape_cast %swap3A_297 : vector<1x1x128xi32> to vector<128xi32>
    %swap3A_299 = vector.shape_cast %select_n3A_293 : vector<128xi32> to vector<1x1x128xi32>
    tpu.vector_store %arg7[%swap3A_294, %swap3A_295, %swap3A_296], %swap3A_299 {strides = array<i32>} : memref<1x32x128xi32, #tpu.memory_space<vmem>>, vector<1x1x128xi32>,
    %broadcast_in_dim3A_300 = vector.shape_cast %reduce_min3A_279 : vector<128xi32> to vector<128x1xi32>
    %eq3A_301 = vector.broadcast %broadcast_in_dim3A_300 : vector<128x1xi32> to vector<128x8192xi32>
    %eq3A_302 = arith.cmpi eq, %iota3A, %eq3A_301 : vector<128x8192xi32>
    %jit3A_303 = arith.constant 0x7F800000 : f32
    %broadcast_in_dim3A_304 = vector.broadcast %jit3A_303 : f32 to vector<128x8192xf32>
    %select_n3A_305 = arith.select %eq3A_302, %broadcast_in_dim3A_304, %select_n3A_265 : vector<128x8192xi1>, vector<128x8192xf32>
    %reduce_min3A_306 = arith.constant dense<0x7F800000> : vector<128xf32>
    %reduce_min3A_307 = vector.multi_reduction <minimumf>, %select_n3A_305, %reduce_min3A_306 [1] : vector<128x8192xf32> to vector<128xf32>
    %broadcast_in_dim3A_308 = vector.shape_cast %reduce_min3A_307 : vector<128xf32> to vector<128x1xf32>
    %squeeze3A_309 = vector.shape_cast %broadcast_in_dim3A_308 : vector<128x1xf32> to vector<128xf32>
    %lt3A_310 = arith.constant 0x7F800000 : f32
    %lt3A_311 = vector.broadcast %lt3A_310 : f32 to vector<128xf32>
    %lt3A_312 = arith.cmpf olt, %squeeze3A_309, %lt3A_311 : vector<128xf32>
    %eq3A_313 = vector.broadcast %broadcast_in_dim3A_308 : vector<128x1xf32> to vector<128x8192xf32>
    %eq3A_314 = arith.cmpf oeq, %select_n3A_305, %eq3A_313 : vector<128x8192xf32>
    %jit3A_315 = arith.constant 8192 : i32
    %broadcast_in_dim3A_316 = vector.broadcast %jit3A_315 : i32 to vector<128x8192xi32>
    %select_n3A_317 = arith.select %eq3A_314, %iota3A, %broadcast_in_dim3A_316 : vector<128x8192xi1>, vector<128x8192xi32>
    %reduce_min3A_318 = arith.constant dense<2147483647> : vector<128xi32>
    %reduce_min3A_319 = vector.multi_reduction <minsi>, %select_n3A_317, %reduce_min3A_318 [1] : vector<128x8192xi32> to vector<128xi32>
    %mul3A_320 = arith.constant 8192 : i32
    %mul3A_321 = arith.muli %arg0, %mul3A_320 : i32
    %add3A_322 = vector.broadcast %mul3A_321 : i32 to vector<128xi32>
    %add3A_323 = arith.addi %reduce_min3A_319, %add3A_322 : vector<128xi32>
    %jit3A_324 = arith.constant -1 : i32
    %broadcast_in_dim3A_325 = vector.broadcast %jit3A_324 : i32 to vector<128xi32>
    %select_n3A_326 = arith.select %lt3A_312, %add3A_323, %broadcast_in_dim3A_325 : vector<128xi1>, vector<128xi32>
    %swap3A_327 = arith.constant 0 : index
    %swap3A_328 = arith.constant 7 : index
    %swap3A_329 = arith.constant 0 : index
    %swap3A_330 = vector.load %arg6[%swap3A_327, %swap3A_328, %swap3A_329] : memref<1x32x128xi32, #tpu.memory_space<vmem>>, vector<1x1x128xi32>
    %swap3A_331 = vector.shape_cast %swap3A_330 : vector<1x1x128xi32> to vector<128xi32>
    %swap3A_332 = vector.shape_cast %select_n3A_326 : vector<128xi32> to vector<1x1x128xi32>
    tpu.vector_store %arg6[%swap3A_327, %swap3A_328, %swap3A_329], %swap3A_332 {strides = array<i32>} : memref<1x32x128xi32, #tpu.memory_space<vmem>>, vector<1x1x128xi32>,
    %select_n3A_333 = arith.select %lt3A_312, %add3A_323, %select_n3A_44 : vector<128xi1>, vector<128xi32>
    %swap3A_334 = arith.constant 0 : index
    %swap3A_335 = arith.constant 7 : index
    %swap3A_336 = arith.constant 0 : index
    %swap3A_337 = vector.load %arg7[%swap3A_334, %swap3A_335, %swap3A_336] : memref<1x32x128xi32, #tpu.memory_space<vmem>>, vector<1x1x128xi32>
    %swap3A_338 = vector.shape_cast %swap3A_337 : vector<1x1x128xi32> to vector<128xi32>
    %swap3A_339 = vector.shape_cast %select_n3A_333 : vector<128xi32> to vector<1x1x128xi32>
    tpu.vector_store %arg7[%swap3A_334, %swap3A_335, %swap3A_336], %swap3A_339 {strides = array<i32>} : memref<1x32x128xi32, #tpu.memory_space<vmem>>, vector<1x1x128xi32>,
    %broadcast_in_dim3A_340 = vector.shape_cast %reduce_min3A_319 : vector<128xi32> to vector<128x1xi32>
    %eq3A_341 = vector.broadcast %broadcast_in_dim3A_340 : vector<128x1xi32> to vector<128x8192xi32>
    %eq3A_342 = arith.cmpi eq, %iota3A, %eq3A_341 : vector<128x8192xi32>
    %jit3A_343 = arith.constant 0x7F800000 : f32
    %broadcast_in_dim3A_344 = vector.broadcast %jit3A_343 : f32 to vector<128x8192xf32>
    %select_n3A_345 = arith.select %eq3A_342, %broadcast_in_dim3A_344, %select_n3A_305 : vector<128x8192xi1>, vector<128x8192xf32>
    %reduce_min3A_346 = arith.constant dense<0x7F800000> : vector<128xf32>
    %reduce_min3A_347 = vector.multi_reduction <minimumf>, %select_n3A_345, %reduce_min3A_346 [1] : vector<128x8192xf32> to vector<128xf32>
    %broadcast_in_dim3A_348 = vector.shape_cast %reduce_min3A_347 : vector<128xf32> to vector<128x1xf32>
    %squeeze3A_349 = vector.shape_cast %broadcast_in_dim3A_348 : vector<128x1xf32> to vector<128xf32>
    %lt3A_350 = arith.constant 0x7F800000 : f32
    %lt3A_351 = vector.broadcast %lt3A_350 : f32 to vector<128xf32>
    %lt3A_352 = arith.cmpf olt, %squeeze3A_349, %lt3A_351 : vector<128xf32>
    %eq3A_353 = vector.broadcast %broadcast_in_dim3A_348 : vector<128x1xf32> to vector<128x8192xf32>
    %eq3A_354 = arith.cmpf oeq, %select_n3A_345, %eq3A_353 : vector<128x8192xf32>
    %jit3A_355 = arith.constant 8192 : i32
    %broadcast_in_dim3A_356 = vector.broadcast %jit3A_355 : i32 to vector<128x8192xi32>
    %select_n3A_357 = arith.select %eq3A_354, %iota3A, %broadcast_in_dim3A_356 : vector<128x8192xi1>, vector<128x8192xi32>
    %reduce_min3A_358 = arith.constant dense<2147483647> : vector<128xi32>
    %reduce_min3A_359 = vector.multi_reduction <minsi>, %select_n3A_357, %reduce_min3A_358 [1] : vector<128x8192xi32> to vector<128xi32>
    %mul3A_360 = arith.constant 8192 : i32
    %mul3A_361 = arith.muli %arg0, %mul3A_360 : i32
    %add3A_362 = vector.broadcast %mul3A_361 : i32 to vector<128xi32>
    %add3A_363 = arith.addi %reduce_min3A_359, %add3A_362 : vector<128xi32>
    %jit3A_364 = arith.constant -1 : i32
    %broadcast_in_dim3A_365 = vector.broadcast %jit3A_364 : i32 to vector<128xi32>
    %select_n3A_366 = arith.select %lt3A_352, %add3A_363, %broadcast_in_dim3A_365 : vector<128xi1>, vector<128xi32>
    %swap3A_367 = arith.constant 0 : index
    %swap3A_368 = arith.constant 8 : index
    %swap3A_369 = arith.constant 0 : index
    %swap3A_370 = vector.load %arg6[%swap3A_367, %swap3A_368, %swap3A_369] : memref<1x32x128xi32, #tpu.memory_space<vmem>>, vector<1x1x128xi32>
    %swap3A_371 = vector.shape_cast %swap3A_370 : vector<1x1x128xi32> to vector<128xi32>
    %swap3A_372 = vector.shape_cast %select_n3A_366 : vector<128xi32> to vector<1x1x128xi32>
    tpu.vector_store %arg6[%swap3A_367, %swap3A_368, %swap3A_369], %swap3A_372 {strides = array<i32>} : memref<1x32x128xi32, #tpu.memory_space<vmem>>, vector<1x1x128xi32>,
    %select_n3A_373 = arith.select %lt3A_352, %add3A_363, %select_n3A_44 : vector<128xi1>, vector<128xi32>
    %swap3A_374 = arith.constant 0 : index
    %swap3A_375 = arith.constant 8 : index
    %swap3A_376 = arith.constant 0 : index
    %swap3A_377 = vector.load %arg7[%swap3A_374, %swap3A_375, %swap3A_376] : memref<1x32x128xi32, #tpu.memory_space<vmem>>, vector<1x1x128xi32>
    %swap3A_378 = vector.shape_cast %swap3A_377 : vector<1x1x128xi32> to vector<128xi32>
    %swap3A_379 = vector.shape_cast %select_n3A_373 : vector<128xi32> to vector<1x1x128xi32>
    tpu.vector_store %arg7[%swap3A_374, %swap3A_375, %swap3A_376], %swap3A_379 {strides = array<i32>} : memref<1x32x128xi32, #tpu.memory_space<vmem>>, vector<1x1x128xi32>,
    %broadcast_in_dim3A_380 = vector.shape_cast %reduce_min3A_359 : vector<128xi32> to vector<128x1xi32>
    %eq3A_381 = vector.broadcast %broadcast_in_dim3A_380 : vector<128x1xi32> to vector<128x8192xi32>
    %eq3A_382 = arith.cmpi eq, %iota3A, %eq3A_381 : vector<128x8192xi32>
    %jit3A_383 = arith.constant 0x7F800000 : f32
    %broadcast_in_dim3A_384 = vector.broadcast %jit3A_383 : f32 to vector<128x8192xf32>
    %select_n3A_385 = arith.select %eq3A_382, %broadcast_in_dim3A_384, %select_n3A_345 : vector<128x8192xi1>, vector<128x8192xf32>
    %reduce_min3A_386 = arith.constant dense<0x7F800000> : vector<128xf32>
    %reduce_min3A_387 = vector.multi_reduction <minimumf>, %select_n3A_385, %reduce_min3A_386 [1] : vector<128x8192xf32> to vector<128xf32>
    %broadcast_in_dim3A_388 = vector.shape_cast %reduce_min3A_387 : vector<128xf32> to vector<128x1xf32>
    %squeeze3A_389 = vector.shape_cast %broadcast_in_dim3A_388 : vector<128x1xf32> to vector<128xf32>
    %lt3A_390 = arith.constant 0x7F800000 : f32
    %lt3A_391 = vector.broadcast %lt3A_390 : f32 to vector<128xf32>
    %lt3A_392 = arith.cmpf olt, %squeeze3A_389, %lt3A_391 : vector<128xf32>
    %eq3A_393 = vector.broadcast %broadcast_in_dim3A_388 : vector<128x1xf32> to vector<128x8192xf32>
    %eq3A_394 = arith.cmpf oeq, %select_n3A_385, %eq3A_393 : vector<128x8192xf32>
    %jit3A_395 = arith.constant 8192 : i32
    %broadcast_in_dim3A_396 = vector.broadcast %jit3A_395 : i32 to vector<128x8192xi32>
    %select_n3A_397 = arith.select %eq3A_394, %iota3A, %broadcast_in_dim3A_396 : vector<128x8192xi1>, vector<128x8192xi32>
    %reduce_min3A_398 = arith.constant dense<2147483647> : vector<128xi32>
    %reduce_min3A_399 = vector.multi_reduction <minsi>, %select_n3A_397, %reduce_min3A_398 [1] : vector<128x8192xi32> to vector<128xi32>
    %mul3A_400 = arith.constant 8192 : i32
    %mul3A_401 = arith.muli %arg0, %mul3A_400 : i32
    %add3A_402 = vector.broadcast %mul3A_401 : i32 to vector<128xi32>
    %add3A_403 = arith.addi %reduce_min3A_399, %add3A_402 : vector<128xi32>
    %jit3A_404 = arith.constant -1 : i32
    %broadcast_in_dim3A_405 = vector.broadcast %jit3A_404 : i32 to vector<128xi32>
    %select_n3A_406 = arith.select %lt3A_392, %add3A_403, %broadcast_in_dim3A_405 : vector<128xi1>, vector<128xi32>
    %swap3A_407 = arith.constant 0 : index
    %swap3A_408 = arith.constant 9 : index
    %swap3A_409 = arith.constant 0 : index
    %swap3A_410 = vector.load %arg6[%swap3A_407, %swap3A_408, %swap3A_409] : memref<1x32x128xi32, #tpu.memory_space<vmem>>, vector<1x1x128xi32>
    %swap3A_411 = vector.shape_cast %swap3A_410 : vector<1x1x128xi32> to vector<128xi32>
    %swap3A_412 = vector.shape_cast %select_n3A_406 : vector<128xi32> to vector<1x1x128xi32>
    tpu.vector_store %arg6[%swap3A_407, %swap3A_408, %swap3A_409], %swap3A_412 {strides = array<i32>} : memref<1x32x128xi32, #tpu.memory_space<vmem>>, vector<1x1x128xi32>,
    %select_n3A_413 = arith.select %lt3A_392, %add3A_403, %select_n3A_44 : vector<128xi1>, vector<128xi32>
    %swap3A_414 = arith.constant 0 : index
    %swap3A_415 = arith.constant 9 : index
    %swap3A_416 = arith.constant 0 : index
    %swap3A_417 = vector.load %arg7[%swap3A_414, %swap3A_415, %swap3A_416] : memref<1x32x128xi32, #tpu.memory_space<vmem>>, vector<1x1x128xi32>
    %swap3A_418 = vector.shape_cast %swap3A_417 : vector<1x1x128xi32> to vector<128xi32>
    %swap3A_419 = vector.shape_cast %select_n3A_413 : vector<128xi32> to vector<1x1x128xi32>
    tpu.vector_store %arg7[%swap3A_414, %swap3A_415, %swap3A_416], %swap3A_419 {strides = array<i32>} : memref<1x32x128xi32, #tpu.memory_space<vmem>>, vector<1x1x128xi32>,
    %broadcast_in_dim3A_420 = vector.shape_cast %reduce_min3A_399 : vector<128xi32> to vector<128x1xi32>
    %eq3A_421 = vector.broadcast %broadcast_in_dim3A_420 : vector<128x1xi32> to vector<128x8192xi32>
    %eq3A_422 = arith.cmpi eq, %iota3A, %eq3A_421 : vector<128x8192xi32>
    %jit3A_423 = arith.constant 0x7F800000 : f32
    %broadcast_in_dim3A_424 = vector.broadcast %jit3A_423 : f32 to vector<128x8192xf32>
    %select_n3A_425 = arith.select %eq3A_422, %broadcast_in_dim3A_424, %select_n3A_385 : vector<128x8192xi1>, vector<128x8192xf32>
    %reduce_min3A_426 = arith.constant dense<0x7F800000> : vector<128xf32>
    %reduce_min3A_427 = vector.multi_reduction <minimumf>, %select_n3A_425, %reduce_min3A_426 [1] : vector<128x8192xf32> to vector<128xf32>
    %broadcast_in_dim3A_428 = vector.shape_cast %reduce_min3A_427 : vector<128xf32> to vector<128x1xf32>
    %squeeze3A_429 = vector.shape_cast %broadcast_in_dim3A_428 : vector<128x1xf32> to vector<128xf32>
    %lt3A_430 = arith.constant 0x7F800000 : f32
    %lt3A_431 = vector.broadcast %lt3A_430 : f32 to vector<128xf32>
    %lt3A_432 = arith.cmpf olt, %squeeze3A_429, %lt3A_431 : vector<128xf32>
    %eq3A_433 = vector.broadcast %broadcast_in_dim3A_428 : vector<128x1xf32> to vector<128x8192xf32>
    %eq3A_434 = arith.cmpf oeq, %select_n3A_425, %eq3A_433 : vector<128x8192xf32>
    %jit3A_435 = arith.constant 8192 : i32
    %broadcast_in_dim3A_436 = vector.broadcast %jit3A_435 : i32 to vector<128x8192xi32>
    %select_n3A_437 = arith.select %eq3A_434, %iota3A, %broadcast_in_dim3A_436 : vector<128x8192xi1>, vector<128x8192xi32>
    %reduce_min3A_438 = arith.constant dense<2147483647> : vector<128xi32>
    %reduce_min3A_439 = vector.multi_reduction <minsi>, %select_n3A_437, %reduce_min3A_438 [1] : vector<128x8192xi32> to vector<128xi32>
    %mul3A_440 = arith.constant 8192 : i32
    %mul3A_441 = arith.muli %arg0, %mul3A_440 : i32
    %add3A_442 = vector.broadcast %mul3A_441 : i32 to vector<128xi32>
    %add3A_443 = arith.addi %reduce_min3A_439, %add3A_442 : vector<128xi32>
    %jit3A_444 = arith.constant -1 : i32
    %broadcast_in_dim3A_445 = vector.broadcast %jit3A_444 : i32 to vector<128xi32>
    %select_n3A_446 = arith.select %lt3A_432, %add3A_443, %broadcast_in_dim3A_445 : vector<128xi1>, vector<128xi32>
    %swap3A_447 = arith.constant 0 : index
    %swap3A_448 = arith.constant 10 : index
    %swap3A_449 = arith.constant 0 : index
    %swap3A_450 = vector.load %arg6[%swap3A_447, %swap3A_448, %swap3A_449] : memref<1x32x128xi32, #tpu.memory_space<vmem>>, vector<1x1x128xi32>
    %swap3A_451 = vector.shape_cast %swap3A_450 : vector<1x1x128xi32> to vector<128xi32>
    %swap3A_452 = vector.shape_cast %select_n3A_446 : vector<128xi32> to vector<1x1x128xi32>
    tpu.vector_store %arg6[%swap3A_447, %swap3A_448, %swap3A_449], %swap3A_452 {strides = array<i32>} : memref<1x32x128xi32, #tpu.memory_space<vmem>>, vector<1x1x128xi32>,
    %select_n3A_453 = arith.select %lt3A_432, %add3A_443, %select_n3A_44 : vector<128xi1>, vector<128xi32>
    %swap3A_454 = arith.constant 0 : index
    %swap3A_455 = arith.constant 10 : index
    %swap3A_456 = arith.constant 0 : index
    %swap3A_457 = vector.load %arg7[%swap3A_454, %swap3A_455, %swap3A_456] : memref<1x32x128xi32, #tpu.memory_space<vmem>>, vector<1x1x128xi32>
    %swap3A_458 = vector.shape_cast %swap3A_457 : vector<1x1x128xi32> to vector<128xi32>
    %swap3A_459 = vector.shape_cast %select_n3A_453 : vector<128xi32> to vector<1x1x128xi32>
    tpu.vector_store %arg7[%swap3A_454, %swap3A_455, %swap3A_456], %swap3A_459 {strides = array<i32>} : memref<1x32x128xi32, #tpu.memory_space<vmem>>, vector<1x1x128xi32>,
    %broadcast_in_dim3A_460 = vector.shape_cast %reduce_min3A_439 : vector<128xi32> to vector<128x1xi32>
    %eq3A_461 = vector.broadcast %broadcast_in_dim3A_460 : vector<128x1xi32> to vector<128x8192xi32>
    %eq3A_462 = arith.cmpi eq, %iota3A, %eq3A_461 : vector<128x8192xi32>
    %jit3A_463 = arith.constant 0x7F800000 : f32
    %broadcast_in_dim3A_464 = vector.broadcast %jit3A_463 : f32 to vector<128x8192xf32>
    %select_n3A_465 = arith.select %eq3A_462, %broadcast_in_dim3A_464, %select_n3A_425 : vector<128x8192xi1>, vector<128x8192xf32>
    %reduce_min3A_466 = arith.constant dense<0x7F800000> : vector<128xf32>
    %reduce_min3A_467 = vector.multi_reduction <minimumf>, %select_n3A_465, %reduce_min3A_466 [1] : vector<128x8192xf32> to vector<128xf32>
    %broadcast_in_dim3A_468 = vector.shape_cast %reduce_min3A_467 : vector<128xf32> to vector<128x1xf32>
    %squeeze3A_469 = vector.shape_cast %broadcast_in_dim3A_468 : vector<128x1xf32> to vector<128xf32>
    %lt3A_470 = arith.constant 0x7F800000 : f32
    %lt3A_471 = vector.broadcast %lt3A_470 : f32 to vector<128xf32>
    %lt3A_472 = arith.cmpf olt, %squeeze3A_469, %lt3A_471 : vector<128xf32>
    %eq3A_473 = vector.broadcast %broadcast_in_dim3A_468 : vector<128x1xf32> to vector<128x8192xf32>
    %eq3A_474 = arith.cmpf oeq, %select_n3A_465, %eq3A_473 : vector<128x8192xf32>
    %jit3A_475 = arith.constant 8192 : i32
    %broadcast_in_dim3A_476 = vector.broadcast %jit3A_475 : i32 to vector<128x8192xi32>
    %select_n3A_477 = arith.select %eq3A_474, %iota3A, %broadcast_in_dim3A_476 : vector<128x8192xi1>, vector<128x8192xi32>
    %reduce_min3A_478 = arith.constant dense<2147483647> : vector<128xi32>
    %reduce_min3A_479 = vector.multi_reduction <minsi>, %select_n3A_477, %reduce_min3A_478 [1] : vector<128x8192xi32> to vector<128xi32>
    %mul3A_480 = arith.constant 8192 : i32
    %mul3A_481 = arith.muli %arg0, %mul3A_480 : i32
    %add3A_482 = vector.broadcast %mul3A_481 : i32 to vector<128xi32>
    %add3A_483 = arith.addi %reduce_min3A_479, %add3A_482 : vector<128xi32>
    %jit3A_484 = arith.constant -1 : i32
    %broadcast_in_dim3A_485 = vector.broadcast %jit3A_484 : i32 to vector<128xi32>
    %select_n3A_486 = arith.select %lt3A_472, %add3A_483, %broadcast_in_dim3A_485 : vector<128xi1>, vector<128xi32>
    %swap3A_487 = arith.constant 0 : index
    %swap3A_488 = arith.constant 11 : index
    %swap3A_489 = arith.constant 0 : index
    %swap3A_490 = vector.load %arg6[%swap3A_487, %swap3A_488, %swap3A_489] : memref<1x32x128xi32, #tpu.memory_space<vmem>>, vector<1x1x128xi32>
    %swap3A_491 = vector.shape_cast %swap3A_490 : vector<1x1x128xi32> to vector<128xi32>
    %swap3A_492 = vector.shape_cast %select_n3A_486 : vector<128xi32> to vector<1x1x128xi32>
    tpu.vector_store %arg6[%swap3A_487, %swap3A_488, %swap3A_489], %swap3A_492 {strides = array<i32>} : memref<1x32x128xi32, #tpu.memory_space<vmem>>, vector<1x1x128xi32>,
    %select_n3A_493 = arith.select %lt3A_472, %add3A_483, %select_n3A_44 : vector<128xi1>, vector<128xi32>
    %swap3A_494 = arith.constant 0 : index
    %swap3A_495 = arith.constant 11 : index
    %swap3A_496 = arith.constant 0 : index
    %swap3A_497 = vector.load %arg7[%swap3A_494, %swap3A_495, %swap3A_496] : memref<1x32x128xi32, #tpu.memory_space<vmem>>, vector<1x1x128xi32>
    %swap3A_498 = vector.shape_cast %swap3A_497 : vector<1x1x128xi32> to vector<128xi32>
    %swap3A_499 = vector.shape_cast %select_n3A_493 : vector<128xi32> to vector<1x1x128xi32>
    tpu.vector_store %arg7[%swap3A_494, %swap3A_495, %swap3A_496], %swap3A_499 {strides = array<i32>} : memref<1x32x128xi32, #tpu.memory_space<vmem>>, vector<1x1x128xi32>,
    %broadcast_in_dim3A_500 = vector.shape_cast %reduce_min3A_479 : vector<128xi32> to vector<128x1xi32>
    %eq3A_501 = vector.broadcast %broadcast_in_dim3A_500 : vector<128x1xi32> to vector<128x8192xi32>
    %eq3A_502 = arith.cmpi eq, %iota3A, %eq3A_501 : vector<128x8192xi32>
    %jit3A_503 = arith.constant 0x7F800000 : f32
    %broadcast_in_dim3A_504 = vector.broadcast %jit3A_503 : f32 to vector<128x8192xf32>
    %select_n3A_505 = arith.select %eq3A_502, %broadcast_in_dim3A_504, %select_n3A_465 : vector<128x8192xi1>, vector<128x8192xf32>
    %reduce_min3A_506 = arith.constant dense<0x7F800000> : vector<128xf32>
    %reduce_min3A_507 = vector.multi_reduction <minimumf>, %select_n3A_505, %reduce_min3A_506 [1] : vector<128x8192xf32> to vector<128xf32>
    %broadcast_in_dim3A_508 = vector.shape_cast %reduce_min3A_507 : vector<128xf32> to vector<128x1xf32>
    %squeeze3A_509 = vector.shape_cast %broadcast_in_dim3A_508 : vector<128x1xf32> to vector<128xf32>
    %lt3A_510 = arith.constant 0x7F800000 : f32
    %lt3A_511 = vector.broadcast %lt3A_510 : f32 to vector<128xf32>
    %lt3A_512 = arith.cmpf olt, %squeeze3A_509, %lt3A_511 : vector<128xf32>
    %eq3A_513 = vector.broadcast %broadcast_in_dim3A_508 : vector<128x1xf32> to vector<128x8192xf32>
    %eq3A_514 = arith.cmpf oeq, %select_n3A_505, %eq3A_513 : vector<128x8192xf32>
    %jit3A_515 = arith.constant 8192 : i32
    %broadcast_in_dim3A_516 = vector.broadcast %jit3A_515 : i32 to vector<128x8192xi32>
    %select_n3A_517 = arith.select %eq3A_514, %iota3A, %broadcast_in_dim3A_516 : vector<128x8192xi1>, vector<128x8192xi32>
    %reduce_min3A_518 = arith.constant dense<2147483647> : vector<128xi32>
    %reduce_min3A_519 = vector.multi_reduction <minsi>, %select_n3A_517, %reduce_min3A_518 [1] : vector<128x8192xi32> to vector<128xi32>
    %mul3A_520 = arith.constant 8192 : i32
    %mul3A_521 = arith.muli %arg0, %mul3A_520 : i32
    %add3A_522 = vector.broadcast %mul3A_521 : i32 to vector<128xi32>
    %add3A_523 = arith.addi %reduce_min3A_519, %add3A_522 : vector<128xi32>
    %jit3A_524 = arith.constant -1 : i32
    %broadcast_in_dim3A_525 = vector.broadcast %jit3A_524 : i32 to vector<128xi32>
    %select_n3A_526 = arith.select %lt3A_512, %add3A_523, %broadcast_in_dim3A_525 : vector<128xi1>, vector<128xi32>
    %swap3A_527 = arith.constant 0 : index
    %swap3A_528 = arith.constant 12 : index
    %swap3A_529 = arith.constant 0 : index
    %swap3A_530 = vector.load %arg6[%swap3A_527, %swap3A_528, %swap3A_529] : memref<1x32x128xi32, #tpu.memory_space<vmem>>, vector<1x1x128xi32>
    %swap3A_531 = vector.shape_cast %swap3A_530 : vector<1x1x128xi32> to vector<128xi32>
    %swap3A_532 = vector.shape_cast %select_n3A_526 : vector<128xi32> to vector<1x1x128xi32>
    tpu.vector_store %arg6[%swap3A_527, %swap3A_528, %swap3A_529], %swap3A_532 {strides = array<i32>} : memref<1x32x128xi32, #tpu.memory_space<vmem>>, vector<1x1x128xi32>,
    %select_n3A_533 = arith.select %lt3A_512, %add3A_523, %select_n3A_44 : vector<128xi1>, vector<128xi32>
    %swap3A_534 = arith.constant 0 : index
    %swap3A_535 = arith.constant 12 : index
    %swap3A_536 = arith.constant 0 : index
    %swap3A_537 = vector.load %arg7[%swap3A_534, %swap3A_535, %swap3A_536] : memref<1x32x128xi32, #tpu.memory_space<vmem>>, vector<1x1x128xi32>
    %swap3A_538 = vector.shape_cast %swap3A_537 : vector<1x1x128xi32> to vector<128xi32>
    %swap3A_539 = vector.shape_cast %select_n3A_533 : vector<128xi32> to vector<1x1x128xi32>
    tpu.vector_store %arg7[%swap3A_534, %swap3A_535, %swap3A_536], %swap3A_539 {strides = array<i32>} : memref<1x32x128xi32, #tpu.memory_space<vmem>>, vector<1x1x128xi32>,
    %broadcast_in_dim3A_540 = vector.shape_cast %reduce_min3A_519 : vector<128xi32> to vector<128x1xi32>
    %eq3A_541 = vector.broadcast %broadcast_in_dim3A_540 : vector<128x1xi32> to vector<128x8192xi32>
    %eq3A_542 = arith.cmpi eq, %iota3A, %eq3A_541 : vector<128x8192xi32>
    %jit3A_543 = arith.constant 0x7F800000 : f32
    %broadcast_in_dim3A_544 = vector.broadcast %jit3A_543 : f32 to vector<128x8192xf32>
    %select_n3A_545 = arith.select %eq3A_542, %broadcast_in_dim3A_544, %select_n3A_505 : vector<128x8192xi1>, vector<128x8192xf32>
    %reduce_min3A_546 = arith.constant dense<0x7F800000> : vector<128xf32>
    %reduce_min3A_547 = vector.multi_reduction <minimumf>, %select_n3A_545, %reduce_min3A_546 [1] : vector<128x8192xf32> to vector<128xf32>
    %broadcast_in_dim3A_548 = vector.shape_cast %reduce_min3A_547 : vector<128xf32> to vector<128x1xf32>
    %squeeze3A_549 = vector.shape_cast %broadcast_in_dim3A_548 : vector<128x1xf32> to vector<128xf32>
    %lt3A_550 = arith.constant 0x7F800000 : f32
    %lt3A_551 = vector.broadcast %lt3A_550 : f32 to vector<128xf32>
    %lt3A_552 = arith.cmpf olt, %squeeze3A_549, %lt3A_551 : vector<128xf32>
    %eq3A_553 = vector.broadcast %broadcast_in_dim3A_548 : vector<128x1xf32> to vector<128x8192xf32>
    %eq3A_554 = arith.cmpf oeq, %select_n3A_545, %eq3A_553 : vector<128x8192xf32>
    %jit3A_555 = arith.constant 8192 : i32
    %broadcast_in_dim3A_556 = vector.broadcast %jit3A_555 : i32 to vector<128x8192xi32>
    %select_n3A_557 = arith.select %eq3A_554, %iota3A, %broadcast_in_dim3A_556 : vector<128x8192xi1>, vector<128x8192xi32>
    %reduce_min3A_558 = arith.constant dense<2147483647> : vector<128xi32>
    %reduce_min3A_559 = vector.multi_reduction <minsi>, %select_n3A_557, %reduce_min3A_558 [1] : vector<128x8192xi32> to vector<128xi32>
    %mul3A_560 = arith.constant 8192 : i32
    %mul3A_561 = arith.muli %arg0, %mul3A_560 : i32
    %add3A_562 = vector.broadcast %mul3A_561 : i32 to vector<128xi32>
    %add3A_563 = arith.addi %reduce_min3A_559, %add3A_562 : vector<128xi32>
    %jit3A_564 = arith.constant -1 : i32
    %broadcast_in_dim3A_565 = vector.broadcast %jit3A_564 : i32 to vector<128xi32>
    %select_n3A_566 = arith.select %lt3A_552, %add3A_563, %broadcast_in_dim3A_565 : vector<128xi1>, vector<128xi32>
    %swap3A_567 = arith.constant 0 : index
    %swap3A_568 = arith.constant 13 : index
    %swap3A_569 = arith.constant 0 : index
    %swap3A_570 = vector.load %arg6[%swap3A_567, %swap3A_568, %swap3A_569] : memref<1x32x128xi32, #tpu.memory_space<vmem>>, vector<1x1x128xi32>
    %swap3A_571 = vector.shape_cast %swap3A_570 : vector<1x1x128xi32> to vector<128xi32>
    %swap3A_572 = vector.shape_cast %select_n3A_566 : vector<128xi32> to vector<1x1x128xi32>
    tpu.vector_store %arg6[%swap3A_567, %swap3A_568, %swap3A_569], %swap3A_572 {strides = array<i32>} : memref<1x32x128xi32, #tpu.memory_space<vmem>>, vector<1x1x128xi32>,
    %select_n3A_573 = arith.select %lt3A_552, %add3A_563, %select_n3A_44 : vector<128xi1>, vector<128xi32>
    %swap3A_574 = arith.constant 0 : index
    %swap3A_575 = arith.constant 13 : index
    %swap3A_576 = arith.constant 0 : index
    %swap3A_577 = vector.load %arg7[%swap3A_574, %swap3A_575, %swap3A_576] : memref<1x32x128xi32, #tpu.memory_space<vmem>>, vector<1x1x128xi32>
    %swap3A_578 = vector.shape_cast %swap3A_577 : vector<1x1x128xi32> to vector<128xi32>
    %swap3A_579 = vector.shape_cast %select_n3A_573 : vector<128xi32> to vector<1x1x128xi32>
    tpu.vector_store %arg7[%swap3A_574, %swap3A_575, %swap3A_576], %swap3A_579 {strides = array<i32>} : memref<1x32x128xi32, #tpu.memory_space<vmem>>, vector<1x1x128xi32>,
    %broadcast_in_dim3A_580 = vector.shape_cast %reduce_min3A_559 : vector<128xi32> to vector<128x1xi32>
    %eq3A_581 = vector.broadcast %broadcast_in_dim3A_580 : vector<128x1xi32> to vector<128x8192xi32>
    %eq3A_582 = arith.cmpi eq, %iota3A, %eq3A_581 : vector<128x8192xi32>
    %jit3A_583 = arith.constant 0x7F800000 : f32
    %broadcast_in_dim3A_584 = vector.broadcast %jit3A_583 : f32 to vector<128x8192xf32>
    %select_n3A_585 = arith.select %eq3A_582, %broadcast_in_dim3A_584, %select_n3A_545 : vector<128x8192xi1>, vector<128x8192xf32>
    %reduce_min3A_586 = arith.constant dense<0x7F800000> : vector<128xf32>
    %reduce_min3A_587 = vector.multi_reduction <minimumf>, %select_n3A_585, %reduce_min3A_586 [1] : vector<128x8192xf32> to vector<128xf32>
    %broadcast_in_dim3A_588 = vector.shape_cast %reduce_min3A_587 : vector<128xf32> to vector<128x1xf32>
    %squeeze3A_589 = vector.shape_cast %broadcast_in_dim3A_588 : vector<128x1xf32> to vector<128xf32>
    %lt3A_590 = arith.constant 0x7F800000 : f32
    %lt3A_591 = vector.broadcast %lt3A_590 : f32 to vector<128xf32>
    %lt3A_592 = arith.cmpf olt, %squeeze3A_589, %lt3A_591 : vector<128xf32>
    %eq3A_593 = vector.broadcast %broadcast_in_dim3A_588 : vector<128x1xf32> to vector<128x8192xf32>
    %eq3A_594 = arith.cmpf oeq, %select_n3A_585, %eq3A_593 : vector<128x8192xf32>
    %jit3A_595 = arith.constant 8192 : i32
    %broadcast_in_dim3A_596 = vector.broadcast %jit3A_595 : i32 to vector<128x8192xi32>
    %select_n3A_597 = arith.select %eq3A_594, %iota3A, %broadcast_in_dim3A_596 : vector<128x8192xi1>, vector<128x8192xi32>
    %reduce_min3A_598 = arith.constant dense<2147483647> : vector<128xi32>
    %reduce_min3A_599 = vector.multi_reduction <minsi>, %select_n3A_597, %reduce_min3A_598 [1] : vector<128x8192xi32> to vector<128xi32>
    %mul3A_600 = arith.constant 8192 : i32
    %mul3A_601 = arith.muli %arg0, %mul3A_600 : i32
    %add3A_602 = vector.broadcast %mul3A_601 : i32 to vector<128xi32>
    %add3A_603 = arith.addi %reduce_min3A_599, %add3A_602 : vector<128xi32>
    %jit3A_604 = arith.constant -1 : i32
    %broadcast_in_dim3A_605 = vector.broadcast %jit3A_604 : i32 to vector<128xi32>
    %select_n3A_606 = arith.select %lt3A_592, %add3A_603, %broadcast_in_dim3A_605 : vector<128xi1>, vector<128xi32>
    %swap3A_607 = arith.constant 0 : index
    %swap3A_608 = arith.constant 14 : index
    %swap3A_609 = arith.constant 0 : index
    %swap3A_610 = vector.load %arg6[%swap3A_607, %swap3A_608, %swap3A_609] : memref<1x32x128xi32, #tpu.memory_space<vmem>>, vector<1x1x128xi32>
    %swap3A_611 = vector.shape_cast %swap3A_610 : vector<1x1x128xi32> to vector<128xi32>
    %swap3A_612 = vector.shape_cast %select_n3A_606 : vector<128xi32> to vector<1x1x128xi32>
    tpu.vector_store %arg6[%swap3A_607, %swap3A_608, %swap3A_609], %swap3A_612 {strides = array<i32>} : memref<1x32x128xi32, #tpu.memory_space<vmem>>, vector<1x1x128xi32>,
    %select_n3A_613 = arith.select %lt3A_592, %add3A_603, %select_n3A_44 : vector<128xi1>, vector<128xi32>
    %swap3A_614 = arith.constant 0 : index
    %swap3A_615 = arith.constant 14 : index
    %swap3A_616 = arith.constant 0 : index
    %swap3A_617 = vector.load %arg7[%swap3A_614, %swap3A_615, %swap3A_616] : memref<1x32x128xi32, #tpu.memory_space<vmem>>, vector<1x1x128xi32>
    %swap3A_618 = vector.shape_cast %swap3A_617 : vector<1x1x128xi32> to vector<128xi32>
    %swap3A_619 = vector.shape_cast %select_n3A_613 : vector<128xi32> to vector<1x1x128xi32>
    tpu.vector_store %arg7[%swap3A_614, %swap3A_615, %swap3A_616], %swap3A_619 {strides = array<i32>} : memref<1x32x128xi32, #tpu.memory_space<vmem>>, vector<1x1x128xi32>,
    %broadcast_in_dim3A_620 = vector.shape_cast %reduce_min3A_599 : vector<128xi32> to vector<128x1xi32>
    %eq3A_621 = vector.broadcast %broadcast_in_dim3A_620 : vector<128x1xi32> to vector<128x8192xi32>
    %eq3A_622 = arith.cmpi eq, %iota3A, %eq3A_621 : vector<128x8192xi32>
    %jit3A_623 = arith.constant 0x7F800000 : f32
    %broadcast_in_dim3A_624 = vector.broadcast %jit3A_623 : f32 to vector<128x8192xf32>
    %select_n3A_625 = arith.select %eq3A_622, %broadcast_in_dim3A_624, %select_n3A_585 : vector<128x8192xi1>, vector<128x8192xf32>
    %reduce_min3A_626 = arith.constant dense<0x7F800000> : vector<128xf32>
    %reduce_min3A_627 = vector.multi_reduction <minimumf>, %select_n3A_625, %reduce_min3A_626 [1] : vector<128x8192xf32> to vector<128xf32>
    %broadcast_in_dim3A_628 = vector.shape_cast %reduce_min3A_627 : vector<128xf32> to vector<128x1xf32>
    %squeeze3A_629 = vector.shape_cast %broadcast_in_dim3A_628 : vector<128x1xf32> to vector<128xf32>
    %lt3A_630 = arith.constant 0x7F800000 : f32
    %lt3A_631 = vector.broadcast %lt3A_630 : f32 to vector<128xf32>
    %lt3A_632 = arith.cmpf olt, %squeeze3A_629, %lt3A_631 : vector<128xf32>
    %eq3A_633 = vector.broadcast %broadcast_in_dim3A_628 : vector<128x1xf32> to vector<128x8192xf32>
    %eq3A_634 = arith.cmpf oeq, %select_n3A_625, %eq3A_633 : vector<128x8192xf32>
    %jit3A_635 = arith.constant 8192 : i32
    %broadcast_in_dim3A_636 = vector.broadcast %jit3A_635 : i32 to vector<128x8192xi32>
    %select_n3A_637 = arith.select %eq3A_634, %iota3A, %broadcast_in_dim3A_636 : vector<128x8192xi1>, vector<128x8192xi32>
    %reduce_min3A_638 = arith.constant dense<2147483647> : vector<128xi32>
    %reduce_min3A_639 = vector.multi_reduction <minsi>, %select_n3A_637, %reduce_min3A_638 [1] : vector<128x8192xi32> to vector<128xi32>
    %mul3A_640 = arith.constant 8192 : i32
    %mul3A_641 = arith.muli %arg0, %mul3A_640 : i32
    %add3A_642 = vector.broadcast %mul3A_641 : i32 to vector<128xi32>
    %add3A_643 = arith.addi %reduce_min3A_639, %add3A_642 : vector<128xi32>
    %jit3A_644 = arith.constant -1 : i32
    %broadcast_in_dim3A_645 = vector.broadcast %jit3A_644 : i32 to vector<128xi32>
    %select_n3A_646 = arith.select %lt3A_632, %add3A_643, %broadcast_in_dim3A_645 : vector<128xi1>, vector<128xi32>
    %swap3A_647 = arith.constant 0 : index
    %swap3A_648 = arith.constant 15 : index
    %swap3A_649 = arith.constant 0 : index
    %swap3A_650 = vector.load %arg6[%swap3A_647, %swap3A_648, %swap3A_649] : memref<1x32x128xi32, #tpu.memory_space<vmem>>, vector<1x1x128xi32>
    %swap3A_651 = vector.shape_cast %swap3A_650 : vector<1x1x128xi32> to vector<128xi32>
    %swap3A_652 = vector.shape_cast %select_n3A_646 : vector<128xi32> to vector<1x1x128xi32>
    tpu.vector_store %arg6[%swap3A_647, %swap3A_648, %swap3A_649], %swap3A_652 {strides = array<i32>} : memref<1x32x128xi32, #tpu.memory_space<vmem>>, vector<1x1x128xi32>,
    %select_n3A_653 = arith.select %lt3A_632, %add3A_643, %select_n3A_44 : vector<128xi1>, vector<128xi32>
    %swap3A_654 = arith.constant 0 : index
    %swap3A_655 = arith.constant 15 : index
    %swap3A_656 = arith.constant 0 : index
    %swap3A_657 = vector.load %arg7[%swap3A_654, %swap3A_655, %swap3A_656] : memref<1x32x128xi32, #tpu.memory_space<vmem>>, vector<1x1x128xi32>
    %swap3A_658 = vector.shape_cast %swap3A_657 : vector<1x1x128xi32> to vector<128xi32>
    %swap3A_659 = vector.shape_cast %select_n3A_653 : vector<128xi32> to vector<1x1x128xi32>
    tpu.vector_store %arg7[%swap3A_654, %swap3A_655, %swap3A_656], %swap3A_659 {strides = array<i32>} : memref<1x32x128xi32, #tpu.memory_space<vmem>>, vector<1x1x128xi32>,
    %broadcast_in_dim3A_660 = vector.shape_cast %reduce_min3A_639 : vector<128xi32> to vector<128x1xi32>
    %eq3A_661 = vector.broadcast %broadcast_in_dim3A_660 : vector<128x1xi32> to vector<128x8192xi32>
    %eq3A_662 = arith.cmpi eq, %iota3A, %eq3A_661 : vector<128x8192xi32>
    %jit3A_663 = arith.constant 0x7F800000 : f32
    %broadcast_in_dim3A_664 = vector.broadcast %jit3A_663 : f32 to vector<128x8192xf32>
    %select_n3A_665 = arith.select %eq3A_662, %broadcast_in_dim3A_664, %select_n3A_625 : vector<128x8192xi1>, vector<128x8192xf32>
    %reduce_min3A_666 = arith.constant dense<0x7F800000> : vector<128xf32>
    %reduce_min3A_667 = vector.multi_reduction <minimumf>, %select_n3A_665, %reduce_min3A_666 [1] : vector<128x8192xf32> to vector<128xf32>
    %broadcast_in_dim3A_668 = vector.shape_cast %reduce_min3A_667 : vector<128xf32> to vector<128x1xf32>
    %squeeze3A_669 = vector.shape_cast %broadcast_in_dim3A_668 : vector<128x1xf32> to vector<128xf32>
    %lt3A_670 = arith.constant 0x7F800000 : f32
    %lt3A_671 = vector.broadcast %lt3A_670 : f32 to vector<128xf32>
    %lt3A_672 = arith.cmpf olt, %squeeze3A_669, %lt3A_671 : vector<128xf32>
    %eq3A_673 = vector.broadcast %broadcast_in_dim3A_668 : vector<128x1xf32> to vector<128x8192xf32>
    %eq3A_674 = arith.cmpf oeq, %select_n3A_665, %eq3A_673 : vector<128x8192xf32>
    %jit3A_675 = arith.constant 8192 : i32
    %broadcast_in_dim3A_676 = vector.broadcast %jit3A_675 : i32 to vector<128x8192xi32>
    %select_n3A_677 = arith.select %eq3A_674, %iota3A, %broadcast_in_dim3A_676 : vector<128x8192xi1>, vector<128x8192xi32>
    %reduce_min3A_678 = arith.constant dense<2147483647> : vector<128xi32>
    %reduce_min3A_679 = vector.multi_reduction <minsi>, %select_n3A_677, %reduce_min3A_678 [1] : vector<128x8192xi32> to vector<128xi32>
    %mul3A_680 = arith.constant 8192 : i32
    %mul3A_681 = arith.muli %arg0, %mul3A_680 : i32
    %add3A_682 = vector.broadcast %mul3A_681 : i32 to vector<128xi32>
    %add3A_683 = arith.addi %reduce_min3A_679, %add3A_682 : vector<128xi32>
    %jit3A_684 = arith.constant -1 : i32
    %broadcast_in_dim3A_685 = vector.broadcast %jit3A_684 : i32 to vector<128xi32>
    %select_n3A_686 = arith.select %lt3A_672, %add3A_683, %broadcast_in_dim3A_685 : vector<128xi1>, vector<128xi32>
    %swap3A_687 = arith.constant 0 : index
    %swap3A_688 = arith.constant 16 : index
    %swap3A_689 = arith.constant 0 : index
    %swap3A_690 = vector.load %arg6[%swap3A_687, %swap3A_688, %swap3A_689] : memref<1x32x128xi32, #tpu.memory_space<vmem>>, vector<1x1x128xi32>
    %swap3A_691 = vector.shape_cast %swap3A_690 : vector<1x1x128xi32> to vector<128xi32>
    %swap3A_692 = vector.shape_cast %select_n3A_686 : vector<128xi32> to vector<1x1x128xi32>
    tpu.vector_store %arg6[%swap3A_687, %swap3A_688, %swap3A_689], %swap3A_692 {strides = array<i32>} : memref<1x32x128xi32, #tpu.memory_space<vmem>>, vector<1x1x128xi32>,
    %select_n3A_693 = arith.select %lt3A_672, %add3A_683, %select_n3A_44 : vector<128xi1>, vector<128xi32>
    %swap3A_694 = arith.constant 0 : index
    %swap3A_695 = arith.constant 16 : index
    %swap3A_696 = arith.constant 0 : index
    %swap3A_697 = vector.load %arg7[%swap3A_694, %swap3A_695, %swap3A_696] : memref<1x32x128xi32, #tpu.memory_space<vmem>>, vector<1x1x128xi32>
    %swap3A_698 = vector.shape_cast %swap3A_697 : vector<1x1x128xi32> to vector<128xi32>
    %swap3A_699 = vector.shape_cast %select_n3A_693 : vector<128xi32> to vector<1x1x128xi32>
    tpu.vector_store %arg7[%swap3A_694, %swap3A_695, %swap3A_696], %swap3A_699 {strides = array<i32>} : memref<1x32x128xi32, #tpu.memory_space<vmem>>, vector<1x1x128xi32>,
    %broadcast_in_dim3A_700 = vector.shape_cast %reduce_min3A_679 : vector<128xi32> to vector<128x1xi32>
    %eq3A_701 = vector.broadcast %broadcast_in_dim3A_700 : vector<128x1xi32> to vector<128x8192xi32>
    %eq3A_702 = arith.cmpi eq, %iota3A, %eq3A_701 : vector<128x8192xi32>
    %jit3A_703 = arith.constant 0x7F800000 : f32
    %broadcast_in_dim3A_704 = vector.broadcast %jit3A_703 : f32 to vector<128x8192xf32>
    %select_n3A_705 = arith.select %eq3A_702, %broadcast_in_dim3A_704, %select_n3A_665 : vector<128x8192xi1>, vector<128x8192xf32>
    %reduce_min3A_706 = arith.constant dense<0x7F800000> : vector<128xf32>
    %reduce_min3A_707 = vector.multi_reduction <minimumf>, %select_n3A_705, %reduce_min3A_706 [1] : vector<128x8192xf32> to vector<128xf32>
    %broadcast_in_dim3A_708 = vector.shape_cast %reduce_min3A_707 : vector<128xf32> to vector<128x1xf32>
    %squeeze3A_709 = vector.shape_cast %broadcast_in_dim3A_708 : vector<128x1xf32> to vector<128xf32>
    %lt3A_710 = arith.constant 0x7F800000 : f32
    %lt3A_711 = vector.broadcast %lt3A_710 : f32 to vector<128xf32>
    %lt3A_712 = arith.cmpf olt, %squeeze3A_709, %lt3A_711 : vector<128xf32>
    %eq3A_713 = vector.broadcast %broadcast_in_dim3A_708 : vector<128x1xf32> to vector<128x8192xf32>
    %eq3A_714 = arith.cmpf oeq, %select_n3A_705, %eq3A_713 : vector<128x8192xf32>
    %jit3A_715 = arith.constant 8192 : i32
    %broadcast_in_dim3A_716 = vector.broadcast %jit3A_715 : i32 to vector<128x8192xi32>
    %select_n3A_717 = arith.select %eq3A_714, %iota3A, %broadcast_in_dim3A_716 : vector<128x8192xi1>, vector<128x8192xi32>
    %reduce_min3A_718 = arith.constant dense<2147483647> : vector<128xi32>
    %reduce_min3A_719 = vector.multi_reduction <minsi>, %select_n3A_717, %reduce_min3A_718 [1] : vector<128x8192xi32> to vector<128xi32>
    %mul3A_720 = arith.constant 8192 : i32
    %mul3A_721 = arith.muli %arg0, %mul3A_720 : i32
    %add3A_722 = vector.broadcast %mul3A_721 : i32 to vector<128xi32>
    %add3A_723 = arith.addi %reduce_min3A_719, %add3A_722 : vector<128xi32>
    %jit3A_724 = arith.constant -1 : i32
    %broadcast_in_dim3A_725 = vector.broadcast %jit3A_724 : i32 to vector<128xi32>
    %select_n3A_726 = arith.select %lt3A_712, %add3A_723, %broadcast_in_dim3A_725 : vector<128xi1>, vector<128xi32>
    %swap3A_727 = arith.constant 0 : index
    %swap3A_728 = arith.constant 17 : index
    %swap3A_729 = arith.constant 0 : index
    %swap3A_730 = vector.load %arg6[%swap3A_727, %swap3A_728, %swap3A_729] : memref<1x32x128xi32, #tpu.memory_space<vmem>>, vector<1x1x128xi32>
    %swap3A_731 = vector.shape_cast %swap3A_730 : vector<1x1x128xi32> to vector<128xi32>
    %swap3A_732 = vector.shape_cast %select_n3A_726 : vector<128xi32> to vector<1x1x128xi32>
    tpu.vector_store %arg6[%swap3A_727, %swap3A_728, %swap3A_729], %swap3A_732 {strides = array<i32>} : memref<1x32x128xi32, #tpu.memory_space<vmem>>, vector<1x1x128xi32>,
    %select_n3A_733 = arith.select %lt3A_712, %add3A_723, %select_n3A_44 : vector<128xi1>, vector<128xi32>
    %swap3A_734 = arith.constant 0 : index
    %swap3A_735 = arith.constant 17 : index
    %swap3A_736 = arith.constant 0 : index
    %swap3A_737 = vector.load %arg7[%swap3A_734, %swap3A_735, %swap3A_736] : memref<1x32x128xi32, #tpu.memory_space<vmem>>, vector<1x1x128xi32>
    %swap3A_738 = vector.shape_cast %swap3A_737 : vector<1x1x128xi32> to vector<128xi32>
    %swap3A_739 = vector.shape_cast %select_n3A_733 : vector<128xi32> to vector<1x1x128xi32>
    tpu.vector_store %arg7[%swap3A_734, %swap3A_735, %swap3A_736], %swap3A_739 {strides = array<i32>} : memref<1x32x128xi32, #tpu.memory_space<vmem>>, vector<1x1x128xi32>,
    %broadcast_in_dim3A_740 = vector.shape_cast %reduce_min3A_719 : vector<128xi32> to vector<128x1xi32>
    %eq3A_741 = vector.broadcast %broadcast_in_dim3A_740 : vector<128x1xi32> to vector<128x8192xi32>
    %eq3A_742 = arith.cmpi eq, %iota3A, %eq3A_741 : vector<128x8192xi32>
    %jit3A_743 = arith.constant 0x7F800000 : f32
    %broadcast_in_dim3A_744 = vector.broadcast %jit3A_743 : f32 to vector<128x8192xf32>
    %select_n3A_745 = arith.select %eq3A_742, %broadcast_in_dim3A_744, %select_n3A_705 : vector<128x8192xi1>, vector<128x8192xf32>
    %reduce_min3A_746 = arith.constant dense<0x7F800000> : vector<128xf32>
    %reduce_min3A_747 = vector.multi_reduction <minimumf>, %select_n3A_745, %reduce_min3A_746 [1] : vector<128x8192xf32> to vector<128xf32>
    %broadcast_in_dim3A_748 = vector.shape_cast %reduce_min3A_747 : vector<128xf32> to vector<128x1xf32>
    %squeeze3A_749 = vector.shape_cast %broadcast_in_dim3A_748 : vector<128x1xf32> to vector<128xf32>
    %lt3A_750 = arith.constant 0x7F800000 : f32
    %lt3A_751 = vector.broadcast %lt3A_750 : f32 to vector<128xf32>
    %lt3A_752 = arith.cmpf olt, %squeeze3A_749, %lt3A_751 : vector<128xf32>
    %eq3A_753 = vector.broadcast %broadcast_in_dim3A_748 : vector<128x1xf32> to vector<128x8192xf32>
    %eq3A_754 = arith.cmpf oeq, %select_n3A_745, %eq3A_753 : vector<128x8192xf32>
    %jit3A_755 = arith.constant 8192 : i32
    %broadcast_in_dim3A_756 = vector.broadcast %jit3A_755 : i32 to vector<128x8192xi32>
    %select_n3A_757 = arith.select %eq3A_754, %iota3A, %broadcast_in_dim3A_756 : vector<128x8192xi1>, vector<128x8192xi32>
    %reduce_min3A_758 = arith.constant dense<2147483647> : vector<128xi32>
    %reduce_min3A_759 = vector.multi_reduction <minsi>, %select_n3A_757, %reduce_min3A_758 [1] : vector<128x8192xi32> to vector<128xi32>
    %mul3A_760 = arith.constant 8192 : i32
    %mul3A_761 = arith.muli %arg0, %mul3A_760 : i32
    %add3A_762 = vector.broadcast %mul3A_761 : i32 to vector<128xi32>
    %add3A_763 = arith.addi %reduce_min3A_759, %add3A_762 : vector<128xi32>
    %jit3A_764 = arith.constant -1 : i32
    %broadcast_in_dim3A_765 = vector.broadcast %jit3A_764 : i32 to vector<128xi32>
    %select_n3A_766 = arith.select %lt3A_752, %add3A_763, %broadcast_in_dim3A_765 : vector<128xi1>, vector<128xi32>
    %swap3A_767 = arith.constant 0 : index
    %swap3A_768 = arith.constant 18 : index
    %swap3A_769 = arith.constant 0 : index
    %swap3A_770 = vector.load %arg6[%swap3A_767, %swap3A_768, %swap3A_769] : memref<1x32x128xi32, #tpu.memory_space<vmem>>, vector<1x1x128xi32>
    %swap3A_771 = vector.shape_cast %swap3A_770 : vector<1x1x128xi32> to vector<128xi32>
    %swap3A_772 = vector.shape_cast %select_n3A_766 : vector<128xi32> to vector<1x1x128xi32>
    tpu.vector_store %arg6[%swap3A_767, %swap3A_768, %swap3A_769], %swap3A_772 {strides = array<i32>} : memref<1x32x128xi32, #tpu.memory_space<vmem>>, vector<1x1x128xi32>,
    %select_n3A_773 = arith.select %lt3A_752, %add3A_763, %select_n3A_44 : vector<128xi1>, vector<128xi32>
    %swap3A_774 = arith.constant 0 : index
    %swap3A_775 = arith.constant 18 : index
    %swap3A_776 = arith.constant 0 : index
    %swap3A_777 = vector.load %arg7[%swap3A_774, %swap3A_775, %swap3A_776] : memref<1x32x128xi32, #tpu.memory_space<vmem>>, vector<1x1x128xi32>
    %swap3A_778 = vector.shape_cast %swap3A_777 : vector<1x1x128xi32> to vector<128xi32>
    %swap3A_779 = vector.shape_cast %select_n3A_773 : vector<128xi32> to vector<1x1x128xi32>
    tpu.vector_store %arg7[%swap3A_774, %swap3A_775, %swap3A_776], %swap3A_779 {strides = array<i32>} : memref<1x32x128xi32, #tpu.memory_space<vmem>>, vector<1x1x128xi32>,
    %broadcast_in_dim3A_780 = vector.shape_cast %reduce_min3A_759 : vector<128xi32> to vector<128x1xi32>
    %eq3A_781 = vector.broadcast %broadcast_in_dim3A_780 : vector<128x1xi32> to vector<128x8192xi32>
    %eq3A_782 = arith.cmpi eq, %iota3A, %eq3A_781 : vector<128x8192xi32>
    %jit3A_783 = arith.constant 0x7F800000 : f32
    %broadcast_in_dim3A_784 = vector.broadcast %jit3A_783 : f32 to vector<128x8192xf32>
    %select_n3A_785 = arith.select %eq3A_782, %broadcast_in_dim3A_784, %select_n3A_745 : vector<128x8192xi1>, vector<128x8192xf32>
    %reduce_min3A_786 = arith.constant dense<0x7F800000> : vector<128xf32>
    %reduce_min3A_787 = vector.multi_reduction <minimumf>, %select_n3A_785, %reduce_min3A_786 [1] : vector<128x8192xf32> to vector<128xf32>
    %broadcast_in_dim3A_788 = vector.shape_cast %reduce_min3A_787 : vector<128xf32> to vector<128x1xf32>
    %squeeze3A_789 = vector.shape_cast %broadcast_in_dim3A_788 : vector<128x1xf32> to vector<128xf32>
    %lt3A_790 = arith.constant 0x7F800000 : f32
    %lt3A_791 = vector.broadcast %lt3A_790 : f32 to vector<128xf32>
    %lt3A_792 = arith.cmpf olt, %squeeze3A_789, %lt3A_791 : vector<128xf32>
    %eq3A_793 = vector.broadcast %broadcast_in_dim3A_788 : vector<128x1xf32> to vector<128x8192xf32>
    %eq3A_794 = arith.cmpf oeq, %select_n3A_785, %eq3A_793 : vector<128x8192xf32>
    %jit3A_795 = arith.constant 8192 : i32
    %broadcast_in_dim3A_796 = vector.broadcast %jit3A_795 : i32 to vector<128x8192xi32>
    %select_n3A_797 = arith.select %eq3A_794, %iota3A, %broadcast_in_dim3A_796 : vector<128x8192xi1>, vector<128x8192xi32>
    %reduce_min3A_798 = arith.constant dense<2147483647> : vector<128xi32>
    %reduce_min3A_799 = vector.multi_reduction <minsi>, %select_n3A_797, %reduce_min3A_798 [1] : vector<128x8192xi32> to vector<128xi32>
    %mul3A_800 = arith.constant 8192 : i32
    %mul3A_801 = arith.muli %arg0, %mul3A_800 : i32
    %add3A_802 = vector.broadcast %mul3A_801 : i32 to vector<128xi32>
    %add3A_803 = arith.addi %reduce_min3A_799, %add3A_802 : vector<128xi32>
    %jit3A_804 = arith.constant -1 : i32
    %broadcast_in_dim3A_805 = vector.broadcast %jit3A_804 : i32 to vector<128xi32>
    %select_n3A_806 = arith.select %lt3A_792, %add3A_803, %broadcast_in_dim3A_805 : vector<128xi1>, vector<128xi32>
    %swap3A_807 = arith.constant 0 : index
    %swap3A_808 = arith.constant 19 : index
    %swap3A_809 = arith.constant 0 : index
    %swap3A_810 = vector.load %arg6[%swap3A_807, %swap3A_808, %swap3A_809] : memref<1x32x128xi32, #tpu.memory_space<vmem>>, vector<1x1x128xi32>
    %swap3A_811 = vector.shape_cast %swap3A_810 : vector<1x1x128xi32> to vector<128xi32>
    %swap3A_812 = vector.shape_cast %select_n3A_806 : vector<128xi32> to vector<1x1x128xi32>
    tpu.vector_store %arg6[%swap3A_807, %swap3A_808, %swap3A_809], %swap3A_812 {strides = array<i32>} : memref<1x32x128xi32, #tpu.memory_space<vmem>>, vector<1x1x128xi32>,
    %select_n3A_813 = arith.select %lt3A_792, %add3A_803, %select_n3A_44 : vector<128xi1>, vector<128xi32>
    %swap3A_814 = arith.constant 0 : index
    %swap3A_815 = arith.constant 19 : index
    %swap3A_816 = arith.constant 0 : index
    %swap3A_817 = vector.load %arg7[%swap3A_814, %swap3A_815, %swap3A_816] : memref<1x32x128xi32, #tpu.memory_space<vmem>>, vector<1x1x128xi32>
    %swap3A_818 = vector.shape_cast %swap3A_817 : vector<1x1x128xi32> to vector<128xi32>
    %swap3A_819 = vector.shape_cast %select_n3A_813 : vector<128xi32> to vector<1x1x128xi32>
    tpu.vector_store %arg7[%swap3A_814, %swap3A_815, %swap3A_816], %swap3A_819 {strides = array<i32>} : memref<1x32x128xi32, #tpu.memory_space<vmem>>, vector<1x1x128xi32>,
    %broadcast_in_dim3A_820 = vector.shape_cast %reduce_min3A_799 : vector<128xi32> to vector<128x1xi32>
    %eq3A_821 = vector.broadcast %broadcast_in_dim3A_820 : vector<128x1xi32> to vector<128x8192xi32>
    %eq3A_822 = arith.cmpi eq, %iota3A, %eq3A_821 : vector<128x8192xi32>
    %jit3A_823 = arith.constant 0x7F800000 : f32
    %broadcast_in_dim3A_824 = vector.broadcast %jit3A_823 : f32 to vector<128x8192xf32>
    %select_n3A_825 = arith.select %eq3A_822, %broadcast_in_dim3A_824, %select_n3A_785 : vector<128x8192xi1>, vector<128x8192xf32>
    %reduce_min3A_826 = arith.constant dense<0x7F800000> : vector<128xf32>
    %reduce_min3A_827 = vector.multi_reduction <minimumf>, %select_n3A_825, %reduce_min3A_826 [1] : vector<128x8192xf32> to vector<128xf32>
    %broadcast_in_dim3A_828 = vector.shape_cast %reduce_min3A_827 : vector<128xf32> to vector<128x1xf32>
    %squeeze3A_829 = vector.shape_cast %broadcast_in_dim3A_828 : vector<128x1xf32> to vector<128xf32>
    %lt3A_830 = arith.constant 0x7F800000 : f32
    %lt3A_831 = vector.broadcast %lt3A_830 : f32 to vector<128xf32>
    %lt3A_832 = arith.cmpf olt, %squeeze3A_829, %lt3A_831 : vector<128xf32>
    %eq3A_833 = vector.broadcast %broadcast_in_dim3A_828 : vector<128x1xf32> to vector<128x8192xf32>
    %eq3A_834 = arith.cmpf oeq, %select_n3A_825, %eq3A_833 : vector<128x8192xf32>
    %jit3A_835 = arith.constant 8192 : i32
    %broadcast_in_dim3A_836 = vector.broadcast %jit3A_835 : i32 to vector<128x8192xi32>
    %select_n3A_837 = arith.select %eq3A_834, %iota3A, %broadcast_in_dim3A_836 : vector<128x8192xi1>, vector<128x8192xi32>
    %reduce_min3A_838 = arith.constant dense<2147483647> : vector<128xi32>
    %reduce_min3A_839 = vector.multi_reduction <minsi>, %select_n3A_837, %reduce_min3A_838 [1] : vector<128x8192xi32> to vector<128xi32>
    %mul3A_840 = arith.constant 8192 : i32
    %mul3A_841 = arith.muli %arg0, %mul3A_840 : i32
    %add3A_842 = vector.broadcast %mul3A_841 : i32 to vector<128xi32>
    %add3A_843 = arith.addi %reduce_min3A_839, %add3A_842 : vector<128xi32>
    %jit3A_844 = arith.constant -1 : i32
    %broadcast_in_dim3A_845 = vector.broadcast %jit3A_844 : i32 to vector<128xi32>
    %select_n3A_846 = arith.select %lt3A_832, %add3A_843, %broadcast_in_dim3A_845 : vector<128xi1>, vector<128xi32>
    %swap3A_847 = arith.constant 0 : index
    %swap3A_848 = arith.constant 20 : index
    %swap3A_849 = arith.constant 0 : index
    %swap3A_850 = vector.load %arg6[%swap3A_847, %swap3A_848, %swap3A_849] : memref<1x32x128xi32, #tpu.memory_space<vmem>>, vector<1x1x128xi32>
    %swap3A_851 = vector.shape_cast %swap3A_850 : vector<1x1x128xi32> to vector<128xi32>
    %swap3A_852 = vector.shape_cast %select_n3A_846 : vector<128xi32> to vector<1x1x128xi32>
    tpu.vector_store %arg6[%swap3A_847, %swap3A_848, %swap3A_849], %swap3A_852 {strides = array<i32>} : memref<1x32x128xi32, #tpu.memory_space<vmem>>, vector<1x1x128xi32>,
    %select_n3A_853 = arith.select %lt3A_832, %add3A_843, %select_n3A_44 : vector<128xi1>, vector<128xi32>
    %swap3A_854 = arith.constant 0 : index
    %swap3A_855 = arith.constant 20 : index
    %swap3A_856 = arith.constant 0 : index
    %swap3A_857 = vector.load %arg7[%swap3A_854, %swap3A_855, %swap3A_856] : memref<1x32x128xi32, #tpu.memory_space<vmem>>, vector<1x1x128xi32>
    %swap3A_858 = vector.shape_cast %swap3A_857 : vector<1x1x128xi32> to vector<128xi32>
    %swap3A_859 = vector.shape_cast %select_n3A_853 : vector<128xi32> to vector<1x1x128xi32>
    tpu.vector_store %arg7[%swap3A_854, %swap3A_855, %swap3A_856], %swap3A_859 {strides = array<i32>} : memref<1x32x128xi32, #tpu.memory_space<vmem>>, vector<1x1x128xi32>,
    %broadcast_in_dim3A_860 = vector.shape_cast %reduce_min3A_839 : vector<128xi32> to vector<128x1xi32>
    %eq3A_861 = vector.broadcast %broadcast_in_dim3A_860 : vector<128x1xi32> to vector<128x8192xi32>
    %eq3A_862 = arith.cmpi eq, %iota3A, %eq3A_861 : vector<128x8192xi32>
    %jit3A_863 = arith.constant 0x7F800000 : f32
    %broadcast_in_dim3A_864 = vector.broadcast %jit3A_863 : f32 to vector<128x8192xf32>
    %select_n3A_865 = arith.select %eq3A_862, %broadcast_in_dim3A_864, %select_n3A_825 : vector<128x8192xi1>, vector<128x8192xf32>
    %reduce_min3A_866 = arith.constant dense<0x7F800000> : vector<128xf32>
    %reduce_min3A_867 = vector.multi_reduction <minimumf>, %select_n3A_865, %reduce_min3A_866 [1] : vector<128x8192xf32> to vector<128xf32>
    %broadcast_in_dim3A_868 = vector.shape_cast %reduce_min3A_867 : vector<128xf32> to vector<128x1xf32>
    %squeeze3A_869 = vector.shape_cast %broadcast_in_dim3A_868 : vector<128x1xf32> to vector<128xf32>
    %lt3A_870 = arith.constant 0x7F800000 : f32
    %lt3A_871 = vector.broadcast %lt3A_870 : f32 to vector<128xf32>
    %lt3A_872 = arith.cmpf olt, %squeeze3A_869, %lt3A_871 : vector<128xf32>
    %eq3A_873 = vector.broadcast %broadcast_in_dim3A_868 : vector<128x1xf32> to vector<128x8192xf32>
    %eq3A_874 = arith.cmpf oeq, %select_n3A_865, %eq3A_873 : vector<128x8192xf32>
    %jit3A_875 = arith.constant 8192 : i32
    %broadcast_in_dim3A_876 = vector.broadcast %jit3A_875 : i32 to vector<128x8192xi32>
    %select_n3A_877 = arith.select %eq3A_874, %iota3A, %broadcast_in_dim3A_876 : vector<128x8192xi1>, vector<128x8192xi32>
    %reduce_min3A_878 = arith.constant dense<2147483647> : vector<128xi32>
    %reduce_min3A_879 = vector.multi_reduction <minsi>, %select_n3A_877, %reduce_min3A_878 [1] : vector<128x8192xi32> to vector<128xi32>
    %mul3A_880 = arith.constant 8192 : i32
    %mul3A_881 = arith.muli %arg0, %mul3A_880 : i32
    %add3A_882 = vector.broadcast %mul3A_881 : i32 to vector<128xi32>
    %add3A_883 = arith.addi %reduce_min3A_879, %add3A_882 : vector<128xi32>
    %jit3A_884 = arith.constant -1 : i32
    %broadcast_in_dim3A_885 = vector.broadcast %jit3A_884 : i32 to vector<128xi32>
    %select_n3A_886 = arith.select %lt3A_872, %add3A_883, %broadcast_in_dim3A_885 : vector<128xi1>, vector<128xi32>
    %swap3A_887 = arith.constant 0 : index
    %swap3A_888 = arith.constant 21 : index
    %swap3A_889 = arith.constant 0 : index
    %swap3A_890 = vector.load %arg6[%swap3A_887, %swap3A_888, %swap3A_889] : memref<1x32x128xi32, #tpu.memory_space<vmem>>, vector<1x1x128xi32>
    %swap3A_891 = vector.shape_cast %swap3A_890 : vector<1x1x128xi32> to vector<128xi32>
    %swap3A_892 = vector.shape_cast %select_n3A_886 : vector<128xi32> to vector<1x1x128xi32>
    tpu.vector_store %arg6[%swap3A_887, %swap3A_888, %swap3A_889], %swap3A_892 {strides = array<i32>} : memref<1x32x128xi32, #tpu.memory_space<vmem>>, vector<1x1x128xi32>,
    %select_n3A_893 = arith.select %lt3A_872, %add3A_883, %select_n3A_44 : vector<128xi1>, vector<128xi32>
    %swap3A_894 = arith.constant 0 : index
    %swap3A_895 = arith.constant 21 : index
    %swap3A_896 = arith.constant 0 : index
    %swap3A_897 = vector.load %arg7[%swap3A_894, %swap3A_895, %swap3A_896] : memref<1x32x128xi32, #tpu.memory_space<vmem>>, vector<1x1x128xi32>
    %swap3A_898 = vector.shape_cast %swap3A_897 : vector<1x1x128xi32> to vector<128xi32>
    %swap3A_899 = vector.shape_cast %select_n3A_893 : vector<128xi32> to vector<1x1x128xi32>
    tpu.vector_store %arg7[%swap3A_894, %swap3A_895, %swap3A_896], %swap3A_899 {strides = array<i32>} : memref<1x32x128xi32, #tpu.memory_space<vmem>>, vector<1x1x128xi32>,
    %broadcast_in_dim3A_900 = vector.shape_cast %reduce_min3A_879 : vector<128xi32> to vector<128x1xi32>
    %eq3A_901 = vector.broadcast %broadcast_in_dim3A_900 : vector<128x1xi32> to vector<128x8192xi32>
    %eq3A_902 = arith.cmpi eq, %iota3A, %eq3A_901 : vector<128x8192xi32>
    %jit3A_903 = arith.constant 0x7F800000 : f32
    %broadcast_in_dim3A_904 = vector.broadcast %jit3A_903 : f32 to vector<128x8192xf32>
    %select_n3A_905 = arith.select %eq3A_902, %broadcast_in_dim3A_904, %select_n3A_865 : vector<128x8192xi1>, vector<128x8192xf32>
    %reduce_min3A_906 = arith.constant dense<0x7F800000> : vector<128xf32>
    %reduce_min3A_907 = vector.multi_reduction <minimumf>, %select_n3A_905, %reduce_min3A_906 [1] : vector<128x8192xf32> to vector<128xf32>
    %broadcast_in_dim3A_908 = vector.shape_cast %reduce_min3A_907 : vector<128xf32> to vector<128x1xf32>
    %squeeze3A_909 = vector.shape_cast %broadcast_in_dim3A_908 : vector<128x1xf32> to vector<128xf32>
    %lt3A_910 = arith.constant 0x7F800000 : f32
    %lt3A_911 = vector.broadcast %lt3A_910 : f32 to vector<128xf32>
    %lt3A_912 = arith.cmpf olt, %squeeze3A_909, %lt3A_911 : vector<128xf32>
    %eq3A_913 = vector.broadcast %broadcast_in_dim3A_908 : vector<128x1xf32> to vector<128x8192xf32>
    %eq3A_914 = arith.cmpf oeq, %select_n3A_905, %eq3A_913 : vector<128x8192xf32>
    %jit3A_915 = arith.constant 8192 : i32
    %broadcast_in_dim3A_916 = vector.broadcast %jit3A_915 : i32 to vector<128x8192xi32>
    %select_n3A_917 = arith.select %eq3A_914, %iota3A, %broadcast_in_dim3A_916 : vector<128x8192xi1>, vector<128x8192xi32>
    %reduce_min3A_918 = arith.constant dense<2147483647> : vector<128xi32>
    %reduce_min3A_919 = vector.multi_reduction <minsi>, %select_n3A_917, %reduce_min3A_918 [1] : vector<128x8192xi32> to vector<128xi32>
    %mul3A_920 = arith.constant 8192 : i32
    %mul3A_921 = arith.muli %arg0, %mul3A_920 : i32
    %add3A_922 = vector.broadcast %mul3A_921 : i32 to vector<128xi32>
    %add3A_923 = arith.addi %reduce_min3A_919, %add3A_922 : vector<128xi32>
    %jit3A_924 = arith.constant -1 : i32
    %broadcast_in_dim3A_925 = vector.broadcast %jit3A_924 : i32 to vector<128xi32>
    %select_n3A_926 = arith.select %lt3A_912, %add3A_923, %broadcast_in_dim3A_925 : vector<128xi1>, vector<128xi32>
    %swap3A_927 = arith.constant 0 : index
    %swap3A_928 = arith.constant 22 : index
    %swap3A_929 = arith.constant 0 : index
    %swap3A_930 = vector.load %arg6[%swap3A_927, %swap3A_928, %swap3A_929] : memref<1x32x128xi32, #tpu.memory_space<vmem>>, vector<1x1x128xi32>
    %swap3A_931 = vector.shape_cast %swap3A_930 : vector<1x1x128xi32> to vector<128xi32>
    %swap3A_932 = vector.shape_cast %select_n3A_926 : vector<128xi32> to vector<1x1x128xi32>
    tpu.vector_store %arg6[%swap3A_927, %swap3A_928, %swap3A_929], %swap3A_932 {strides = array<i32>} : memref<1x32x128xi32, #tpu.memory_space<vmem>>, vector<1x1x128xi32>,
    %select_n3A_933 = arith.select %lt3A_912, %add3A_923, %select_n3A_44 : vector<128xi1>, vector<128xi32>
    %swap3A_934 = arith.constant 0 : index
    %swap3A_935 = arith.constant 22 : index
    %swap3A_936 = arith.constant 0 : index
    %swap3A_937 = vector.load %arg7[%swap3A_934, %swap3A_935, %swap3A_936] : memref<1x32x128xi32, #tpu.memory_space<vmem>>, vector<1x1x128xi32>
    %swap3A_938 = vector.shape_cast %swap3A_937 : vector<1x1x128xi32> to vector<128xi32>
    %swap3A_939 = vector.shape_cast %select_n3A_933 : vector<128xi32> to vector<1x1x128xi32>
    tpu.vector_store %arg7[%swap3A_934, %swap3A_935, %swap3A_936], %swap3A_939 {strides = array<i32>} : memref<1x32x128xi32, #tpu.memory_space<vmem>>, vector<1x1x128xi32>,
    %broadcast_in_dim3A_940 = vector.shape_cast %reduce_min3A_919 : vector<128xi32> to vector<128x1xi32>
    %eq3A_941 = vector.broadcast %broadcast_in_dim3A_940 : vector<128x1xi32> to vector<128x8192xi32>
    %eq3A_942 = arith.cmpi eq, %iota3A, %eq3A_941 : vector<128x8192xi32>
    %jit3A_943 = arith.constant 0x7F800000 : f32
    %broadcast_in_dim3A_944 = vector.broadcast %jit3A_943 : f32 to vector<128x8192xf32>
    %select_n3A_945 = arith.select %eq3A_942, %broadcast_in_dim3A_944, %select_n3A_905 : vector<128x8192xi1>, vector<128x8192xf32>
    %reduce_min3A_946 = arith.constant dense<0x7F800000> : vector<128xf32>
    %reduce_min3A_947 = vector.multi_reduction <minimumf>, %select_n3A_945, %reduce_min3A_946 [1] : vector<128x8192xf32> to vector<128xf32>
    %broadcast_in_dim3A_948 = vector.shape_cast %reduce_min3A_947 : vector<128xf32> to vector<128x1xf32>
    %squeeze3A_949 = vector.shape_cast %broadcast_in_dim3A_948 : vector<128x1xf32> to vector<128xf32>
    %lt3A_950 = arith.constant 0x7F800000 : f32
    %lt3A_951 = vector.broadcast %lt3A_950 : f32 to vector<128xf32>
    %lt3A_952 = arith.cmpf olt, %squeeze3A_949, %lt3A_951 : vector<128xf32>
    %eq3A_953 = vector.broadcast %broadcast_in_dim3A_948 : vector<128x1xf32> to vector<128x8192xf32>
    %eq3A_954 = arith.cmpf oeq, %select_n3A_945, %eq3A_953 : vector<128x8192xf32>
    %jit3A_955 = arith.constant 8192 : i32
    %broadcast_in_dim3A_956 = vector.broadcast %jit3A_955 : i32 to vector<128x8192xi32>
    %select_n3A_957 = arith.select %eq3A_954, %iota3A, %broadcast_in_dim3A_956 : vector<128x8192xi1>, vector<128x8192xi32>
    %reduce_min3A_958 = arith.constant dense<2147483647> : vector<128xi32>
    %reduce_min3A_959 = vector.multi_reduction <minsi>, %select_n3A_957, %reduce_min3A_958 [1] : vector<128x8192xi32> to vector<128xi32>
    %mul3A_960 = arith.constant 8192 : i32
    %mul3A_961 = arith.muli %arg0, %mul3A_960 : i32
    %add3A_962 = vector.broadcast %mul3A_961 : i32 to vector<128xi32>
    %add3A_963 = arith.addi %reduce_min3A_959, %add3A_962 : vector<128xi32>
    %jit3A_964 = arith.constant -1 : i32
    %broadcast_in_dim3A_965 = vector.broadcast %jit3A_964 : i32 to vector<128xi32>
    %select_n3A_966 = arith.select %lt3A_952, %add3A_963, %broadcast_in_dim3A_965 : vector<128xi1>, vector<128xi32>
    %swap3A_967 = arith.constant 0 : index
    %swap3A_968 = arith.constant 23 : index
    %swap3A_969 = arith.constant 0 : index
    %swap3A_970 = vector.load %arg6[%swap3A_967, %swap3A_968, %swap3A_969] : memref<1x32x128xi32, #tpu.memory_space<vmem>>, vector<1x1x128xi32>
    %swap3A_971 = vector.shape_cast %swap3A_970 : vector<1x1x128xi32> to vector<128xi32>
    %swap3A_972 = vector.shape_cast %select_n3A_966 : vector<128xi32> to vector<1x1x128xi32>
    tpu.vector_store %arg6[%swap3A_967, %swap3A_968, %swap3A_969], %swap3A_972 {strides = array<i32>} : memref<1x32x128xi32, #tpu.memory_space<vmem>>, vector<1x1x128xi32>,
    %select_n3A_973 = arith.select %lt3A_952, %add3A_963, %select_n3A_44 : vector<128xi1>, vector<128xi32>
    %swap3A_974 = arith.constant 0 : index
    %swap3A_975 = arith.constant 23 : index
    %swap3A_976 = arith.constant 0 : index
    %swap3A_977 = vector.load %arg7[%swap3A_974, %swap3A_975, %swap3A_976] : memref<1x32x128xi32, #tpu.memory_space<vmem>>, vector<1x1x128xi32>
    %swap3A_978 = vector.shape_cast %swap3A_977 : vector<1x1x128xi32> to vector<128xi32>
    %swap3A_979 = vector.shape_cast %select_n3A_973 : vector<128xi32> to vector<1x1x128xi32>
    tpu.vector_store %arg7[%swap3A_974, %swap3A_975, %swap3A_976], %swap3A_979 {strides = array<i32>} : memref<1x32x128xi32, #tpu.memory_space<vmem>>, vector<1x1x128xi32>,
    %broadcast_in_dim3A_980 = vector.shape_cast %reduce_min3A_959 : vector<128xi32> to vector<128x1xi32>
    %eq3A_981 = vector.broadcast %broadcast_in_dim3A_980 : vector<128x1xi32> to vector<128x8192xi32>
    %eq3A_982 = arith.cmpi eq, %iota3A, %eq3A_981 : vector<128x8192xi32>
    %jit3A_983 = arith.constant 0x7F800000 : f32
    %broadcast_in_dim3A_984 = vector.broadcast %jit3A_983 : f32 to vector<128x8192xf32>
    %select_n3A_985 = arith.select %eq3A_982, %broadcast_in_dim3A_984, %select_n3A_945 : vector<128x8192xi1>, vector<128x8192xf32>
    %reduce_min3A_986 = arith.constant dense<0x7F800000> : vector<128xf32>
    %reduce_min3A_987 = vector.multi_reduction <minimumf>, %select_n3A_985, %reduce_min3A_986 [1] : vector<128x8192xf32> to vector<128xf32>
    %broadcast_in_dim3A_988 = vector.shape_cast %reduce_min3A_987 : vector<128xf32> to vector<128x1xf32>
    %squeeze3A_989 = vector.shape_cast %broadcast_in_dim3A_988 : vector<128x1xf32> to vector<128xf32>
    %lt3A_990 = arith.constant 0x7F800000 : f32
    %lt3A_991 = vector.broadcast %lt3A_990 : f32 to vector<128xf32>
    %lt3A_992 = arith.cmpf olt, %squeeze3A_989, %lt3A_991 : vector<128xf32>
    %eq3A_993 = vector.broadcast %broadcast_in_dim3A_988 : vector<128x1xf32> to vector<128x8192xf32>
    %eq3A_994 = arith.cmpf oeq, %select_n3A_985, %eq3A_993 : vector<128x8192xf32>
    %jit3A_995 = arith.constant 8192 : i32
    %broadcast_in_dim3A_996 = vector.broadcast %jit3A_995 : i32 to vector<128x8192xi32>
    %select_n3A_997 = arith.select %eq3A_994, %iota3A, %broadcast_in_dim3A_996 : vector<128x8192xi1>, vector<128x8192xi32>
    %reduce_min3A_998 = arith.constant dense<2147483647> : vector<128xi32>
    %reduce_min3A_999 = vector.multi_reduction <minsi>, %select_n3A_997, %reduce_min3A_998 [1] : vector<128x8192xi32> to vector<128xi32>
    %mul3A_1000 = arith.constant 8192 : i32
    %mul3A_1001 = arith.muli %arg0, %mul3A_1000 : i32
    %add3A_1002 = vector.broadcast %mul3A_1001 : i32 to vector<128xi32>
    %add3A_1003 = arith.addi %reduce_min3A_999, %add3A_1002 : vector<128xi32>
    %jit3A_1004 = arith.constant -1 : i32
    %broadcast_in_dim3A_1005 = vector.broadcast %jit3A_1004 : i32 to vector<128xi32>
    %select_n3A_1006 = arith.select %lt3A_992, %add3A_1003, %broadcast_in_dim3A_1005 : vector<128xi1>, vector<128xi32>
    %swap3A_1007 = arith.constant 0 : index
    %swap3A_1008 = arith.constant 24 : index
    %swap3A_1009 = arith.constant 0 : index
    %swap3A_1010 = vector.load %arg6[%swap3A_1007, %swap3A_1008, %swap3A_1009] : memref<1x32x128xi32, #tpu.memory_space<vmem>>, vector<1x1x128xi32>
    %swap3A_1011 = vector.shape_cast %swap3A_1010 : vector<1x1x128xi32> to vector<128xi32>
    %swap3A_1012 = vector.shape_cast %select_n3A_1006 : vector<128xi32> to vector<1x1x128xi32>
    tpu.vector_store %arg6[%swap3A_1007, %swap3A_1008, %swap3A_1009], %swap3A_1012 {strides = array<i32>} : memref<1x32x128xi32, #tpu.memory_space<vmem>>, vector<1x1x128xi32>,
    %select_n3A_1013 = arith.select %lt3A_992, %add3A_1003, %select_n3A_44 : vector<128xi1>, vector<128xi32>
    %swap3A_1014 = arith.constant 0 : index
    %swap3A_1015 = arith.constant 24 : index
    %swap3A_1016 = arith.constant 0 : index
    %swap3A_1017 = vector.load %arg7[%swap3A_1014, %swap3A_1015, %swap3A_1016] : memref<1x32x128xi32, #tpu.memory_space<vmem>>, vector<1x1x128xi32>
    %swap3A_1018 = vector.shape_cast %swap3A_1017 : vector<1x1x128xi32> to vector<128xi32>
    %swap3A_1019 = vector.shape_cast %select_n3A_1013 : vector<128xi32> to vector<1x1x128xi32>
    tpu.vector_store %arg7[%swap3A_1014, %swap3A_1015, %swap3A_1016], %swap3A_1019 {strides = array<i32>} : memref<1x32x128xi32, #tpu.memory_space<vmem>>, vector<1x1x128xi32>,
    %broadcast_in_dim3A_1020 = vector.shape_cast %reduce_min3A_999 : vector<128xi32> to vector<128x1xi32>
    %eq3A_1021 = vector.broadcast %broadcast_in_dim3A_1020 : vector<128x1xi32> to vector<128x8192xi32>
    %eq3A_1022 = arith.cmpi eq, %iota3A, %eq3A_1021 : vector<128x8192xi32>
    %jit3A_1023 = arith.constant 0x7F800000 : f32
    %broadcast_in_dim3A_1024 = vector.broadcast %jit3A_1023 : f32 to vector<128x8192xf32>
    %select_n3A_1025 = arith.select %eq3A_1022, %broadcast_in_dim3A_1024, %select_n3A_985 : vector<128x8192xi1>, vector<128x8192xf32>
    %reduce_min3A_1026 = arith.constant dense<0x7F800000> : vector<128xf32>
    %reduce_min3A_1027 = vector.multi_reduction <minimumf>, %select_n3A_1025, %reduce_min3A_1026 [1] : vector<128x8192xf32> to vector<128xf32>
    %broadcast_in_dim3A_1028 = vector.shape_cast %reduce_min3A_1027 : vector<128xf32> to vector<128x1xf32>
    %squeeze3A_1029 = vector.shape_cast %broadcast_in_dim3A_1028 : vector<128x1xf32> to vector<128xf32>
    %lt3A_1030 = arith.constant 0x7F800000 : f32
    %lt3A_1031 = vector.broadcast %lt3A_1030 : f32 to vector<128xf32>
    %lt3A_1032 = arith.cmpf olt, %squeeze3A_1029, %lt3A_1031 : vector<128xf32>
    %eq3A_1033 = vector.broadcast %broadcast_in_dim3A_1028 : vector<128x1xf32> to vector<128x8192xf32>
    %eq3A_1034 = arith.cmpf oeq, %select_n3A_1025, %eq3A_1033 : vector<128x8192xf32>
    %jit3A_1035 = arith.constant 8192 : i32
    %broadcast_in_dim3A_1036 = vector.broadcast %jit3A_1035 : i32 to vector<128x8192xi32>
    %select_n3A_1037 = arith.select %eq3A_1034, %iota3A, %broadcast_in_dim3A_1036 : vector<128x8192xi1>, vector<128x8192xi32>
    %reduce_min3A_1038 = arith.constant dense<2147483647> : vector<128xi32>
    %reduce_min3A_1039 = vector.multi_reduction <minsi>, %select_n3A_1037, %reduce_min3A_1038 [1] : vector<128x8192xi32> to vector<128xi32>
    %mul3A_1040 = arith.constant 8192 : i32
    %mul3A_1041 = arith.muli %arg0, %mul3A_1040 : i32
    %add3A_1042 = vector.broadcast %mul3A_1041 : i32 to vector<128xi32>
    %add3A_1043 = arith.addi %reduce_min3A_1039, %add3A_1042 : vector<128xi32>
    %jit3A_1044 = arith.constant -1 : i32
    %broadcast_in_dim3A_1045 = vector.broadcast %jit3A_1044 : i32 to vector<128xi32>
    %select_n3A_1046 = arith.select %lt3A_1032, %add3A_1043, %broadcast_in_dim3A_1045 : vector<128xi1>, vector<128xi32>
    %swap3A_1047 = arith.constant 0 : index
    %swap3A_1048 = arith.constant 25 : index
    %swap3A_1049 = arith.constant 0 : index
    %swap3A_1050 = vector.load %arg6[%swap3A_1047, %swap3A_1048, %swap3A_1049] : memref<1x32x128xi32, #tpu.memory_space<vmem>>, vector<1x1x128xi32>
    %swap3A_1051 = vector.shape_cast %swap3A_1050 : vector<1x1x128xi32> to vector<128xi32>
    %swap3A_1052 = vector.shape_cast %select_n3A_1046 : vector<128xi32> to vector<1x1x128xi32>
    tpu.vector_store %arg6[%swap3A_1047, %swap3A_1048, %swap3A_1049], %swap3A_1052 {strides = array<i32>} : memref<1x32x128xi32, #tpu.memory_space<vmem>>, vector<1x1x128xi32>,
    %select_n3A_1053 = arith.select %lt3A_1032, %add3A_1043, %select_n3A_44 : vector<128xi1>, vector<128xi32>
    %swap3A_1054 = arith.constant 0 : index
    %swap3A_1055 = arith.constant 25 : index
    %swap3A_1056 = arith.constant 0 : index
    %swap3A_1057 = vector.load %arg7[%swap3A_1054, %swap3A_1055, %swap3A_1056] : memref<1x32x128xi32, #tpu.memory_space<vmem>>, vector<1x1x128xi32>
    %swap3A_1058 = vector.shape_cast %swap3A_1057 : vector<1x1x128xi32> to vector<128xi32>
    %swap3A_1059 = vector.shape_cast %select_n3A_1053 : vector<128xi32> to vector<1x1x128xi32>
    tpu.vector_store %arg7[%swap3A_1054, %swap3A_1055, %swap3A_1056], %swap3A_1059 {strides = array<i32>} : memref<1x32x128xi32, #tpu.memory_space<vmem>>, vector<1x1x128xi32>,
    %broadcast_in_dim3A_1060 = vector.shape_cast %reduce_min3A_1039 : vector<128xi32> to vector<128x1xi32>
    %eq3A_1061 = vector.broadcast %broadcast_in_dim3A_1060 : vector<128x1xi32> to vector<128x8192xi32>
    %eq3A_1062 = arith.cmpi eq, %iota3A, %eq3A_1061 : vector<128x8192xi32>
    %jit3A_1063 = arith.constant 0x7F800000 : f32
    %broadcast_in_dim3A_1064 = vector.broadcast %jit3A_1063 : f32 to vector<128x8192xf32>
    %select_n3A_1065 = arith.select %eq3A_1062, %broadcast_in_dim3A_1064, %select_n3A_1025 : vector<128x8192xi1>, vector<128x8192xf32>
    %reduce_min3A_1066 = arith.constant dense<0x7F800000> : vector<128xf32>
    %reduce_min3A_1067 = vector.multi_reduction <minimumf>, %select_n3A_1065, %reduce_min3A_1066 [1] : vector<128x8192xf32> to vector<128xf32>
    %broadcast_in_dim3A_1068 = vector.shape_cast %reduce_min3A_1067 : vector<128xf32> to vector<128x1xf32>
    %squeeze3A_1069 = vector.shape_cast %broadcast_in_dim3A_1068 : vector<128x1xf32> to vector<128xf32>
    %lt3A_1070 = arith.constant 0x7F800000 : f32
    %lt3A_1071 = vector.broadcast %lt3A_1070 : f32 to vector<128xf32>
    %lt3A_1072 = arith.cmpf olt, %squeeze3A_1069, %lt3A_1071 : vector<128xf32>
    %eq3A_1073 = vector.broadcast %broadcast_in_dim3A_1068 : vector<128x1xf32> to vector<128x8192xf32>
    %eq3A_1074 = arith.cmpf oeq, %select_n3A_1065, %eq3A_1073 : vector<128x8192xf32>
    %jit3A_1075 = arith.constant 8192 : i32
    %broadcast_in_dim3A_1076 = vector.broadcast %jit3A_1075 : i32 to vector<128x8192xi32>
    %select_n3A_1077 = arith.select %eq3A_1074, %iota3A, %broadcast_in_dim3A_1076 : vector<128x8192xi1>, vector<128x8192xi32>
    %reduce_min3A_1078 = arith.constant dense<2147483647> : vector<128xi32>
    %reduce_min3A_1079 = vector.multi_reduction <minsi>, %select_n3A_1077, %reduce_min3A_1078 [1] : vector<128x8192xi32> to vector<128xi32>
    %mul3A_1080 = arith.constant 8192 : i32
    %mul3A_1081 = arith.muli %arg0, %mul3A_1080 : i32
    %add3A_1082 = vector.broadcast %mul3A_1081 : i32 to vector<128xi32>
    %add3A_1083 = arith.addi %reduce_min3A_1079, %add3A_1082 : vector<128xi32>
    %jit3A_1084 = arith.constant -1 : i32
    %broadcast_in_dim3A_1085 = vector.broadcast %jit3A_1084 : i32 to vector<128xi32>
    %select_n3A_1086 = arith.select %lt3A_1072, %add3A_1083, %broadcast_in_dim3A_1085 : vector<128xi1>, vector<128xi32>
    %swap3A_1087 = arith.constant 0 : index
    %swap3A_1088 = arith.constant 26 : index
    %swap3A_1089 = arith.constant 0 : index
    %swap3A_1090 = vector.load %arg6[%swap3A_1087, %swap3A_1088, %swap3A_1089] : memref<1x32x128xi32, #tpu.memory_space<vmem>>, vector<1x1x128xi32>
    %swap3A_1091 = vector.shape_cast %swap3A_1090 : vector<1x1x128xi32> to vector<128xi32>
    %swap3A_1092 = vector.shape_cast %select_n3A_1086 : vector<128xi32> to vector<1x1x128xi32>
    tpu.vector_store %arg6[%swap3A_1087, %swap3A_1088, %swap3A_1089], %swap3A_1092 {strides = array<i32>} : memref<1x32x128xi32, #tpu.memory_space<vmem>>, vector<1x1x128xi32>,
    %select_n3A_1093 = arith.select %lt3A_1072, %add3A_1083, %select_n3A_44 : vector<128xi1>, vector<128xi32>
    %swap3A_1094 = arith.constant 0 : index
    %swap3A_1095 = arith.constant 26 : index
    %swap3A_1096 = arith.constant 0 : index
    %swap3A_1097 = vector.load %arg7[%swap3A_1094, %swap3A_1095, %swap3A_1096] : memref<1x32x128xi32, #tpu.memory_space<vmem>>, vector<1x1x128xi32>
    %swap3A_1098 = vector.shape_cast %swap3A_1097 : vector<1x1x128xi32> to vector<128xi32>
    %swap3A_1099 = vector.shape_cast %select_n3A_1093 : vector<128xi32> to vector<1x1x128xi32>
    tpu.vector_store %arg7[%swap3A_1094, %swap3A_1095, %swap3A_1096], %swap3A_1099 {strides = array<i32>} : memref<1x32x128xi32, #tpu.memory_space<vmem>>, vector<1x1x128xi32>,
    %broadcast_in_dim3A_1100 = vector.shape_cast %reduce_min3A_1079 : vector<128xi32> to vector<128x1xi32>
    %eq3A_1101 = vector.broadcast %broadcast_in_dim3A_1100 : vector<128x1xi32> to vector<128x8192xi32>
    %eq3A_1102 = arith.cmpi eq, %iota3A, %eq3A_1101 : vector<128x8192xi32>
    %jit3A_1103 = arith.constant 0x7F800000 : f32
    %broadcast_in_dim3A_1104 = vector.broadcast %jit3A_1103 : f32 to vector<128x8192xf32>
    %select_n3A_1105 = arith.select %eq3A_1102, %broadcast_in_dim3A_1104, %select_n3A_1065 : vector<128x8192xi1>, vector<128x8192xf32>
    %reduce_min3A_1106 = arith.constant dense<0x7F800000> : vector<128xf32>
    %reduce_min3A_1107 = vector.multi_reduction <minimumf>, %select_n3A_1105, %reduce_min3A_1106 [1] : vector<128x8192xf32> to vector<128xf32>
    %broadcast_in_dim3A_1108 = vector.shape_cast %reduce_min3A_1107 : vector<128xf32> to vector<128x1xf32>
    %squeeze3A_1109 = vector.shape_cast %broadcast_in_dim3A_1108 : vector<128x1xf32> to vector<128xf32>
    %lt3A_1110 = arith.constant 0x7F800000 : f32
    %lt3A_1111 = vector.broadcast %lt3A_1110 : f32 to vector<128xf32>
    %lt3A_1112 = arith.cmpf olt, %squeeze3A_1109, %lt3A_1111 : vector<128xf32>
    %eq3A_1113 = vector.broadcast %broadcast_in_dim3A_1108 : vector<128x1xf32> to vector<128x8192xf32>
    %eq3A_1114 = arith.cmpf oeq, %select_n3A_1105, %eq3A_1113 : vector<128x8192xf32>
    %jit3A_1115 = arith.constant 8192 : i32
    %broadcast_in_dim3A_1116 = vector.broadcast %jit3A_1115 : i32 to vector<128x8192xi32>
    %select_n3A_1117 = arith.select %eq3A_1114, %iota3A, %broadcast_in_dim3A_1116 : vector<128x8192xi1>, vector<128x8192xi32>
    %reduce_min3A_1118 = arith.constant dense<2147483647> : vector<128xi32>
    %reduce_min3A_1119 = vector.multi_reduction <minsi>, %select_n3A_1117, %reduce_min3A_1118 [1] : vector<128x8192xi32> to vector<128xi32>
    %mul3A_1120 = arith.constant 8192 : i32
    %mul3A_1121 = arith.muli %arg0, %mul3A_1120 : i32
    %add3A_1122 = vector.broadcast %mul3A_1121 : i32 to vector<128xi32>
    %add3A_1123 = arith.addi %reduce_min3A_1119, %add3A_1122 : vector<128xi32>
    %jit3A_1124 = arith.constant -1 : i32
    %broadcast_in_dim3A_1125 = vector.broadcast %jit3A_1124 : i32 to vector<128xi32>
    %select_n3A_1126 = arith.select %lt3A_1112, %add3A_1123, %broadcast_in_dim3A_1125 : vector<128xi1>, vector<128xi32>
    %swap3A_1127 = arith.constant 0 : index
    %swap3A_1128 = arith.constant 27 : index
    %swap3A_1129 = arith.constant 0 : index
    %swap3A_1130 = vector.load %arg6[%swap3A_1127, %swap3A_1128, %swap3A_1129] : memref<1x32x128xi32, #tpu.memory_space<vmem>>, vector<1x1x128xi32>
    %swap3A_1131 = vector.shape_cast %swap3A_1130 : vector<1x1x128xi32> to vector<128xi32>
    %swap3A_1132 = vector.shape_cast %select_n3A_1126 : vector<128xi32> to vector<1x1x128xi32>
    tpu.vector_store %arg6[%swap3A_1127, %swap3A_1128, %swap3A_1129], %swap3A_1132 {strides = array<i32>} : memref<1x32x128xi32, #tpu.memory_space<vmem>>, vector<1x1x128xi32>,
    %select_n3A_1133 = arith.select %lt3A_1112, %add3A_1123, %select_n3A_44 : vector<128xi1>, vector<128xi32>
    %swap3A_1134 = arith.constant 0 : index
    %swap3A_1135 = arith.constant 27 : index
    %swap3A_1136 = arith.constant 0 : index
    %swap3A_1137 = vector.load %arg7[%swap3A_1134, %swap3A_1135, %swap3A_1136] : memref<1x32x128xi32, #tpu.memory_space<vmem>>, vector<1x1x128xi32>
    %swap3A_1138 = vector.shape_cast %swap3A_1137 : vector<1x1x128xi32> to vector<128xi32>
    %swap3A_1139 = vector.shape_cast %select_n3A_1133 : vector<128xi32> to vector<1x1x128xi32>
    tpu.vector_store %arg7[%swap3A_1134, %swap3A_1135, %swap3A_1136], %swap3A_1139 {strides = array<i32>} : memref<1x32x128xi32, #tpu.memory_space<vmem>>, vector<1x1x128xi32>,
    %broadcast_in_dim3A_1140 = vector.shape_cast %reduce_min3A_1119 : vector<128xi32> to vector<128x1xi32>
    %eq3A_1141 = vector.broadcast %broadcast_in_dim3A_1140 : vector<128x1xi32> to vector<128x8192xi32>
    %eq3A_1142 = arith.cmpi eq, %iota3A, %eq3A_1141 : vector<128x8192xi32>
    %jit3A_1143 = arith.constant 0x7F800000 : f32
    %broadcast_in_dim3A_1144 = vector.broadcast %jit3A_1143 : f32 to vector<128x8192xf32>
    %select_n3A_1145 = arith.select %eq3A_1142, %broadcast_in_dim3A_1144, %select_n3A_1105 : vector<128x8192xi1>, vector<128x8192xf32>
    %reduce_min3A_1146 = arith.constant dense<0x7F800000> : vector<128xf32>
    %reduce_min3A_1147 = vector.multi_reduction <minimumf>, %select_n3A_1145, %reduce_min3A_1146 [1] : vector<128x8192xf32> to vector<128xf32>
    %broadcast_in_dim3A_1148 = vector.shape_cast %reduce_min3A_1147 : vector<128xf32> to vector<128x1xf32>
    %squeeze3A_1149 = vector.shape_cast %broadcast_in_dim3A_1148 : vector<128x1xf32> to vector<128xf32>
    %lt3A_1150 = arith.constant 0x7F800000 : f32
    %lt3A_1151 = vector.broadcast %lt3A_1150 : f32 to vector<128xf32>
    %lt3A_1152 = arith.cmpf olt, %squeeze3A_1149, %lt3A_1151 : vector<128xf32>
    %eq3A_1153 = vector.broadcast %broadcast_in_dim3A_1148 : vector<128x1xf32> to vector<128x8192xf32>
    %eq3A_1154 = arith.cmpf oeq, %select_n3A_1145, %eq3A_1153 : vector<128x8192xf32>
    %jit3A_1155 = arith.constant 8192 : i32
    %broadcast_in_dim3A_1156 = vector.broadcast %jit3A_1155 : i32 to vector<128x8192xi32>
    %select_n3A_1157 = arith.select %eq3A_1154, %iota3A, %broadcast_in_dim3A_1156 : vector<128x8192xi1>, vector<128x8192xi32>
    %reduce_min3A_1158 = arith.constant dense<2147483647> : vector<128xi32>
    %reduce_min3A_1159 = vector.multi_reduction <minsi>, %select_n3A_1157, %reduce_min3A_1158 [1] : vector<128x8192xi32> to vector<128xi32>
    %mul3A_1160 = arith.constant 8192 : i32
    %mul3A_1161 = arith.muli %arg0, %mul3A_1160 : i32
    %add3A_1162 = vector.broadcast %mul3A_1161 : i32 to vector<128xi32>
    %add3A_1163 = arith.addi %reduce_min3A_1159, %add3A_1162 : vector<128xi32>
    %jit3A_1164 = arith.constant -1 : i32
    %broadcast_in_dim3A_1165 = vector.broadcast %jit3A_1164 : i32 to vector<128xi32>
    %select_n3A_1166 = arith.select %lt3A_1152, %add3A_1163, %broadcast_in_dim3A_1165 : vector<128xi1>, vector<128xi32>
    %swap3A_1167 = arith.constant 0 : index
    %swap3A_1168 = arith.constant 28 : index
    %swap3A_1169 = arith.constant 0 : index
    %swap3A_1170 = vector.load %arg6[%swap3A_1167, %swap3A_1168, %swap3A_1169] : memref<1x32x128xi32, #tpu.memory_space<vmem>>, vector<1x1x128xi32>
    %swap3A_1171 = vector.shape_cast %swap3A_1170 : vector<1x1x128xi32> to vector<128xi32>
    %swap3A_1172 = vector.shape_cast %select_n3A_1166 : vector<128xi32> to vector<1x1x128xi32>
    tpu.vector_store %arg6[%swap3A_1167, %swap3A_1168, %swap3A_1169], %swap3A_1172 {strides = array<i32>} : memref<1x32x128xi32, #tpu.memory_space<vmem>>, vector<1x1x128xi32>,
    %select_n3A_1173 = arith.select %lt3A_1152, %add3A_1163, %select_n3A_44 : vector<128xi1>, vector<128xi32>
    %swap3A_1174 = arith.constant 0 : index
    %swap3A_1175 = arith.constant 28 : index
    %swap3A_1176 = arith.constant 0 : index
    %swap3A_1177 = vector.load %arg7[%swap3A_1174, %swap3A_1175, %swap3A_1176] : memref<1x32x128xi32, #tpu.memory_space<vmem>>, vector<1x1x128xi32>
    %swap3A_1178 = vector.shape_cast %swap3A_1177 : vector<1x1x128xi32> to vector<128xi32>
    %swap3A_1179 = vector.shape_cast %select_n3A_1173 : vector<128xi32> to vector<1x1x128xi32>
    tpu.vector_store %arg7[%swap3A_1174, %swap3A_1175, %swap3A_1176], %swap3A_1179 {strides = array<i32>} : memref<1x32x128xi32, #tpu.memory_space<vmem>>, vector<1x1x128xi32>,
    %broadcast_in_dim3A_1180 = vector.shape_cast %reduce_min3A_1159 : vector<128xi32> to vector<128x1xi32>
    %eq3A_1181 = vector.broadcast %broadcast_in_dim3A_1180 : vector<128x1xi32> to vector<128x8192xi32>
    %eq3A_1182 = arith.cmpi eq, %iota3A, %eq3A_1181 : vector<128x8192xi32>
    %jit3A_1183 = arith.constant 0x7F800000 : f32
    %broadcast_in_dim3A_1184 = vector.broadcast %jit3A_1183 : f32 to vector<128x8192xf32>
    %select_n3A_1185 = arith.select %eq3A_1182, %broadcast_in_dim3A_1184, %select_n3A_1145 : vector<128x8192xi1>, vector<128x8192xf32>
    %reduce_min3A_1186 = arith.constant dense<0x7F800000> : vector<128xf32>
    %reduce_min3A_1187 = vector.multi_reduction <minimumf>, %select_n3A_1185, %reduce_min3A_1186 [1] : vector<128x8192xf32> to vector<128xf32>
    %broadcast_in_dim3A_1188 = vector.shape_cast %reduce_min3A_1187 : vector<128xf32> to vector<128x1xf32>
    %squeeze3A_1189 = vector.shape_cast %broadcast_in_dim3A_1188 : vector<128x1xf32> to vector<128xf32>
    %lt3A_1190 = arith.constant 0x7F800000 : f32
    %lt3A_1191 = vector.broadcast %lt3A_1190 : f32 to vector<128xf32>
    %lt3A_1192 = arith.cmpf olt, %squeeze3A_1189, %lt3A_1191 : vector<128xf32>
    %eq3A_1193 = vector.broadcast %broadcast_in_dim3A_1188 : vector<128x1xf32> to vector<128x8192xf32>
    %eq3A_1194 = arith.cmpf oeq, %select_n3A_1185, %eq3A_1193 : vector<128x8192xf32>
    %jit3A_1195 = arith.constant 8192 : i32
    %broadcast_in_dim3A_1196 = vector.broadcast %jit3A_1195 : i32 to vector<128x8192xi32>
    %select_n3A_1197 = arith.select %eq3A_1194, %iota3A, %broadcast_in_dim3A_1196 : vector<128x8192xi1>, vector<128x8192xi32>
    %reduce_min3A_1198 = arith.constant dense<2147483647> : vector<128xi32>
    %reduce_min3A_1199 = vector.multi_reduction <minsi>, %select_n3A_1197, %reduce_min3A_1198 [1] : vector<128x8192xi32> to vector<128xi32>
    %mul3A_1200 = arith.constant 8192 : i32
    %mul3A_1201 = arith.muli %arg0, %mul3A_1200 : i32
    %add3A_1202 = vector.broadcast %mul3A_1201 : i32 to vector<128xi32>
    %add3A_1203 = arith.addi %reduce_min3A_1199, %add3A_1202 : vector<128xi32>
    %jit3A_1204 = arith.constant -1 : i32
    %broadcast_in_dim3A_1205 = vector.broadcast %jit3A_1204 : i32 to vector<128xi32>
    %select_n3A_1206 = arith.select %lt3A_1192, %add3A_1203, %broadcast_in_dim3A_1205 : vector<128xi1>, vector<128xi32>
    %swap3A_1207 = arith.constant 0 : index
    %swap3A_1208 = arith.constant 29 : index
    %swap3A_1209 = arith.constant 0 : index
    %swap3A_1210 = vector.load %arg6[%swap3A_1207, %swap3A_1208, %swap3A_1209] : memref<1x32x128xi32, #tpu.memory_space<vmem>>, vector<1x1x128xi32>
    %swap3A_1211 = vector.shape_cast %swap3A_1210 : vector<1x1x128xi32> to vector<128xi32>
    %swap3A_1212 = vector.shape_cast %select_n3A_1206 : vector<128xi32> to vector<1x1x128xi32>
    tpu.vector_store %arg6[%swap3A_1207, %swap3A_1208, %swap3A_1209], %swap3A_1212 {strides = array<i32>} : memref<1x32x128xi32, #tpu.memory_space<vmem>>, vector<1x1x128xi32>,
    %select_n3A_1213 = arith.select %lt3A_1192, %add3A_1203, %select_n3A_44 : vector<128xi1>, vector<128xi32>
    %swap3A_1214 = arith.constant 0 : index
    %swap3A_1215 = arith.constant 29 : index
    %swap3A_1216 = arith.constant 0 : index
    %swap3A_1217 = vector.load %arg7[%swap3A_1214, %swap3A_1215, %swap3A_1216] : memref<1x32x128xi32, #tpu.memory_space<vmem>>, vector<1x1x128xi32>
    %swap3A_1218 = vector.shape_cast %swap3A_1217 : vector<1x1x128xi32> to vector<128xi32>
    %swap3A_1219 = vector.shape_cast %select_n3A_1213 : vector<128xi32> to vector<1x1x128xi32>
    tpu.vector_store %arg7[%swap3A_1214, %swap3A_1215, %swap3A_1216], %swap3A_1219 {strides = array<i32>} : memref<1x32x128xi32, #tpu.memory_space<vmem>>, vector<1x1x128xi32>,
    %broadcast_in_dim3A_1220 = vector.shape_cast %reduce_min3A_1199 : vector<128xi32> to vector<128x1xi32>
    %eq3A_1221 = vector.broadcast %broadcast_in_dim3A_1220 : vector<128x1xi32> to vector<128x8192xi32>
    %eq3A_1222 = arith.cmpi eq, %iota3A, %eq3A_1221 : vector<128x8192xi32>
    %jit3A_1223 = arith.constant 0x7F800000 : f32
    %broadcast_in_dim3A_1224 = vector.broadcast %jit3A_1223 : f32 to vector<128x8192xf32>
    %select_n3A_1225 = arith.select %eq3A_1222, %broadcast_in_dim3A_1224, %select_n3A_1185 : vector<128x8192xi1>, vector<128x8192xf32>
    %reduce_min3A_1226 = arith.constant dense<0x7F800000> : vector<128xf32>
    %reduce_min3A_1227 = vector.multi_reduction <minimumf>, %select_n3A_1225, %reduce_min3A_1226 [1] : vector<128x8192xf32> to vector<128xf32>
    %broadcast_in_dim3A_1228 = vector.shape_cast %reduce_min3A_1227 : vector<128xf32> to vector<128x1xf32>
    %squeeze3A_1229 = vector.shape_cast %broadcast_in_dim3A_1228 : vector<128x1xf32> to vector<128xf32>
    %lt3A_1230 = arith.constant 0x7F800000 : f32
    %lt3A_1231 = vector.broadcast %lt3A_1230 : f32 to vector<128xf32>
    %lt3A_1232 = arith.cmpf olt, %squeeze3A_1229, %lt3A_1231 : vector<128xf32>
    %eq3A_1233 = vector.broadcast %broadcast_in_dim3A_1228 : vector<128x1xf32> to vector<128x8192xf32>
    %eq3A_1234 = arith.cmpf oeq, %select_n3A_1225, %eq3A_1233 : vector<128x8192xf32>
    %jit3A_1235 = arith.constant 8192 : i32
    %broadcast_in_dim3A_1236 = vector.broadcast %jit3A_1235 : i32 to vector<128x8192xi32>
    %select_n3A_1237 = arith.select %eq3A_1234, %iota3A, %broadcast_in_dim3A_1236 : vector<128x8192xi1>, vector<128x8192xi32>
    %reduce_min3A_1238 = arith.constant dense<2147483647> : vector<128xi32>
    %reduce_min3A_1239 = vector.multi_reduction <minsi>, %select_n3A_1237, %reduce_min3A_1238 [1] : vector<128x8192xi32> to vector<128xi32>
    %mul3A_1240 = arith.constant 8192 : i32
    %mul3A_1241 = arith.muli %arg0, %mul3A_1240 : i32
    %add3A_1242 = vector.broadcast %mul3A_1241 : i32 to vector<128xi32>
    %add3A_1243 = arith.addi %reduce_min3A_1239, %add3A_1242 : vector<128xi32>
    %jit3A_1244 = arith.constant -1 : i32
    %broadcast_in_dim3A_1245 = vector.broadcast %jit3A_1244 : i32 to vector<128xi32>
    %select_n3A_1246 = arith.select %lt3A_1232, %add3A_1243, %broadcast_in_dim3A_1245 : vector<128xi1>, vector<128xi32>
    %swap3A_1247 = arith.constant 0 : index
    %swap3A_1248 = arith.constant 30 : index
    %swap3A_1249 = arith.constant 0 : index
    %swap3A_1250 = vector.load %arg6[%swap3A_1247, %swap3A_1248, %swap3A_1249] : memref<1x32x128xi32, #tpu.memory_space<vmem>>, vector<1x1x128xi32>
    %swap3A_1251 = vector.shape_cast %swap3A_1250 : vector<1x1x128xi32> to vector<128xi32>
    %swap3A_1252 = vector.shape_cast %select_n3A_1246 : vector<128xi32> to vector<1x1x128xi32>
    tpu.vector_store %arg6[%swap3A_1247, %swap3A_1248, %swap3A_1249], %swap3A_1252 {strides = array<i32>} : memref<1x32x128xi32, #tpu.memory_space<vmem>>, vector<1x1x128xi32>,
    %select_n3A_1253 = arith.select %lt3A_1232, %add3A_1243, %select_n3A_44 : vector<128xi1>, vector<128xi32>
    %swap3A_1254 = arith.constant 0 : index
    %swap3A_1255 = arith.constant 30 : index
    %swap3A_1256 = arith.constant 0 : index
    %swap3A_1257 = vector.load %arg7[%swap3A_1254, %swap3A_1255, %swap3A_1256] : memref<1x32x128xi32, #tpu.memory_space<vmem>>, vector<1x1x128xi32>
    %swap3A_1258 = vector.shape_cast %swap3A_1257 : vector<1x1x128xi32> to vector<128xi32>
    %swap3A_1259 = vector.shape_cast %select_n3A_1253 : vector<128xi32> to vector<1x1x128xi32>
    tpu.vector_store %arg7[%swap3A_1254, %swap3A_1255, %swap3A_1256], %swap3A_1259 {strides = array<i32>} : memref<1x32x128xi32, #tpu.memory_space<vmem>>, vector<1x1x128xi32>,
    %broadcast_in_dim3A_1260 = vector.shape_cast %reduce_min3A_1239 : vector<128xi32> to vector<128x1xi32>
    %eq3A_1261 = vector.broadcast %broadcast_in_dim3A_1260 : vector<128x1xi32> to vector<128x8192xi32>
    %eq3A_1262 = arith.cmpi eq, %iota3A, %eq3A_1261 : vector<128x8192xi32>
    %jit3A_1263 = arith.constant 0x7F800000 : f32
    %broadcast_in_dim3A_1264 = vector.broadcast %jit3A_1263 : f32 to vector<128x8192xf32>
    %select_n3A_1265 = arith.select %eq3A_1262, %broadcast_in_dim3A_1264, %select_n3A_1225 : vector<128x8192xi1>, vector<128x8192xf32>
    %reduce_min3A_1266 = arith.constant dense<0x7F800000> : vector<128xf32>
    %reduce_min3A_1267 = vector.multi_reduction <minimumf>, %select_n3A_1265, %reduce_min3A_1266 [1] : vector<128x8192xf32> to vector<128xf32>
    %broadcast_in_dim3A_1268 = vector.shape_cast %reduce_min3A_1267 : vector<128xf32> to vector<128x1xf32>
    %squeeze3A_1269 = vector.shape_cast %broadcast_in_dim3A_1268 : vector<128x1xf32> to vector<128xf32>
    %lt3A_1270 = arith.constant 0x7F800000 : f32
    %lt3A_1271 = vector.broadcast %lt3A_1270 : f32 to vector<128xf32>
    %lt3A_1272 = arith.cmpf olt, %squeeze3A_1269, %lt3A_1271 : vector<128xf32>
    %eq3A_1273 = vector.broadcast %broadcast_in_dim3A_1268 : vector<128x1xf32> to vector<128x8192xf32>
    %eq3A_1274 = arith.cmpf oeq, %select_n3A_1265, %eq3A_1273 : vector<128x8192xf32>
    %jit3A_1275 = arith.constant 8192 : i32
    %broadcast_in_dim3A_1276 = vector.broadcast %jit3A_1275 : i32 to vector<128x8192xi32>
    %select_n3A_1277 = arith.select %eq3A_1274, %iota3A, %broadcast_in_dim3A_1276 : vector<128x8192xi1>, vector<128x8192xi32>
    %reduce_min3A_1278 = arith.constant dense<2147483647> : vector<128xi32>
    %reduce_min3A_1279 = vector.multi_reduction <minsi>, %select_n3A_1277, %reduce_min3A_1278 [1] : vector<128x8192xi32> to vector<128xi32>
    %mul3A_1280 = arith.constant 8192 : i32
    %mul3A_1281 = arith.muli %arg0, %mul3A_1280 : i32
    %add3A_1282 = vector.broadcast %mul3A_1281 : i32 to vector<128xi32>
    %add3A_1283 = arith.addi %reduce_min3A_1279, %add3A_1282 : vector<128xi32>
    %jit3A_1284 = arith.constant -1 : i32
    %broadcast_in_dim3A_1285 = vector.broadcast %jit3A_1284 : i32 to vector<128xi32>
    %select_n3A_1286 = arith.select %lt3A_1272, %add3A_1283, %broadcast_in_dim3A_1285 : vector<128xi1>, vector<128xi32>
    %swap3A_1287 = arith.constant 0 : index
    %swap3A_1288 = arith.constant 31 : index
    %swap3A_1289 = arith.constant 0 : index
    %swap3A_1290 = vector.load %arg6[%swap3A_1287, %swap3A_1288, %swap3A_1289] : memref<1x32x128xi32, #tpu.memory_space<vmem>>, vector<1x1x128xi32>
    %swap3A_1291 = vector.shape_cast %swap3A_1290 : vector<1x1x128xi32> to vector<128xi32>
    %swap3A_1292 = vector.shape_cast %select_n3A_1286 : vector<128xi32> to vector<1x1x128xi32>
    tpu.vector_store %arg6[%swap3A_1287, %swap3A_1288, %swap3A_1289], %swap3A_1292 {strides = array<i32>} : memref<1x32x128xi32, #tpu.memory_space<vmem>>, vector<1x1x128xi32>,
    %select_n3A_1293 = arith.select %lt3A_1272, %add3A_1283, %select_n3A_44 : vector<128xi1>, vector<128xi32>
    %swap3A_1294 = arith.constant 0 : index
    %swap3A_1295 = arith.constant 31 : index
    %swap3A_1296 = arith.constant 0 : index
    %swap3A_1297 = vector.load %arg7[%swap3A_1294, %swap3A_1295, %swap3A_1296] : memref<1x32x128xi32, #tpu.memory_space<vmem>>, vector<1x1x128xi32>
    %swap3A_1298 = vector.shape_cast %swap3A_1297 : vector<1x1x128xi32> to vector<128xi32>
    %swap3A_1299 = vector.shape_cast %select_n3A_1293 : vector<128xi32> to vector<1x1x128xi32>
    tpu.vector_store %arg7[%swap3A_1294, %swap3A_1295, %swap3A_1296], %swap3A_1299 {strides = array<i32>} : memref<1x32x128xi32, #tpu.memory_space<vmem>>, vector<1x1x128xi32>,
    return
  }
  func.func @transform_0(%arg0: i32, %arg1: i32) -> (i32, i32, i32) {
    %c0_i32 = arith.constant 0 : i32
    %c0_i32_0 = arith.constant 0 : i32
    return %arg0, %arg1, %c0_i32 : i32, i32, i32
  }
  func.func @transform_1(%arg0: i32, %arg1: i32) -> (i32, i32, i32) {
    %mul3A = arith.constant 8 : i32
    %mul3A_0 = arith.muli %arg0, %mul3A : i32
    %add3A = arith.addi %mul3A_0, %arg1 : i32
    %c0_i32 = arith.constant 0 : i32
    %c0_i32_1 = arith.constant 0 : i32
    %c0_i32_2 = arith.constant 0 : i32
    return %add3A, %c0_i32, %c0_i32_1 : i32, i32, i32
  }
  func.func @transform_2(%arg0: i32, %arg1: i32) -> (i32, i32, i32) {
    %c0_i32 = arith.constant 0 : i32
    %c0_i32_0 = arith.constant 0 : i32
    %c0_i32_1 = arith.constant 0 : i32
    return %arg0, %c0_i32, %c0_i32_0 : i32, i32, i32
  }
  func.func @transform_3(%arg0: i32, %arg1: i32) -> (i32, i32, i32) {
    %c0_i32 = arith.constant 0 : i32
    %c0_i32_0 = arith.constant 0 : i32
    %c0_i32_1 = arith.constant 0 : i32
    return %arg0, %c0_i32, %c0_i32_0 : i32, i32, i32
  }
  func.func @transform_4(%arg0: i32, %arg1: i32) -> (i32, i32, i32) {
    %mul3A = arith.constant 8 : i32
    %mul3A_0 = arith.muli %arg0, %mul3A : i32
    %add3A = arith.addi %mul3A_0, %arg1 : i32
    %c0_i32 = arith.constant 0 : i32
    %c0_i32_1 = arith.constant 0 : i32
    %c0_i32_2 = arith.constant 0 : i32
    return %add3A, %c0_i32, %c0_i32_1 : i32, i32, i32
  }
  func.func @transform_5(%arg0: i32, %arg1: i32) -> (i32, i32, i32) {
    %mul3A = arith.constant 8 : i32
    %mul3A_0 = arith.muli %arg0, %mul3A : i32
    %add3A = arith.addi %mul3A_0, %arg1 : i32
    %c0_i32 = arith.constant 0 : i32
    %c0_i32_1 = arith.constant 0 : i32
    %c0_i32_2 = arith.constant 0 : i32
    return %add3A, %c0_i32, %c0_i32_1 : i32, i32, i32
  }
}

module attributes {stable_mosaic.version = 14 : i64} {
  func.func @_mlp_body(%arg0: i32, %arg1: memref<2048x8xf32, #tpu.memory_space<vmem>>, %arg2: memref<8x64xf32, #tpu.memory_space<vmem>>, %arg3: memref<1x64xf32, #tpu.memory_space<vmem>>, %arg4: memref<64x64xf32, #tpu.memory_space<vmem>>, %arg5: memref<1x64xf32, #tpu.memory_space<vmem>>, %arg6: memref<2048x128xf32, #tpu.memory_space<vmem>>) attributes {dimension_semantics = [#tpu.dimension_semantics<arbitrary>], iteration_bounds = array<i64: 17>, scalar_prefetch = 0 : i64, scratch_operands = 0 : i64, tpu.core_type = #tpu.core_type<tc>, window_params = [{transform_indices = @transform_0, window_bounds = array<i64: 2048, 8>}, {pipeline_mode = #tpu.pipeline_mode<synchronous>, transform_indices = @transform_1, window_bounds = array<i64: 8, 64>}, {pipeline_mode = #tpu.pipeline_mode<synchronous>, transform_indices = @transform_2, window_bounds = array<i64: 1, 64>}, {pipeline_mode = #tpu.pipeline_mode<synchronous>, transform_indices = @transform_3, window_bounds = array<i64: 64, 64>}, {pipeline_mode = #tpu.pipeline_mode<synchronous>, transform_indices = @transform_4, window_bounds = array<i64: 1, 64>}, {transform_indices = @transform_5, window_bounds = array<i64: 2048, 128>}]} {
    %broadcast_in_dim3A = arith.constant 0.000000e+00 : f32
    %broadcast_in_dim3A_0 = vector.broadcast %broadcast_in_dim3A : f32 to vector<2048x128xf32>
    %swap3A = arith.constant 0 : index
    %swap3A_1 = arith.constant 0 : index
    %swap3A_2 = vector.load %arg6[%swap3A, %swap3A_1] : memref<2048x128xf32, #tpu.memory_space<vmem>>, vector<2048x128xf32>
    tpu.vector_store %arg6[%swap3A, %swap3A_1], %broadcast_in_dim3A_0 {strides = array<i32>} : memref<2048x128xf32, #tpu.memory_space<vmem>>, vector<2048x128xf32>,
    %lt3A = arith.constant 16 : i32
    %lt3A_3 = arith.cmpi slt, %arg0, %lt3A : i32
    %convert_element_type3A = arith.extui %lt3A_3 : i1 to i32
    %cond3A = arith.constant 0 : i32
    %cond3A_4 = arith.cmpi ne, %convert_element_type3A, %cond3A : i32
    scf.if %cond3A_4 {
      %get3A = arith.constant 0 : index
      %get3A_5 = arith.constant 0 : index
      %get3A_6 = vector.load %arg1[%get3A, %get3A_5] : memref<2048x8xf32, #tpu.memory_space<vmem>>, vector<2048x8xf32>
      %get3A_7 = arith.constant 0 : index
      %get3A_8 = arith.constant 0 : index
      %get3A_9 = vector.load %arg2[%get3A_7, %get3A_8] : memref<8x64xf32, #tpu.memory_space<vmem>>, vector<8x64xf32>
      %dot_general3A = arith.constant dense<0.000000e+00> : vector<2048x64xf32>
      %dot_general3A_10 = tpu.matmul %get3A_6, %get3A_9, %dot_general3A {dimension_numbers = #tpu.dot_dimension_numbers<[1], [0], [0], [1], [0, 0, 1, 1], [], []>, transpose_lhs_hint = false} : vector<2048x8xf32>, vector<8x64xf32>, vector<2048x64xf32> -> vector<2048x64xf32>
      %get3A_11 = arith.constant 0 : index
      %get3A_12 = arith.constant 0 : index
      %get3A_13 = vector.load %arg3[%get3A_11, %get3A_12] : memref<1x64xf32, #tpu.memory_space<vmem>>, vector<1x64xf32>
      %add3A = vector.broadcast %get3A_13 : vector<1x64xf32> to vector<2048x64xf32>
      %add3A_14 = arith.addf %dot_general3A_10, %add3A : vector<2048x64xf32>
      %max3A = arith.constant 0.000000e+00 : f32
      %max3A_15 = vector.broadcast %max3A : f32 to vector<2048x64xf32>
      %max3A_16 = arith.maximumf %add3A_14, %max3A_15 : vector<2048x64xf32>
      %get3A_17 = arith.constant 0 : index
      %get3A_18 = arith.constant 0 : index
      %get3A_19 = vector.load %arg4[%get3A_17, %get3A_18] : memref<64x64xf32, #tpu.memory_space<vmem>>, vector<64x64xf32>
      %dot_general3A_20 = arith.constant dense<0.000000e+00> : vector<2048x64xf32>
      %dot_general3A_21 = tpu.matmul %max3A_16, %get3A_19, %dot_general3A_20 {dimension_numbers = #tpu.dot_dimension_numbers<[1], [0], [0], [1], [0, 0, 1, 1], [], []>, transpose_lhs_hint = false} : vector<2048x64xf32>, vector<64x64xf32>, vector<2048x64xf32> -> vector<2048x64xf32>
      %get3A_22 = arith.constant 0 : index
      %get3A_23 = arith.constant 0 : index
      %get3A_24 = vector.load %arg5[%get3A_22, %get3A_23] : memref<1x64xf32, #tpu.memory_space<vmem>>, vector<1x64xf32>
      %add3A_25 = vector.broadcast %get3A_24 : vector<1x64xf32> to vector<2048x64xf32>
      %add3A_26 = arith.addf %dot_general3A_21, %add3A_25 : vector<2048x64xf32>
      %max3A_27 = arith.constant 0.000000e+00 : f32
      %max3A_28 = vector.broadcast %max3A_27 : f32 to vector<2048x64xf32>
      %max3A_29 = arith.maximumf %add3A_26, %max3A_28 : vector<2048x64xf32>
      %swap3A_30 = arith.constant 0 : index
      %swap3A_31 = arith.constant 0 : index
      %swap3A_32 = vector.load %arg6[%swap3A_30, %swap3A_31] : memref<2048x128xf32, #tpu.memory_space<vmem>>, vector<2048x64xf32>
      tpu.vector_store %arg6[%swap3A_30, %swap3A_31], %max3A_29 {strides = array<i32>} : memref<2048x128xf32, #tpu.memory_space<vmem>>, vector<2048x64xf32>,
    } else {
    }
    return
  }
  func.func @transform_0(%arg0: i32) -> (i32, i32) {
    %min3A = arith.constant 15 : i32
    %min3A_0 = arith.minsi %arg0, %min3A : i32
    %c0_i32 = arith.constant 0 : i32
    %c0_i32_1 = arith.constant 0 : i32
    return %min3A_0, %c0_i32 : i32, i32
  }
  func.func @transform_1(%arg0: i32) -> (i32, i32) {
    %c0_i32 = arith.constant 0 : i32
    %c0_i32_0 = arith.constant 0 : i32
    %c0_i32_1 = arith.constant 0 : i32
    return %c0_i32, %c0_i32_0 : i32, i32
  }
  func.func @transform_2(%arg0: i32) -> (i32, i32) {
    %c0_i32 = arith.constant 0 : i32
    %c0_i32_0 = arith.constant 0 : i32
    %c0_i32_1 = arith.constant 0 : i32
    return %c0_i32, %c0_i32_0 : i32, i32
  }
  func.func @transform_3(%arg0: i32) -> (i32, i32) {
    %c0_i32 = arith.constant 0 : i32
    %c0_i32_0 = arith.constant 0 : i32
    %c0_i32_1 = arith.constant 0 : i32
    return %c0_i32, %c0_i32_0 : i32, i32
  }
  func.func @transform_4(%arg0: i32) -> (i32, i32) {
    %c0_i32 = arith.constant 0 : i32
    %c0_i32_0 = arith.constant 0 : i32
    %c0_i32_1 = arith.constant 0 : i32
    return %c0_i32, %c0_i32_0 : i32, i32
  }
  func.func @transform_5(%arg0: i32) -> (i32, i32) {
    %c0_i32 = arith.constant 0 : i32
    %c0_i32_0 = arith.constant 0 : i32
    return %arg0, %c0_i32 : i32, i32
  }
}

</mosaic_0001>

<sc_bundles>
// kernel: kernel.6.cloned.1.call-start
scs
__scs_entry_jumppad:
0x0: {  	(pc) =	sbr.rel $0x88, $3  }
0x1: {  	(tag) =	ssettag $0x0;
	lr =	simm.s32 $0x1  }
0x2: {  	[smem:$0x3F9B] =	sst lr;
	_ =	strace $0xD0000000  }
0x3: {  	_ = 	snop  }
0x4: {  	_ = 	snop  }
0x5: {  	_ = 	snop  }
0x6: {  	_ = 	snop  }
0x7: {  	_ = 	snop  }
__scs_overlays_trampoline_lowered:
0x8: {  	[smem:$0x3FAA] =	sst s0  }
0x9: {  	[smem:$0x3FAB] =	sst s1  }
0xa: {  	[smem:$0x3FAC] =	sst s2  }
0xb: {  	[smem:$0x3FAD] =	sst s3  }
0xc: {  	[smem:$0x3FAE] =	sst s4  }
0xd: {  	[smem:$0x3FAF] =	sst s5  }
0xe: {  	[smem:$0x3FB0] =	sst s6  }
0xf: {  	[smem:$0x3FB1] =	sst s7  }
0x10: {  	[smem:$0x3FB2] =	sst s8  }
0x11: {  	[smem:$0x3FB3] =	sst s9;
	s0 =	simm.s32 @!p0 $0x0  }
0x12: {  	s1 =	sld [smem:$0x3F99];
	s0 =	simm.s32 @p0 $0x1  }
0x13: {  	[smem:$0x3FB4] =	sst s0;
	s0 =	simm.s32 @!p1 $0x0  }
0x14: {  	s2 =	sld [smem:$0x3F98];
	s0 =	simm.s32 @p1 $0x1  }
0x15: {  	[smem:$0x3FB5] =	sst s0;
	s0 =	simm.s32 @!p2 $0x0  }
0x16: {  	s3 =	sld [smem:$0x3FDB];
	s0 =	simm.s32 @p2 $0x1  }
0x17: {  	s4 =	simm.s32 $0x1BF5;
	[smem:$0x3FB7] =	sst s0  }
0x18: {  	s0 =	sld [smem:$0x3F9A];
	_ =	swait.ge [sflag:s4], $0x0  }
0x19: {  	s7 =	sld [smem:$0x3F9B]  }
0x1a: {  	s8 =	sadd.s32 $0xFFFFE003, lr  }
0x1b: {  	s9 =	sadd.s32 $0xFFFFFEF7, lr;
	s5 =	simm.s32 $0xFFFFFFFF;
	p2 =	slt.u32 s8, $0xFFFFF086  }
0x1c: {  	p1 =	slt.u32 s9, $0xF7A;
	s5 =	simm.s32 @!p2 $0x0  }
0x1d: {  	s5 =	simm.s32 @p1 $0x1;
	p0 =	seq.s32 s7, s2  }
0x1e: {  	s7 =	smul.u32 @!p0 $0xF7A, s2;
	p2 =	seq.s32 @!p0 s5, $0x0  }
0x1f: {  	s9 =	smul.u32 $0xF7A, s1;
	s8 =	simm.s32 @!p0 $0x1BF5;
	p2 =	por !p2, p0  }
0x20: {  	[sflag:s8] =	ssyncset.s32 @!p0 $0xFFFFF086;
	s6 =	sadd.s32 @!p0 s3, s7;
	s7 =	simm.s32 @!p0 $0x108  }
0x21: {  	s3 =	sadd.s32 s3, s9;
	s6 =	sadd.s32 @!p0 $0x88, s6;
	s7 =	simm.s32 @p2 $0x1082  }
0x22: {  	[simem:s7], [sflag:s8] =	dma.local @!p0 [hbm:s6], $0xF7A  }
0x23: {  	s9 =	sor.u32 $0xD0000000, s2;
	s6 =	simm.s32 $0x108;
	_ =	swait.ge @!p0 [sflag:s8], $0x0  }
0x24: {  	s3 =	sadd.s32 $0x88, s3;
	s6 =	simm.s32 @!p1 $0x1082;
	[sflag:s4] =	ssyncset.s32 $0xFFFFF086  }
0x25: {  	[simem:s6], [sflag:s4] =	dma.local [hbm:s3], $0xF7A  }
0x26: {  	[smem:$0x3F9B] =	sst s1;
	(tag) =	ssettag s2;
	_ =	strace s9  }
0x27: {  	s1 =	sld [smem:$0x3FAB]  }
0x28: {  	s2 =	sld [smem:$0x3FAC]  }
0x29: {  	s4 =	sld [smem:$0x3FAE]  }
0x2a: {  	p0 =	seq.s32 s5, $0x0;
	s5 =	sld [smem:$0x3FAF]  }
0x2b: {  	s6 =	sld [smem:$0x3FB0]  }
0x2c: {  	s7 =	sld [smem:$0x3FB1]  }
0x2d: {  	s3 =	simm.s32 $0x108;
	s8 =	sld [smem:$0x3FB2]  }
0x2e: {  	s3 =	simm.s32 @!p0 $0x1082;
	s9 =	sld [smem:$0x3FB3]  }
0x2f: {  	lr =	sadd.s32 s0, s3;
	s0 =	sld [smem:$0x3FAA]  }
0x30: {  	s3 =	sld [smem:$0x3FAD]  }
0x31: {  	[smem:$0x3FB6] =	sst s10  }
0x32: {  	s10 =	sld [smem:$0x3FB4];
	_ =	sdelay $0x3  }
0x33: {  	p0 =	seq.s32 s10, $0x1;
	s10 =	sld [smem:$0x3FB6];
	_ =	sdelay $0x3  }
0x34: {  	[smem:$0x3FB6] =	sst s10  }
0x35: {  	s10 =	sld [smem:$0x3FB5];
	_ =	sdelay $0x3  }
0x36: {  	p1 =	seq.s32 s10, $0x1;
	s10 =	sld [smem:$0x3FB6];
	_ =	sdelay $0x3  }
0x37: {  	[smem:$0x3FB6] =	sst s10  }
0x38: {  	s10 =	sld [smem:$0x3FB7]  }
0x39: {  	_ = 	snop;
	(pc) =	sbr.ind lr, $3  }
0x3a: {  	_ = 	snop  }
0x3b: {  	_ = 	snop  }
0x3c: {  	p2 =	seq.s32 s10, $0x1;
	s10 =	sld [smem:$0x3FB6]  }
0x3d: {  	_ =	shalt  }
0x3e: {  	_ =	shalt  }
0x3f: {  	_ =	shalt  }
0x40: {  	_ =	shalt  }
0x41: {  	_ =	shalt  }
0x42: {  	_ =	shalt  }
0x43: {  	_ =	shalt  }
0x44: {  	_ =	shalt  }
0x45: {  	_ =	shalt  }
0x46: {  	_ =	shalt  }
0x47: {  	_ =	shalt  }
0x48: {  	_ =	shalt  }
0x49: {  	_ =	shalt  }
0x4a: {  	_ =	shalt  }
0x4b: {  	_ =	shalt  }
0x4c: {  	_ =	shalt  }
0x4d: {  	_ =	shalt  }
0x4e: {  	_ =	shalt  }
0x4f: {  	_ =	shalt  }
0x50: {  	_ =	shalt  }
0x51: {  	_ =	shalt  }
0x52: {  	_ =	shalt  }
0x53: {  	_ =	shalt  }
0x54: {  	_ =	shalt  }
0x55: {  	_ =	shalt  }
0x56: {  	_ =	shalt  }
0x57: {  	_ =	shalt  }
0x58: {  	_ =	shalt  }
0x59: {  	_ =	shalt  }
0x5a: {  	_ =	shalt  }
0x5b: {  	_ =	shalt  }
0x5c: {  	_ =	shalt  }
0x5d: {  	_ =	shalt  }
0x5e: {  	_ =	shalt  }
0x5f: {  	_ =	shalt  }
0x60: {  	_ =	shalt  }
0x61: {  	_ =	shalt  }
0x62: {  	_ =	shalt  }
0x63: {  	_ =	shalt  }
0x64: {  	_ =	shalt  }
0x65: {  	_ =	shalt  }
0x66: {  	_ =	shalt  }
0x67: {  	_ =	shalt  }
0x68: {  	_ =	shalt  }
0x69: {  	_ =	shalt  }
0x6a: {  	_ =	shalt  }
0x6b: {  	_ =	shalt  }
0x6c: {  	_ =	shalt  }
0x6d: {  	_ =	shalt  }
0x6e: {  	_ =	shalt  }
0x6f: {  	_ =	shalt  }
0x70: {  	_ =	shalt  }
0x71: {  	_ =	shalt  }
0x72: {  	_ =	shalt  }
0x73: {  	_ =	shalt  }
0x74: {  	_ =	shalt  }
0x75: {  	_ =	shalt  }
0x76: {  	_ =	shalt  }
0x77: {  	_ =	shalt  }
0x78: {  	_ =	shalt  }
0x79: {  	_ =	shalt  }
0x7a: {  	_ =	shalt  }
0x7b: {  	_ =	shalt  }
0x7c: {  	_ =	shalt  }
0x7d: {  	_ =	shalt  }
0x7e: {  	_ =	shalt  }
0x7f: {  	_ =	shalt  }
0x80: {  	_ =	shalt  }
0x81: {  	_ =	shalt  }
0x82: {  	_ =	shalt  }
0x83: {  	_ =	shalt  }
0x84: {  	_ =	shalt  }
0x85: {  	_ =	shalt  }
0x86: {  	_ =	shalt  }
0x87: {  	_ =	shalt  }
.Lfunc_end0:
.L_simem_size_0:
called_computation_lowered:
.L_overlay_start_0:
0x88: {  	s2 =	sld [smem:$0x3FD9]  }
0x89: {  	s3 =	sld [smem:$0x3FFE];
	_ =	sdelay $0x1  }
0x8a: {  	s1 =	srdreg.scid  }
0x8b: {  	s0 =	sand.u32 $0x1, s1  }
0x8c: {  	s14 =	sshll.u32 s0, $0xA;
	s2 =	sadd.s32 s3, s2  }
0x8d: {  	s2 =	sadd.s32 s2, s14  }
0x8e: {  	[smem:$0x3FC2] =	sst s2  }
0x8f: {  	_ = 	snop  }
0x90: {  	s2 =	sld [smem:$0x3FD0];
	_ =	sdelay $0x2  }
0x91: {  	s15 =	simm.s32 $0xA;
	s4 =	simm.s32 $0x10  }
0x92: {  	[smem:s4], [sflag:s15] =	dma.local [hbm:s2], $0x1  }
0x93: {  	_ =	swait.eq [sflag:s15], $0x1  }
0x94: {  	[sflag:s15] =	ssyncset.done $0x0  }
0x95: {  	[sflag:s15] =	ssyncadd.s32 $0xFFFFFFFF  }
0x96: {  	s16 =	sld [smem:$0x11];
	(tm) =	ssettm $0x1  }
0x97: {  	s17 =	sld [smem:$0x3FFB];
	_ =	sdelay $0x3  }
0x98: {  	_ =	strace s17  }
0x99: {  	s3 =	sld [smem:$0x3FFC];
	_ =	sdelay $0x3  }
0x9a: {  	_ =	strace s3  }
0x9b: {  	s3 =	sld [smem:$0x3FFD];
	_ =	sdelay $0x3  }
0x9c: {  	_ =	strace s3  }
0x9d: {  	_ =	strace $0x8FFFFFFF  }
0x9e: {  	s18 =	sld [smem:$0x3FDB];
	_ =	sdelay $0x1  }
0x9f: {  	s19 =	simm.s32 $_scs_section_size  }
0xa0: {  	s5 =	simm.s32 $_size__tile_overlayer_lowered;
	s6 =	simm.s32 $_tile_overlayer_lowered  }
0xa1: {  	s22 =	simm.s32 $0x1BFF;
	s21 =	sshll.u32 s6, $0x1;
	s3 =	sadd.s32 s19, s18  }
0xa2: {  	s7 =	simm.s32 $0x0;
	s20 =	sshll.u32 s5, $0x1;
	s5 =	sadd.s32 s21, s3  }
0xa3: {  	[timem:s7], [sflag:s22] =	dma.local [hbm:s5], s20  }
0xa4: {  	_ =	swait.ge [sflag:s22], s20  }
0xa5: {  	s4 =	ssub.s32 $0x0, s20;
	[sflag:s22] =	ssyncset.done $0x0  }
0xa6: {  	[sflag:s22] =	ssyncadd.s32 s4;
	_ =	sdelay $0x1  }
0xa7: {  	s23 =	simm.s32 $0x1B8B  }
0xa8: {  	_ =	swait.ge [sflag:s23], $0x1  }
0xa9: {  	[sflag:s23] =	ssyncset.done $0x0  }
0xaa: {  	s25 =	simm.s32 $0x1B8E;
	s24 =	sld [smem:$0x3FFE];
	[sflag:s23] =	ssyncadd.s32 $0xFFFFFFFF  }
0xab: {  	s26 =	simm.s32 $execute0_lowered;
	[smem:$0x3FD2] =	sst s25  }
0xac: {  	s5 =	sshll.u32 s26, $0x1;
	_ =	strace $0x80000046;
	[dreg:$0x1] =	wrdreg $0xFFFFFFFF  }
0xad: {  	s28 =	simm.s32 $_size_execute0_lowered;
	s3 =	sadd.s32 s3, s5;
	[dreg:$0x0] =	wrdreg $0x0  }
0xae: {  	s5 =	sshll.u32 s28, $0x1;
	[dreg:$0x2] =	wrdreg s3  }
0xaf: {  	[dreg:$0x3] =	wrdreg s5  }
0xb0: {  	[dreg:$0x4] =	wrdreg $0xC0  }
0xb1: {  	_ =	task [dreg:s7], $0x5FFFF  }
0xb2: {  	[dreg:$0x1] =	wrdreg $0xFFFFFFFF  }
0xb3: {  	[dreg:$0x0] =	wrdreg $0x60  }
0xb4: {  	[dreg:$0x2] =	wrdreg s24  }
0xb5: {  	[dreg:$0x3] =	wrdreg s16  }
0xb6: {  	[dreg:$0x4] =	wrdreg $0x9  }
0xb7: {  	_ =	task.clear_ibuf [dreg:s7], $0x5FFFF;
	_ =	strace $0x90000046  }
0xb8: {  	s29 =	simm.s32 $0x9;
	_ =	strace $0x80000048  }
0xb9: {  	_ =	swait.ge [sflag:s29], $0x1  }
0xba: {  	[sflag:s29] =	ssyncadd.s32 $0xFFFFFFFF  }
0xbb: {  	_ =	strace $0x90000048  }
0xbc: {  	_ =	sfence  }
0xbd: {  	s30 =	sld [smem:$0x0];
	_ =	sdelay $0x2  }
0xbe: {  	s31 =	sshll.u32 s1, $0xD;
	s1 =	sshrl.u32 s1, $0x2  }
0xbf: {  	s3 =	sand.u32 $0x4000, s31;
	s1 =	sadd.s32 s1, s30  }
0xc0: {  	s0 =	sor.u32 s3, s0;
	s1 =	sshll.u32 s1, $0x11  }
0xc1: {  	s0 =	sor.u32 s1, s0  }
0xc2: {  	s0 =	sadd.s32 $0x8F2B, s0  }
0xc3: {  	[sflag:s0] =	ssyncadd.remote.s32 $0x1  }
0xc4: {  	_ =	sfence.sel $0xFFFF  }
0xc5: {  	[dreg:$0x0] =	wrdreg $0xFFFFFFFF;
	(pc) =	sbr.abs _section_cstart, $3  }
0xc6: {  	[dreg:$0x1] =	wrdreg $0xFFFFFFFF  }
0xc7: {  	_ =	task.clear_ibuf [dreg:s7], $0x2FFFF;
	_ =	strace $0x9FFFFFFF  }
0xc8: {  	(tm) =	ssettm $0x7FFFFFFF  }
0xc9: {  	_ =	shalt  }
tec
execute0_lowered:
.L_overlay_start_1:
0x0: {  	(tag) =	ssettag $0x1  }
0x1: {  	s4 =	rddreg [dreg:$0x0]  }
0x2: {  	s5 =	rddreg [dreg:$0x1]  }
0x3: {  	s0 =	rddreg [dreg:$0x2]  }
0x4: {  	s2 =	simm.s32 $0x0;
	s3 =	srdreg.scid;
	s1 =	stileid.u32  }
0x5: {  	s10 =	simm.s32 $0x1;
	s11 =	simm.s32 $0x5000;
	s12 =	simm.s32 $0x0  }
0x6: {  	[smem:$0x7FF] =	sst s2;
	s3 =	sand.u32 $0x1, s3;
	s6 =	sshll.u32 s1, $0x1  }
0x7: {  	_ =	strace $0x80000047;
	s6 =	sor.u32 s3, s6;
	s7 =	ssub.s32 $0x2, s3  }
0x8: {  	s3 =	sadd.s32 $0x1000, s4;
	s8 =	sshll.u32 s6, $0xB;
	s9 =	sshrl.u32 s7, $0x1  }
0x9: {  	s31 =	sshll.u32 s6, $0x9;
	s8 =	sadd.s32 s8, s4;
	s7 =	ssub.s32 s7, s9  }
0xa: {  	s4 =	sadd.s32 s5, s31;
	s9 =	simm.s32 $0x1000;
	s5 =	sadd.s32 $0x89000, s8  }
0xb: {  	s6 =	smax.u32 s7, $0x1;
	s7 =	simm.s32 $0x2;
	s8 =	simm.s32 $0x80  }
.LBB2_1:
0xc: {  	[tilespmem:s2], [sflag:$0x2] =	stream.linear.gather [hbm4b:s4+s2], $0x1000, $0x38;
	[tilespmem:$0x9000] =	vst v63  }
0xd: {  	_ =	swait.ge [sflag:s7], $0x1000  }
0xe: {  	[sflag:s7] =	ssyncset.done $0x0  }
0xf: {  	s13 =	simm.s32 $0x5030;
	s14 =	simm.s32 $0x0;
	[sflag:s7] =	ssyncadd.s32 $0xFFFFF000  }
.LBB2_2:
0x10: {  	s15 =	sshll.u32 s14, $0x7  }
0x11: {  	s15 =	sand.u32 $0x3FFFFF80, s15  }
0x12: {  	[tilespmem:s9], [sflag:$0x1] =	stream.indirect.gather [hbm4b:s3+s8], $0x80, s15, s8, $0xb8;
	[tilespmem:$0x9000] =	vst v63  }
0x13: {  	_ =	swait.ge [sflag:s10], $0x4000  }
0x14: {  	[sflag:s10] =	ssyncset.done $0x0  }
0x15: {  	s15 =	simm.s32 $0x1800;
	[sflag:s10] =	ssyncadd.s32 $0xFFFFC000  }
0x16: {  	v0 =	vld [tilespmem:s15+$0xFFFFF880]  }
0x17: {  	v1 =	vld [tilespmem:s15+$0xFFFFF800]  }
0x18: {  	v2 =	vld [tilespmem:s15+$0xFFFFF900]  }
0x19: {  	v3 =	vld [tilespmem:s15+$0xFFFFF980]  }
0x1a: {  	v4 =	vld [tilespmem:s15+$0xFFFFFA00]  }
0x1b: {  	v5 =	vld [tilespmem:s15+$0xFFFFFA80]  }
0x1c: {  	v0 =	vmax.f32 v1, v0;
	v1 =	vld [tilespmem:s15+$0xFFFFFB00]  }
0x1d: {  	v0 =	vmax.f32 v0, v2;
	v2 =	vld [tilespmem:s15+$0xFFFFFB80]  }
0x1e: {  	v0 =	vmax.f32 v0, v3;
	v3 =	vld [tilespmem:s15+$0xFFFFFC00]  }
0x1f: {  	v0 =	vmax.f32 v0, v4;
	v4 =	vld [tilespmem:s15+$0xFFFFFC80]  }
0x20: {  	v0 =	vmax.f32 v0, v5;
	v5 =	vld [tilespmem:s15+$0xFFFFFD00]  }
0x21: {  	v0 =	vmax.f32 v0, v1;
	v1 =	vld [tilespmem:s15+$0xFFFFFD80]  }
0x22: {  	v0 =	vmax.f32 v0, v2;
	v2 =	vld [tilespmem:s15+$0xFFFFFE00]  }
0x23: {  	v0 =	vmax.f32 v0, v3;
	v3 =	vld [tilespmem:s15+$0xFFFFFE80]  }
0x24: {  	v0 =	vmax.f32 v0, v4;
	v4 =	vld [tilespmem:s15+$0xFFFFFF00]  }
0x25: {  	v0 =	vmax.f32 v0, v5;
	v5 =	vld [tilespmem:s15+$0xFFFFFF80]  }
0x26: {  	v0 =	vmax.f32 v0, v1;
	v1 =	vld [tilespmem:s15+$0x0]  }
0x27: {  	v0 =	vmax.f32 v0, v2;
	v2 =	vld [tilespmem:s15+$0x80]  }
0x28: {  	v0 =	vmax.f32 v0, v3;
	v3 =	vld [tilespmem:s15+$0x100]  }
0x29: {  	v0 =	vmax.f32 v0, v4;
	v4 =	vld [tilespmem:s15+$0x180]  }
0x2a: {  	v0 =	vmax.f32 v0, v5;
	v5 =	vld [tilespmem:s15+$0x200]  }
0x2b: {  	v0 =	vmax.f32 v0, v1;
	v1 =	vld [tilespmem:s15+$0x280]  }
0x2c: {  	v0 =	vmax.f32 v0, v2;
	v2 =	vld [tilespmem:s15+$0x300]  }
0x2d: {  	v0 =	vmax.f32 v0, v3;
	v3 =	vld [tilespmem:s15+$0x380]  }
0x2e: {  	v0 =	vmax.f32 v0, v4;
	v4 =	vld [tilespmem:s15+$0x400]  }
0x2f: {  	v0 =	vmax.f32 v0, v5;
	v5 =	vld [tilespmem:s15+$0x480]  }
0x30: {  	v0 =	vmax.f32 v0, v1;
	v1 =	vld [tilespmem:s15+$0x500]  }
0x31: {  	v0 =	vmax.f32 v0, v2;
	v2 =	vld [tilespmem:s15+$0x580]  }
0x32: {  	v0 =	vmax.f32 v0, v3;
	v3 =	vld [tilespmem:s15+$0x600]  }
0x33: {  	v0 =	vmax.f32 v0, v4;
	v4 =	vld [tilespmem:s15+$0x680]  }
0x34: {  	v0 =	vmax.f32 v0, v5;
	v5 =	vld [tilespmem:s15+$0x700]  }
0x35: {  	v6 =	vld [tilespmem:s15+$0x780];
	v1 =	vmax.f32 v0, v1  }
0x36: {  	v0 =	vmov s13;
	v1 =	vmax.f32 v1, v2  }
0x37: {  	v1 =	vmax.f32 v1, v3  }
0x38: {  	v1 =	vmax.f32 v1, v4  }
0x39: {  	v1 =	vmax.f32 v1, v5  }
0x3a: {  	s16 =	simm.s32 $0x0;
	v1 =	vmax.f32 v1, v6  }
0x3b: {  	[tilespmem:v0+s16+$0xFFFFFFD0 ss:$0x1] =	vst.idx.msk $0xffff, v1  }
0x3c: {  	v1 =	vld [tilespmem:s15+$0xFFFFF810]  }
0x3d: {  	v2 =	vld [tilespmem:s15+$0xFFFFF890]  }
0x3e: {  	v3 =	vld [tilespmem:s15+$0xFFFFF910]  }
0x3f: {  	v4 =	vld [tilespmem:s15+$0xFFFFF990]  }
0x40: {  	v5 =	vld [tilespmem:s15+$0xFFFFFA10]  }
0x41: {  	v6 =	vld [tilespmem:s15+$0xFFFFFA90]  }
0x42: {  	v1 =	vmax.f32 v1, v2;
	v2 =	vld [tilespmem:s15+$0xFFFFFB10]  }
0x43: {  	v1 =	vmax.f32 v1, v3;
	v3 =	vld [tilespmem:s15+$0xFFFFFB90]  }
0x44: {  	v1 =	vmax.f32 v1, v4;
	v4 =	vld [tilespmem:s15+$0xFFFFFC10]  }
0x45: {  	v1 =	vmax.f32 v1, v5;
	v5 =	vld [tilespmem:s15+$0xFFFFFC90]  }
0x46: {  	v1 =	vmax.f32 v1, v6;
	v6 =	vld [tilespmem:s15+$0xFFFFFD10]  }
0x47: {  	v1 =	vmax.f32 v1, v2;
	v2 =	vld [tilespmem:s15+$0xFFFFFD90]  }
0x48: {  	v1 =	vmax.f32 v1, v3;
	v3 =	vld [tilespmem:s15+$0xFFFFFE10]  }
0x49: {  	v1 =	vmax.f32 v1, v4;
	v4 =	vld [tilespmem:s15+$0xFFFFFE90]  }
0x4a: {  	v1 =	vmax.f32 v1, v5;
	v5 =	vld [tilespmem:s15+$0xFFFFFF10]  }
0x4b: {  	v1 =	vmax.f32 v1, v6;
	v6 =	vld [tilespmem:s15+$0xFFFFFF90]  }
0x4c: {  	v1 =	vmax.f32 v1, v2;
	v2 =	vld [tilespmem:s15+$0x10]  }
0x4d: {  	v1 =	vmax.f32 v1, v3;
	v3 =	vld [tilespmem:s15+$0x90]  }
0x4e: {  	v1 =	vmax.f32 v1, v4;
	v4 =	vld [tilespmem:s15+$0x110]  }
0x4f: {  	v1 =	vmax.f32 v1, v5;
	v5 =	vld [tilespmem:s15+$0x190]  }
0x50: {  	v1 =	vmax.f32 v1, v6;
	v6 =	vld [tilespmem:s15+$0x210]  }
0x51: {  	v1 =	vmax.f32 v1, v2;
	v2 =	vld [tilespmem:s15+$0x290]  }
0x52: {  	v1 =	vmax.f32 v1, v3;
	v3 =	vld [tilespmem:s15+$0x310]  }
0x53: {  	v1 =	vmax.f32 v1, v4;
	v4 =	vld [tilespmem:s15+$0x390]  }
0x54: {  	v1 =	vmax.f32 v1, v5;
	v5 =	vld [tilespmem:s15+$0x410]  }
0x55: {  	v1 =	vmax.f32 v1, v6;
	v6 =	vld [tilespmem:s15+$0x490]  }
0x56: {  	v1 =	vmax.f32 v1, v2;
	v2 =	vld [tilespmem:s15+$0x510]  }
0x57: {  	v1 =	vmax.f32 v1, v3;
	v3 =	vld [tilespmem:s15+$0x590]  }
0x58: {  	v1 =	vmax.f32 v1, v4;
	v4 =	vld [tilespmem:s15+$0x610]  }
0x59: {  	v1 =	vmax.f32 v1, v5;
	v5 =	vld [tilespmem:s15+$0x690]  }
0x5a: {  	v1 =	vmax.f32 v1, v6;
	v6 =	vld [tilespmem:s15+$0x710]  }
0x5b: {  	v1 =	vmax.f32 v1, v2;
	v2 =	vld [tilespmem:s15+$0x790]  }
0x5c: {  	v1 =	vmax.f32 v1, v3  }
0x5d: {  	v1 =	vmax.f32 v1, v4  }
0x5e: {  	v1 =	vmax.f32 v1, v5  }
0x5f: {  	v1 =	vmax.f32 v1, v6  }
0x60: {  	v1 =	vmax.f32 v1, v2  }
0x61: {  	[tilespmem:v0+s16+$0xFFFFFFE0 ss:$0x1] =	vst.idx.msk $0xffff, v1  }
0x62: {  	v1 =	vld [tilespmem:s15+$0xFFFFF820]  }
0x63: {  	v2 =	vld [tilespmem:s15+$0xFFFFF8A0]  }
0x64: {  	v3 =	vld [tilespmem:s15+$0xFFFFF920]  }
0x65: {  	v4 =	vld [tilespmem:s15+$0xFFFFF9A0]  }
0x66: {  	v5 =	vld [tilespmem:s15+$0xFFFFFA20]  }
0x67: {  	v6 =	vld [tilespmem:s15+$0xFFFFFAA0]  }
0x68: {  	v1 =	vmax.f32 v1, v2;
	v2 =	vld [tilespmem:s15+$0xFFFFFB20]  }
0x69: {  	v1 =	vmax.f32 v1, v3;
	v3 =	vld [tilespmem:s15+$0xFFFFFBA0]  }
0x6a: {  	v1 =	vmax.f32 v1, v4;
	v4 =	vld [tilespmem:s15+$0xFFFFFC20]  }
0x6b: {  	v1 =	vmax.f32 v1, v5;
	v5 =	vld [tilespmem:s15+$0xFFFFFCA0]  }
0x6c: {  	v1 =	vmax.f32 v1, v6;
	v6 =	vld [tilespmem:s15+$0xFFFFFD20]  }
0x6d: {  	v1 =	vmax.f32 v1, v2;
	v2 =	vld [tilespmem:s15+$0xFFFFFDA0]  }
0x6e: {  	v1 =	vmax.f32 v1, v3;
	v3 =	vld [tilespmem:s15+$0xFFFFFE20]  }
0x6f: {  	v1 =	vmax.f32 v1, v4;
	v4 =	vld [tilespmem:s15+$0xFFFFFEA0]  }
0x70: {  	v1 =	vmax.f32 v1, v5;
	v5 =	vld [tilespmem:s15+$0xFFFFFF20]  }
0x71: {  	v1 =	vmax.f32 v1, v6;
	v6 =	vld [tilespmem:s15+$0xFFFFFFA0]  }
0x72: {  	v1 =	vmax.f32 v1, v2;
	v2 =	vld [tilespmem:s15+$0x20]  }
0x73: {  	v1 =	vmax.f32 v1, v3;
	v3 =	vld [tilespmem:s15+$0xA0]  }
0x74: {  	v1 =	vmax.f32 v1, v4;
	v4 =	vld [tilespmem:s15+$0x120]  }
0x75: {  	v1 =	vmax.f32 v1, v5;
	v5 =	vld [tilespmem:s15+$0x1A0]  }
0x76: {  	v1 =	vmax.f32 v1, v6;
	v6 =	vld [tilespmem:s15+$0x220]  }
0x77: {  	v1 =	vmax.f32 v1, v2;
	v2 =	vld [tilespmem:s15+$0x2A0]  }
0x78: {  	v1 =	vmax.f32 v1, v3;
	v3 =	vld [tilespmem:s15+$0x320]  }
0x79: {  	v1 =	vmax.f32 v1, v4;
	v4 =	vld [tilespmem:s15+$0x3A0]  }
0x7a: {  	v1 =	vmax.f32 v1, v5;
	v5 =	vld [tilespmem:s15+$0x420]  }
0x7b: {  	v1 =	vmax.f32 v1, v6;
	v6 =	vld [tilespmem:s15+$0x4A0]  }
0x7c: {  	v1 =	vmax.f32 v1, v2;
	v2 =	vld [tilespmem:s15+$0x520]  }
0x7d: {  	v1 =	vmax.f32 v1, v3;
	v3 =	vld [tilespmem:s15+$0x5A0]  }
0x7e: {  	v1 =	vmax.f32 v1, v4;
	v4 =	vld [tilespmem:s15+$0x620]  }
0x7f: {  	v1 =	vmax.f32 v1, v5;
	v5 =	vld [tilespmem:s15+$0x6A0]  }
0x80: {  	v1 =	vmax.f32 v1, v6;
	v6 =	vld [tilespmem:s15+$0x720]  }
0x81: {  	v1 =	vmax.f32 v1, v2;
	v2 =	vld [tilespmem:s15+$0x7A0]  }
0x82: {  	v1 =	vmax.f32 v1, v3  }
0x83: {  	v1 =	vmax.f32 v1, v4  }
0x84: {  	v1 =	vmax.f32 v1, v5  }
0x85: {  	v1 =	vmax.f32 v1, v6  }
0x86: {  	v1 =	vmax.f32 v1, v2  }
0x87: {  	[tilespmem:v0+s16+$0xFFFFFFF0 ss:$0x1] =	vst.idx.msk $0xffff, v1  }
0x88: {  	v1 =	vld [tilespmem:s15+$0xFFFFF830]  }
0x89: {  	v2 =	vld [tilespmem:s15+$0xFFFFF8B0]  }
0x8a: {  	v3 =	vld [tilespmem:s15+$0xFFFFF930]  }
0x8b: {  	v4 =	vld [tilespmem:s15+$0xFFFFF9B0]  }
0x8c: {  	v5 =	vld [tilespmem:s15+$0xFFFFFA30]  }
0x8d: {  	v6 =	vld [tilespmem:s15+$0xFFFFFAB0]  }
0x8e: {  	v1 =	vmax.f32 v1, v2;
	v2 =	vld [tilespmem:s15+$0xFFFFFB30]  }
0x8f: {  	v1 =	vmax.f32 v1, v3;
	v3 =	vld [tilespmem:s15+$0xFFFFFBB0]  }
0x90: {  	v1 =	vmax.f32 v1, v4;
	v4 =	vld [tilespmem:s15+$0xFFFFFC30]  }
0x91: {  	v1 =	vmax.f32 v1, v5;
	v5 =	vld [tilespmem:s15+$0xFFFFFCB0]  }
0x92: {  	v1 =	vmax.f32 v1, v6;
	v6 =	vld [tilespmem:s15+$0xFFFFFD30]  }
0x93: {  	v1 =	vmax.f32 v1, v2;
	v2 =	vld [tilespmem:s15+$0xFFFFFDB0]  }
0x94: {  	v1 =	vmax.f32 v1, v3;
	v3 =	vld [tilespmem:s15+$0xFFFFFE30]  }
0x95: {  	v1 =	vmax.f32 v1, v4;
	v4 =	vld [tilespmem:s15+$0xFFFFFEB0]  }
0x96: {  	v1 =	vmax.f32 v1, v5;
	v5 =	vld [tilespmem:s15+$0xFFFFFF30]  }
0x97: {  	v1 =	vmax.f32 v1, v6;
	v6 =	vld [tilespmem:s15+$0xFFFFFFB0]  }
0x98: {  	v1 =	vmax.f32 v1, v2;
	v2 =	vld [tilespmem:s15+$0x30]  }
0x99: {  	v1 =	vmax.f32 v1, v3;
	v3 =	vld [tilespmem:s15+$0xB0]  }
0x9a: {  	v1 =	vmax.f32 v1, v4;
	v4 =	vld [tilespmem:s15+$0x130]  }
0x9b: {  	v1 =	vmax.f32 v1, v5;
	v5 =	vld [tilespmem:s15+$0x1B0]  }
0x9c: {  	v1 =	vmax.f32 v1, v6;
	v6 =	vld [tilespmem:s15+$0x230]  }
0x9d: {  	v1 =	vmax.f32 v1, v2;
	v2 =	vld [tilespmem:s15+$0x2B0]  }
0x9e: {  	v1 =	vmax.f32 v1, v3;
	v3 =	vld [tilespmem:s15+$0x330]  }
0x9f: {  	v1 =	vmax.f32 v1, v4;
	v4 =	vld [tilespmem:s15+$0x3B0]  }
0xa0: {  	v1 =	vmax.f32 v1, v5;
	v5 =	vld [tilespmem:s15+$0x430]  }
0xa1: {  	v1 =	vmax.f32 v1, v6;
	v6 =	vld [tilespmem:s15+$0x4B0]  }
0xa2: {  	v7 =	vld [tilespmem:s15+$0x530];
	v1 =	vmax.f32 v1, v2  }
0xa3: {  	v8 =	vld [tilespmem:s15+$0x5B0];
	v1 =	vmax.f32 v1, v3  }
0xa4: {  	v1 =	vmax.f32 v1, v4  }
0xa5: {  	v2 =	vld [tilespmem:s15+$0x630];
	v3 =	vmax.f32 v1, v5  }
0xa6: {  	v1 =	vld [tilespmem:s15+$0x6B0];
	v4 =	vmax.f32 v3, v6  }
0xa7: {  	v3 =	vld [tilespmem:s15+$0x730];
	v5 =	vmax.f32 v4, v7  }
0xa8: {  	s17 =	simm.s32 $0x200;
	v4 =	vld [tilespmem:s15+$0x7B0];
	v5 =	vmax.f32 v5, v8  }
.LBB2_3:
0xa9: {  	p0 =	sne.s32 s17, $0x600  }
0xaa: {  	v2 =	vmax.f32 v5, v2;
	s15 =	sadd.s32 $0x1000, s15;
	s18 =	smov.u32 s17;
	s17 =	sadd.s32 $0x200, s17  }
0xab: {  	v1 =	vmax.f32 v2, v1  }
0xac: {  	v1 =	vmax.f32 v1, v3  }
0xad: {  	v1 =	vmax.f32 v1, v4  }
0xae: {  	[tilespmem:v0+s16+$0x0 ss:$0x1] =	vst.idx.msk $0xffff, v1;
	_ =	sdelay $0x1  }
0xaf: {  	v1 =	vld [tilespmem:s15+$0xFFFFF880]  }
0xb0: {  	v2 =	vld [tilespmem:s15+$0xFFFFF800]  }
0xb1: {  	v3 =	vld [tilespmem:s15+$0xFFFFF900]  }
0xb2: {  	v4 =	vld [tilespmem:s15+$0xFFFFF980]  }
0xb3: {  	v5 =	vld [tilespmem:s15+$0xFFFFFA00]  }
0xb4: {  	v6 =	vld [tilespmem:s15+$0xFFFFFA80]  }
0xb5: {  	v1 =	vmax.f32 v2, v1;
	v2 =	vld [tilespmem:s15+$0xFFFFFB00]  }
0xb6: {  	v1 =	vmax.f32 v1, v3;
	v3 =	vld [tilespmem:s15+$0xFFFFFB80]  }
0xb7: {  	v1 =	vmax.f32 v1, v4;
	v4 =	vld [tilespmem:s15+$0xFFFFFC00]  }
0xb8: {  	v1 =	vmax.f32 v1, v5;
	v5 =	vld [tilespmem:s15+$0xFFFFFC80]  }
0xb9: {  	v1 =	vmax.f32 v1, v6;
	v6 =	vld [tilespmem:s15+$0xFFFFFD00]  }
0xba: {  	v1 =	vmax.f32 v1, v2;
	v2 =	vld [tilespmem:s15+$0xFFFFFD80]  }
0xbb: {  	v1 =	vmax.f32 v1, v3;
	v3 =	vld [tilespmem:s15+$0xFFFFFE00]  }
0xbc: {  	v1 =	vmax.f32 v1, v4;
	v4 =	vld [tilespmem:s15+$0xFFFFFE80]  }
0xbd: {  	v1 =	vmax.f32 v1, v5;
	v5 =	vld [tilespmem:s15+$0xFFFFFF00]  }
0xbe: {  	v1 =	vmax.f32 v1, v6;
	v6 =	vld [tilespmem:s15+$0xFFFFFF80]  }
0xbf: {  	v1 =	vmax.f32 v1, v2;
	v2 =	vld [tilespmem:s15+$0x0]  }
0xc0: {  	v1 =	vmax.f32 v1, v3;
	v3 =	vld [tilespmem:s15+$0x80]  }
0xc1: {  	v1 =	vmax.f32 v1, v4;
	v4 =	vld [tilespmem:s15+$0x100]  }
0xc2: {  	v1 =	vmax.f32 v1, v5;
	v5 =	vld [tilespmem:s15+$0x180]  }
0xc3: {  	v1 =	vmax.f32 v1, v6;
	v6 =	vld [tilespmem:s15+$0x200]  }
0xc4: {  	v1 =	vmax.f32 v1, v2;
	v2 =	vld [tilespmem:s15+$0x280]  }
0xc5: {  	v1 =	vmax.f32 v1, v3;
	v3 =	vld [tilespmem:s15+$0x300]  }
0xc6: {  	v1 =	vmax.f32 v1, v4;
	v4 =	vld [tilespmem:s15+$0x380]  }
0xc7: {  	v1 =	vmax.f32 v1, v5;
	v5 =	vld [tilespmem:s15+$0x400]  }
0xc8: {  	v1 =	vmax.f32 v1, v6;
	v6 =	vld [tilespmem:s15+$0x480]  }
0xc9: {  	v1 =	vmax.f32 v1, v2;
	v2 =	vld [tilespmem:s15+$0x500]  }
0xca: {  	v1 =	vmax.f32 v1, v3;
	v3 =	vld [tilespmem:s15+$0x580]  }
0xcb: {  	v1 =	vmax.f32 v1, v4;
	v4 =	vld [tilespmem:s15+$0x600]  }
0xcc: {  	v1 =	vmax.f32 v1, v5;
	v5 =	vld [tilespmem:s15+$0x680]  }
0xcd: {  	v1 =	vmax.f32 v1, v6;
	v6 =	vld [tilespmem:s15+$0x700]  }
0xce: {  	v1 =	vmax.f32 v1, v2;
	v2 =	vld [tilespmem:s15+$0x780]  }
0xcf: {  	v1 =	vmax.f32 v1, v3  }
0xd0: {  	v1 =	vmax.f32 v1, v4  }
0xd1: {  	v1 =	vmax.f32 v1, v5  }
0xd2: {  	v1 =	vmax.f32 v1, v6  }
0xd3: {  	s16 =	sshra.s32 s18, $0x2;
	v1 =	vmax.f32 v1, v2  }
0xd4: {  	[tilespmem:v0+s16+$0xFFFFFFD0 ss:$0x1] =	vst.idx.msk $0xffff, v1  }
0xd5: {  	v1 =	vld [tilespmem:s15+$0xFFFFF810]  }
0xd6: {  	v2 =	vld [tilespmem:s15+$0xFFFFF890]  }
0xd7: {  	v3 =	vld [tilespmem:s15+$0xFFFFF910]  }
0xd8: {  	v4 =	vld [tilespmem:s15+$0xFFFFF990]  }
0xd9: {  	v5 =	vld [tilespmem:s15+$0xFFFFFA10]  }
0xda: {  	v6 =	vld [tilespmem:s15+$0xFFFFFA90]  }
0xdb: {  	v1 =	vmax.f32 v1, v2;
	v2 =	vld [tilespmem:s15+$0xFFFFFB10]  }
0xdc: {  	v1 =	vmax.f32 v1, v3;
	v3 =	vld [tilespmem:s15+$0xFFFFFB90]  }
0xdd: {  	v1 =	vmax.f32 v1, v4;
	v4 =	vld [tilespmem:s15+$0xFFFFFC10]  }
0xde: {  	v1 =	vmax.f32 v1, v5;
	v5 =	vld [tilespmem:s15+$0xFFFFFC90]  }
0xdf: {  	v1 =	vmax.f32 v1, v6;
	v6 =	vld [tilespmem:s15+$0xFFFFFD10]  }
0xe0: {  	v1 =	vmax.f32 v1, v2;
	v2 =	vld [tilespmem:s15+$0xFFFFFD90]  }
0xe1: {  	v1 =	vmax.f32 v1, v3;
	v3 =	vld [tilespmem:s15+$0xFFFFFE10]  }
0xe2: {  	v1 =	vmax.f32 v1, v4;
	v4 =	vld [tilespmem:s15+$0xFFFFFE90]  }
0xe3: {  	v1 =	vmax.f32 v1, v5;
	v5 =	vld [tilespmem:s15+$0xFFFFFF10]  }
0xe4: {  	v1 =	vmax.f32 v1, v6;
	v6 =	vld [tilespmem:s15+$0xFFFFFF90]  }
0xe5: {  	v1 =	vmax.f32 v1, v2;
	v2 =	vld [tilespmem:s15+$0x10]  }
0xe6: {  	v1 =	vmax.f32 v1, v3;
	v3 =	vld [tilespmem:s15+$0x90]  }
0xe7: {  	v1 =	vmax.f32 v1, v4;
	v4 =	vld [tilespmem:s15+$0x110]  }
0xe8: {  	v1 =	vmax.f32 v1, v5;
	v5 =	vld [tilespmem:s15+$0x190]  }
0xe9: {  	v1 =	vmax.f32 v1, v6;
	v6 =	vld [tilespmem:s15+$0x210]  }
0xea: {  	v1 =	vmax.f32 v1, v2;
	v2 =	vld [tilespmem:s15+$0x290]  }
0xeb: {  	v1 =	vmax.f32 v1, v3;
	v3 =	vld [tilespmem:s15+$0x310]  }
0xec: {  	v1 =	vmax.f32 v1, v4;
	v4 =	vld [tilespmem:s15+$0x390]  }
0xed: {  	v1 =	vmax.f32 v1, v5;
	v5 =	vld [tilespmem:s15+$0x410]  }
0xee: {  	v1 =	vmax.f32 v1, v6;
	v6 =	vld [tilespmem:s15+$0x490]  }
0xef: {  	v1 =	vmax.f32 v1, v2;
	v2 =	vld [tilespmem:s15+$0x510]  }
0xf0: {  	v1 =	vmax.f32 v1, v3;
	v3 =	vld [tilespmem:s15+$0x590]  }
0xf1: {  	v1 =	vmax.f32 v1, v4;
	v4 =	vld [tilespmem:s15+$0x610]  }
0xf2: {  	v1 =	vmax.f32 v1, v5;
	v5 =	vld [tilespmem:s15+$0x690]  }
0xf3: {  	v1 =	vmax.f32 v1, v6;
	v6 =	vld [tilespmem:s15+$0x710]  }
0xf4: {  	v1 =	vmax.f32 v1, v2;
	v2 =	vld [tilespmem:s15+$0x790]  }
0xf5: {  	v1 =	vmax.f32 v1, v3  }
0xf6: {  	v1 =	vmax.f32 v1, v4  }
0xf7: {  	v1 =	vmax.f32 v1, v5  }
0xf8: {  	v1 =	vmax.f32 v1, v6  }
0xf9: {  	v1 =	vmax.f32 v1, v2  }
0xfa: {  	[tilespmem:v0+s16+$0xFFFFFFE0 ss:$0x1] =	vst.idx.msk $0xffff, v1  }
0xfb: {  	v1 =	vld [tilespmem:s15+$0xFFFFF820]  }
0xfc: {  	v2 =	vld [tilespmem:s15+$0xFFFFF8A0]  }
0xfd: {  	v3 =	vld [tilespmem:s15+$0xFFFFF920]  }
0xfe: {  	v4 =	vld [tilespmem:s15+$0xFFFFF9A0]  }
0xff: {  	v5 =	vld [tilespmem:s15+$0xFFFFFA20]  }
0x100: {  	v6 =	vld [tilespmem:s15+$0xFFFFFAA0]  }
0x101: {  	v1 =	vmax.f32 v1, v2;
	v2 =	vld [tilespmem:s15+$0xFFFFFB20]  }
0x102: {  	v1 =	vmax.f32 v1, v3;
	v3 =	vld [tilespmem:s15+$0xFFFFFBA0]  }
0x103: {  	v1 =	vmax.f32 v1, v4;
	v4 =	vld [tilespmem:s15+$0xFFFFFC20]  }
0x104: {  	v1 =	vmax.f32 v1, v5;
	v5 =	vld [tilespmem:s15+$0xFFFFFCA0]  }
0x105: {  	v1 =	vmax.f32 v1, v6;
	v6 =	vld [tilespmem:s15+$0xFFFFFD20]  }
0x106: {  	v1 =	vmax.f32 v1, v2;
	v2 =	vld [tilespmem:s15+$0xFFFFFDA0]  }
0x107: {  	v1 =	vmax.f32 v1, v3;
	v3 =	vld [tilespmem:s15+$0xFFFFFE20]  }
0x108: {  	v1 =	vmax.f32 v1, v4;
	v4 =	vld [tilespmem:s15+$0xFFFFFEA0]  }
0x109: {  	v1 =	vmax.f32 v1, v5;
	v5 =	vld [tilespmem:s15+$0xFFFFFF20]  }
0x10a: {  	v1 =	vmax.f32 v1, v6;
	v6 =	vld [tilespmem:s15+$0xFFFFFFA0]  }
0x10b: {  	v1 =	vmax.f32 v1, v2;
	v2 =	vld [tilespmem:s15+$0x20]  }
0x10c: {  	v1 =	vmax.f32 v1, v3;
	v3 =	vld [tilespmem:s15+$0xA0]  }
0x10d: {  	v1 =	vmax.f32 v1, v4;
	v4 =	vld [tilespmem:s15+$0x120]  }
0x10e: {  	v1 =	vmax.f32 v1, v5;
	v5 =	vld [tilespmem:s15+$0x1A0]  }
0x10f: {  	v1 =	vmax.f32 v1, v6;
	v6 =	vld [tilespmem:s15+$0x220]  }
0x110: {  	v1 =	vmax.f32 v1, v2;
	v2 =	vld [tilespmem:s15+$0x2A0]  }
0x111: {  	v1 =	vmax.f32 v1, v3;
	v3 =	vld [tilespmem:s15+$0x320]  }
0x112: {  	v1 =	vmax.f32 v1, v4;
	v4 =	vld [tilespmem:s15+$0x3A0]  }
0x113: {  	v1 =	vmax.f32 v1, v5;
	v5 =	vld [tilespmem:s15+$0x420]  }
0x114: {  	v1 =	vmax.f32 v1, v6;
	v6 =	vld [tilespmem:s15+$0x4A0]  }
0x115: {  	v1 =	vmax.f32 v1, v2;
	v2 =	vld [tilespmem:s15+$0x520]  }
0x116: {  	v1 =	vmax.f32 v1, v3;
	v3 =	vld [tilespmem:s15+$0x5A0]  }
0x117: {  	v1 =	vmax.f32 v1, v4;
	v4 =	vld [tilespmem:s15+$0x620]  }
0x118: {  	v1 =	vmax.f32 v1, v5;
	v5 =	vld [tilespmem:s15+$0x6A0]  }
0x119: {  	v1 =	vmax.f32 v1, v6;
	v6 =	vld [tilespmem:s15+$0x720]  }
0x11a: {  	v1 =	vmax.f32 v1, v2;
	v2 =	vld [tilespmem:s15+$0x7A0]  }
0x11b: {  	v1 =	vmax.f32 v1, v3  }
0x11c: {  	v1 =	vmax.f32 v1, v4  }
0x11d: {  	v1 =	vmax.f32 v1, v5  }
0x11e: {  	v1 =	vmax.f32 v1, v6  }
0x11f: {  	v1 =	vmax.f32 v1, v2  }
0x120: {  	[tilespmem:v0+s16+$0xFFFFFFF0 ss:$0x1] =	vst.idx.msk $0xffff, v1  }
0x121: {  	v1 =	vld [tilespmem:s15+$0xFFFFF830]  }
0x122: {  	v2 =	vld [tilespmem:s15+$0xFFFFF8B0]  }
0x123: {  	v3 =	vld [tilespmem:s15+$0xFFFFF930]  }
0x124: {  	v4 =	vld [tilespmem:s15+$0xFFFFF9B0]  }
0x125: {  	v5 =	vld [tilespmem:s15+$0xFFFFFA30]  }
0x126: {  	v6 =	vld [tilespmem:s15+$0xFFFFFAB0]  }
0x127: {  	v1 =	vmax.f32 v1, v2;
	v2 =	vld [tilespmem:s15+$0xFFFFFB30]  }
0x128: {  	v1 =	vmax.f32 v1, v3;
	v3 =	vld [tilespmem:s15+$0xFFFFFBB0]  }
0x129: {  	v1 =	vmax.f32 v1, v4;
	v4 =	vld [tilespmem:s15+$0xFFFFFC30]  }
0x12a: {  	v1 =	vmax.f32 v1, v5;
	v5 =	vld [tilespmem:s15+$0xFFFFFCB0]  }
0x12b: {  	v1 =	vmax.f32 v1, v6;
	v6 =	vld [tilespmem:s15+$0xFFFFFD30]  }
0x12c: {  	v1 =	vmax.f32 v1, v2;
	v2 =	vld [tilespmem:s15+$0xFFFFFDB0]  }
0x12d: {  	v1 =	vmax.f32 v1, v3;
	v3 =	vld [tilespmem:s15+$0xFFFFFE30]  }
0x12e: {  	v1 =	vmax.f32 v1, v4;
	v4 =	vld [tilespmem:s15+$0xFFFFFEB0]  }
0x12f: {  	v1 =	vmax.f32 v1, v5;
	v5 =	vld [tilespmem:s15+$0xFFFFFF30]  }
0x130: {  	v1 =	vmax.f32 v1, v6;
	v6 =	vld [tilespmem:s15+$0xFFFFFFB0]  }
0x131: {  	v1 =	vmax.f32 v1, v2;
	v2 =	vld [tilespmem:s15+$0x30]  }
0x132: {  	v1 =	vmax.f32 v1, v3;
	v3 =	vld [tilespmem:s15+$0xB0]  }
0x133: {  	v1 =	vmax.f32 v1, v4;
	v4 =	vld [tilespmem:s15+$0x130]  }
0x134: {  	v1 =	vmax.f32 v1, v5;
	v5 =	vld [tilespmem:s15+$0x1B0]  }
0x135: {  	v1 =	vmax.f32 v1, v6;
	v6 =	vld [tilespmem:s15+$0x230]  }
0x136: {  	v1 =	vmax.f32 v1, v2;
	v2 =	vld [tilespmem:s15+$0x2B0]  }
0x137: {  	v1 =	vmax.f32 v1, v3;
	v3 =	vld [tilespmem:s15+$0x330]  }
0x138: {  	v1 =	vmax.f32 v1, v4;
	v4 =	vld [tilespmem:s15+$0x3B0]  }
0x139: {  	v1 =	vmax.f32 v1, v5;
	v5 =	vld [tilespmem:s15+$0x430]  }
0x13a: {  	v1 =	vmax.f32 v1, v6;
	v6 =	vld [tilespmem:s15+$0x4B0]  }
0x13b: {  	v1 =	vmax.f32 v1, v2;
	v7 =	vld [tilespmem:s15+$0x530]  }
0x13c: {  	v1 =	vmax.f32 v1, v3;
	v8 =	vld [tilespmem:s15+$0x5B0]  }
.Ltmp0:
0x13d: {  	v1 =	vmax.f32 v1, v4;
	v2 =	vld [tilespmem:s15+$0x630];
	(pc) =	sbr.rel @p0 .LBB2_3-.Ltmp0, $4  }
0x13e: {  	v3 =	vmax.f32 v1, v5;
	v1 =	vld [tilespmem:s15+$0x6B0]  }
0x13f: {  	v4 =	vmax.f32 v3, v6;
	v3 =	vld [tilespmem:s15+$0x730]  }
0x140: {  	v5 =	vmax.f32 v4, v7;
	v4 =	vld [tilespmem:s15+$0x7B0]  }
0x141: {  	v5 =	vmax.f32 v5, v8  }
0x142: {  	s14 =	sadd.s32 $0x1, s14  }
0x143: {  	p0 =	sne.s32 s14, $0x20  }
.Ltmp1:
0x144: {  	v2 =	vmax.f32 v5, v2;
	(pc) =	sbr.rel @p0 .LBB2_2-.Ltmp1, $4  }
0x145: {  	v1 =	vmax.f32 v2, v1  }
0x146: {  	v1 =	vmax.f32 v1, v3  }
0x147: {  	v1 =	vmax.f32 v1, v4  }
0x148: {  	s13 =	sadd.s32 $0x200, s13;
	[tilespmem:v0+s16+$0x0 ss:$0x1] =	vst.idx.msk $0xffff, v1  }
0x149: {  	s12 =	sadd.s32 $0x1, s12  }
0x14a: {  	p0 =	sne.s32 s12, s6  }
.Ltmp2:
0x14b: {  	_ = 	snop;
	(pc) =	sbr.rel @p0 .LBB2_1-.Ltmp2, $4  }
0x14c: {  	[hbm4b:s5+s2] =	stream.linear.scatter [tilespmem:s11], [sflag:$0x2], $0x4000, $0x38;
	[tilespmem:$0x9000] =	vst v63  }
0x14d: {  	_ =	swait.ge [sflag:s7], $0x4000  }
0x14e: {  	[sflag:s7] =	ssyncset.done $0x0  }
0x14f: {  	[sflag:s7] =	ssyncadd.s32 $0xFFFFC000  }
0x150: {  	_ =	sfence.sel $0x180000  }
0x151: {  	[bflag:$0x0] =	sbarrier.arrive $0xFFFF  }
0x152: {  	p0 =	sne.s32 s1, $0x0;
	_ =	strace $0x90000047  }
0x153: {  	s0 =	sadd.s32 @!p0 $0x100000, s0;
	[bflag:$0x2] =	sbarrier.arrive $0xFFFF  }
0x154: {  	[sflag:s0] =	ssyncadd.tile.s32 @!p0 $0x1;
	_ =	shalt  }
.Lfunc_end2:
_tile_overlayer_lowered:
.L_overlay_start_2:
0x155: {  	(tag) =	ssettag $0x2  }
0x156: {  	s0 =	rddreg [dreg:$0x0];
	s2 =	stileid.u32  }
0x157: {  	s1 =	rddreg [dreg:$0x1];
	p0 =	sne.s32 s2, $0x0  }
0x158: {  	s3 =	rddreg [dreg:$0x2];
	[bflag:$0x3] =	sbarrier.arrive $0xFFFF;
	s2 =	simm.s32 @!p0 $0x1C02  }
0x159: {  	[timem:s3], [sflag:s2] =	dma.local @!p0 [hbm:s0], s1  }
0x15a: {  	s0 =	simm.s32 @!p0 $0x2  }
0x15b: {  	_ =	swait.ge @!p0 [sflag:s0], s1  }
0x15c: {  	s1 =	ssub.s32 @!p0 $0x0, s1;
	[sflag:s0] =	ssyncset.done @!p0 $0x0  }
0x15d: {  	[sflag:s0] =	ssyncadd.s32 @!p0 s1  }
0x15e: {  	[bflag:$0x3] =	sbarrier.arrive $0xFFFF  }
0x15f: {  	_ =	shalt  }

</sc_bundles>
